<compile_context>
chip_gen: v7x
topology: tpu7x:2x2x1
jax: 0.10.2.dev20260603
libtpu: 0.0.44.dev20260713+nightly
codegen_flags: <defaults>
</compile_context>

<pallas_src>
import functools

import jax
import jax.numpy as jnp
import numpy as np
from jax import lax
from jax.experimental import pallas as pl
from jax.experimental.pallas import tpu as pltpu
from jax.experimental.pallas import tpu_sc as plsc

_NC = 2
_NS = 16
_NW = _NC * _NS
_K = 128


def _mesh():
    return plsc.VectorSubcoreMesh(
        core_axis_name="c", subcore_axis_name="s",
        num_cores=_NC, num_subcores=_NS)


def _pad_rows(n):
    rpt = -(-n // _NS)
    rpt = -(-rpt // 128) * 128
    return rpt, rpt * _NS


def _deg_call(dst, n):
    e = dst.shape[0]
    nchunks = e // _K
    assert nchunks * _K == e
    nfull, extra = divmod(nchunks, _NW)
    rpt, npad = _pad_rows(n)

    @functools.partial(
        pl.kernel,
        out_type=jax.ShapeDtypeStruct((_NC * npad,), jnp.float32),
        mesh=_mesh(),
        scratch_types=[
            pltpu.VMEM_SHARED((npad,), jnp.float32),
            [pltpu.VMEM((_K,), jnp.int32) for _ in range(2)],
            pltpu.VMEM((_K,), jnp.float32),
            pltpu.SemaphoreType.DMA,
        ],
    )
    def kern(dst_hbm, zvec_hbm, out_hbm, acc, didx, ones, sem):
        c = lax.axis_index("c")
        s = lax.axis_index("s")
        wid = s * _NC + c
        pltpu.sync_copy(zvec_hbm, acc.at[pl.ds(s * rpt, rpt)])
        for j in range(_K // 16):
            ones[pl.ds(j * 16, 16)] = jnp.ones((16,), jnp.float32)
        plsc.subcore_barrier()

        def step(i, b):
            @pl.when(i >= 2)
            def _():
                pltpu.make_async_copy(ones, acc.at[didx[b]], sem).wait()
            pltpu.sync_copy(dst_hbm.at[pl.ds((wid + i * _NW) * _K, _K)],
                            didx[b])
            pltpu.async_copy(ones, acc.at[didx[b]], sem, add=True)

        def body(j, carry):
            step(2 * j, 0)
            step(2 * j + 1, 1)
            return carry

        assert nfull % 2 == 0
        lax.fori_loop(0, nfull // 2, body, 0)
        for b in range(2):
            pltpu.make_async_copy(ones, acc.at[didx[b]], sem).wait()
        if extra:
            @pl.when(wid < extra)
            def _():
                pltpu.sync_copy(
                    dst_hbm.at[pl.ds((wid + nfull * _NW) * _K, _K)], didx[0])
                pltpu.sync_copy(ones, acc.at[didx[0]], add=True)
        plsc.subcore_barrier()
        pltpu.sync_copy(acc.at[pl.ds(s * rpt, rpt)],
                        out_hbm.at[pl.ds(c * npad + s * rpt, rpt)])

    zvec = jnp.zeros((rpt,), jnp.float32)
    return kern(dst, zvec).reshape(_NC, npad)


def _scatter_call(table, src, dst, n):
    e = src.shape[0]
    d = table.shape[1]
    assert d == 128
    nchunks = e // _K
    assert nchunks * _K == e
    nfull, extra = divmod(nchunks, _NW)
    assert nfull % 3 == 0
    rpt = -(-(-(-n // _NS)) // 8) * 8
    npad = rpt * _NS

    @functools.partial(
        pl.kernel,
        out_type=jax.ShapeDtypeStruct((_NC, npad, d), jnp.float32),
        mesh=_mesh(),
        scratch_types=[
            pltpu.VMEM_SHARED((npad, d), jnp.float32),
            [pltpu.VMEM((_K,), jnp.int32) for _ in range(3)],
            [pltpu.VMEM((_K,), jnp.int32) for _ in range(3)],
            [pltpu.VMEM((_K, d), jnp.float32) for _ in range(3)],
            pltpu.SemaphoreType.DMA,
            pltpu.SemaphoreType.DMA,
        ],
    )
    def kern(tab_hbm, src_hbm, dst_hbm, zrows_hbm, out_hbm,
             acc, sidx, didx, rows, sem, ssem):
        c = lax.axis_index("c")
        s = lax.axis_index("s")
        wid = s * _NC + c

        def stage(i, b):
            g = (wid + i * _NW) * _K
            pltpu.sync_copy(src_hbm.at[pl.ds(g, _K)], sidx[b])
            pltpu.sync_copy(dst_hbm.at[pl.ds(g, _K)], didx[b])
            pltpu.async_copy(tab_hbm.at[sidx[b]], rows[b], sem)

        stage(0, 0)
        stage(1, 1)
        pltpu.sync_copy(zrows_hbm, acc.at[pl.ds(s * rpt, rpt)])
        plsc.subcore_barrier()

        def step(i, b, b2):
            @pl.when(i + 2 < nfull)
            def _():
                @pl.when(i >= 1)
                def _():
                    pltpu.make_async_copy(rows[b2], acc.at[didx[b2]],
                                          ssem).wait()
                stage(i + 2, b2)
            pltpu.make_async_copy(tab_hbm.at[sidx[b]], rows[b], sem).wait()
            pltpu.async_copy(rows[b], acc.at[didx[b]], ssem, add=True)

        def body(j, carry):
            step(3 * j, 0, 2)
            step(3 * j + 1, 1, 0)
            step(3 * j + 2, 2, 1)
            return carry

        lax.fori_loop(0, nfull // 3, body, 0)
        for b in range(3):
            pltpu.make_async_copy(rows[b], acc.at[didx[b]], ssem).wait()
        if extra:
            @pl.when(wid < extra)
            def _():
                stage(nfull, 0)
                pltpu.make_async_copy(tab_hbm.at[sidx[0]], rows[0],
                                      sem).wait()
                pltpu.sync_copy(rows[0], acc.at[didx[0]], add=True)
        plsc.subcore_barrier()
        pltpu.sync_copy(acc.at[pl.ds(s * rpt, rpt)],
                        out_hbm.at[c, pl.ds(s * rpt, rpt)])

    zrows = jnp.zeros((rpt, d), jnp.float32)
    return kern(table, src, dst, zrows)


_BN = 1000


def _dinv_of(degt_blk):
    deg = degt_blk[:, 0:1] + degt_blk[:, 1:2] + 1.0
    return lax.rsqrt(deg)


def _tc1_body(x_ref, w_ref, b_ref, degt_ref, g_ref, u_ref):
    dinv = _dinv_of(degt_ref[...])
    t = jnp.dot(x_ref[...], w_ref[...], preferred_element_type=jnp.float32)
    g_ref[...] = dinv * t
    u_ref[...] = (dinv * dinv) * t + b_ref[...]


def _tc2_body(m_ref, u_ref, w_ref, b_ref, degt_ref, g_ref, u2_ref):
    dinv = _dinv_of(degt_ref[...])
    h1 = jnp.maximum(dinv * (m_ref[0] + m_ref[1]) + u_ref[...], 0.0)
    h2 = np.float32(0.9) * h1 + np.float32(0.1)
    t = jnp.dot(h2, w_ref[...], preferred_element_type=jnp.float32)
    dout = t.shape[1]
    gpad = jnp.concatenate(
        [dinv * t, jnp.zeros((t.shape[0], 128 - dout), jnp.float32)], axis=1)
    g_ref[...] = gpad
    u2_ref[...] = (dinv * dinv) * t + b_ref[...]


def _tc3_body(m_ref, u_ref, degt_ref, o_ref):
    dinv = _dinv_of(degt_ref[...])
    dout = u_ref.shape[1]
    msum = (m_ref[0] + m_ref[1])[:, :dout]
    pre = dinv * msum + u_ref[...]
    v = pre - jnp.max(pre, axis=1, keepdims=True)
    o_ref[...] = v - jnp.log(jnp.sum(jnp.exp(v), axis=1, keepdims=True))


def _tc1(x, w1, b1, degt, n, din, dh):
    grid = (n // _BN,)
    return pl.pallas_call(
        _tc1_body,
        grid=grid,
        in_specs=[
            pl.BlockSpec((_BN, din), lambda i: (i, 0)),
            pl.BlockSpec((din, dh), lambda i: (0, 0)),
            pl.BlockSpec((1, dh), lambda i: (0, 0)),
            pl.BlockSpec((_BN, 2), lambda i: (i, 0)),
        ],
        out_specs=[
            pl.BlockSpec((_BN, dh), lambda i: (i, 0)),
            pl.BlockSpec((_BN, dh), lambda i: (i, 0)),
        ],
        out_shape=[
            jax.ShapeDtypeStruct((n, dh), jnp.float32),
            jax.ShapeDtypeStruct((n, dh), jnp.float32),
        ],
    )(x, w1, b1.reshape(1, dh), degt)


def _tc2(m1, u1, w2, b2, degt, n, dh, dout):
    grid = (n // _BN,)
    return pl.pallas_call(
        _tc2_body,
        grid=grid,
        in_specs=[
            pl.BlockSpec((_NC, _BN, dh), lambda i: (0, i, 0)),
            pl.BlockSpec((_BN, dh), lambda i: (i, 0)),
            pl.BlockSpec((dh, dout), lambda i: (0, 0)),
            pl.BlockSpec((1, dout), lambda i: (0, 0)),
            pl.BlockSpec((_BN, 2), lambda i: (i, 0)),
        ],
        out_specs=[
            pl.BlockSpec((_BN, 128), lambda i: (i, 0)),
            pl.BlockSpec((_BN, dout), lambda i: (i, 0)),
        ],
        out_shape=[
            jax.ShapeDtypeStruct((n, 128), jnp.float32),
            jax.ShapeDtypeStruct((n, dout), jnp.float32),
        ],
    )(m1, u1, w2, b2.reshape(1, dout), degt)


def _tc3(m2, u2, degt, n, dout):
    grid = (n // _BN,)
    return pl.pallas_call(
        _tc3_body,
        grid=grid,
        in_specs=[
            pl.BlockSpec((_NC, _BN, 128), lambda i: (0, i, 0)),
            pl.BlockSpec((_BN, dout), lambda i: (i, 0)),
            pl.BlockSpec((_BN, 2), lambda i: (i, 0)),
        ],
        out_specs=pl.BlockSpec((_BN, dout), lambda i: (i, 0)),
        out_shape=jax.ShapeDtypeStruct((n, dout), jnp.float32),
    )(m2, u2, degt)


def kernel(x, edge_index, edge_weight, W1, b1, W2, b2):
    n, din = x.shape
    dh = W1.shape[1]
    dout = W2.shape[1]
    src_i = edge_index[0]
    dst_i = edge_index[1]

    deg_parts = _deg_call(dst_i, n)
    degt = jnp.transpose(deg_parts)

    g1, u1 = _tc1(x, W1, b1, degt, n, din, dh)
    m1 = _scatter_call(g1, src_i, dst_i, n)
    g2, u2 = _tc2(m1, u1, W2, b2, degt, n, dh, dout)
    m2 = _scatter_call(g2, src_i, dst_i, n)
    return _tc3(m2, u2, degt, n, dout)

# --- scband reference (transcript-rebuilt; emitter-appended) ---
"""Pipeline reference for scband-gcn-with-crf-59442347377127 (READ-ONLY COPY).

The authoritative reference and input builder live on the scoring server;
editing this copy changes nothing except your own understanding.
"""

import jax, jax.numpy as jnp
import numpy as np

N = 10000
E = 320000
D_IN = 128
D_H = 128
D_OUT = 40
ALPHA = 0.1
BETA = 1.0


def setup_inputs(seed: int = 0) -> dict:
    key = jax.random.key(seed)
    ks = jax.random.split(key, 6)
    x = jax.random.normal(ks[0], (N, D_IN), dtype=jnp.float32)
    edge_index = jax.random.randint(ks[1], (2, E), 0, N, dtype=jnp.int32)
    edge_weight = jax.random.uniform(ks[2], (E,), dtype=jnp.float32)
    W1 = jax.random.normal(ks[3], (D_IN, D_H), dtype=jnp.float32) * 0.05
    b1 = jnp.zeros((D_H,), dtype=jnp.float32)
    W2 = jax.random.normal(ks[4], (D_H, D_OUT), dtype=jnp.float32) * 0.05
    b2 = jnp.zeros((D_OUT,), dtype=jnp.float32)
    return {"x": x, "edge_index": edge_index, "edge_weight": edge_weight,
            "W1": W1, "b1": b1, "W2": W2, "b2": b2}


def gcn_conv(x, edge_index, W, b):
    # torch_geometric GCNConv: linear -> add self-loops -> sym-normalized scatter-add -> bias
    n = x.shape[0]
    loop = jnp.arange(n, dtype=edge_index.dtype)
    src = jnp.concatenate([edge_index[0], loop])
    dst = jnp.concatenate([edge_index[1], loop])
    h = x @ W
    deg = jnp.zeros((n,), dtype=h.dtype).at[dst].add(1.0)
    dinv = jnp.where(deg > 0, jax.lax.rsqrt(jnp.maximum(deg, 1e-12)), 0.0)
    norm = dinv[src] * dinv[dst]
    msg = h[src] * norm[:, None]
    out = jnp.zeros((n, W.shape[1]), dtype=h.dtype).at[dst].add(msg)
    return out + b


def crf_layer(x, edge_index, edge_weight):
    # faithful translation of the python loop: symmetric weighted scatter-add,
    # then pyg-style segment softmax with index = arange(N) (each node its own segment)
    n = x.shape[0]
    src = edge_index[0]
    dst = edge_index[1]
    w = BETA * edge_weight
    x_crf = jnp.zeros_like(x)
    x_crf = x_crf.at[src].add(w[:, None] * x[dst])
    x_crf = x_crf.at[dst].add(w[:, None] * x[src])
    idx = jnp.arange(n)
    smax = jax.ops.segment_max(x_crf, idx, num_segments=n)
    ex = jnp.exp(x_crf - smax[idx])
    ssum = jax.ops.segment_sum(ex, idx, num_segments=n)
    x_sm = ex / (ssum[idx] + 1e-16)
    return (1.0 - ALPHA) * x + ALPHA * x_sm


def reference(x, edge_index, edge_weight, W1, b1, W2, b2):
    h = jax.nn.relu(gcn_conv(x, edge_index, W1, b1))
    # dropout is identity in eval mode
    h = crf_layer(h, edge_index, edge_weight)
    h = gcn_conv(h, edge_index, W2, b2)
    return jax.nn.log_softmax(h, axis=1)

if __name__ == "__main__":
    import jax
    _d = setup_inputs()
    print(jax.jit(kernel)(*tuple(_d.values())))

</pallas_src>

<mosaic_0001>
#map = affine_map<(d0, d1) -> (0, 0)>
#map1 = affine_map<(d0, d1) -> (0)>
#map2 = affine_map<(d0, d1) -> (0, 0, 0)>
module attributes {stable_mosaic.version = 14 : i64} {
  func.func @kern(%arg0: i32, %arg1: i32, %arg2: memref<10000x128xf32, #tpu.memory_space<hbm>>, %arg3: memref<320000xi32, #tpu.memory_space<hbm>>, %arg4: memref<320000xi32, #tpu.memory_space<hbm>>, %arg5: memref<632x128xf32, #tpu.memory_space<hbm>>, %arg6: memref<2x10112x128xf32, #tpu.memory_space<hbm>>, %arg7: memref<10112x128xf32, #tpu.memory_space<vmem_shared>>, %arg8: memref<128xi32, #tpu.memory_space<vmem>>, %arg9: memref<128xi32, #tpu.memory_space<vmem>>, %arg10: memref<128xi32, #tpu.memory_space<vmem>>, %arg11: memref<128xi32, #tpu.memory_space<vmem>>, %arg12: memref<128xi32, #tpu.memory_space<vmem>>, %arg13: memref<128xi32, #tpu.memory_space<vmem>>, %arg14: memref<128x128xf32, #tpu.memory_space<vmem>>, %arg15: memref<128x128xf32, #tpu.memory_space<vmem>>, %arg16: memref<128x128xf32, #tpu.memory_space<vmem>>, %arg17: memref<!tpu.dma_semaphore, #tpu.memory_space<semaphore_mem>>, %arg18: memref<!tpu.dma_semaphore, #tpu.memory_space<semaphore_mem>>) attributes {dimension_semantics = [#tpu.dimension_semantics<core_parallel>, #tpu.dimension_semantics<subcore_parallel>], iteration_bounds = array<i64: 2, 16>, scalar_prefetch = 0 : i64, scratch_operands = 12 : i64, tpu.core_type = #tpu.core_type<sc_vector_subcore>, window_params = [{transform_indices = #map}, {transform_indices = #map1}, {transform_indices = #map1}, {transform_indices = #map}, {transform_indices = #map2}]} {
    %mul3A = arith.constant 2 : i32
    %mul3A_0 = arith.muli %arg1, %mul3A : i32
    %add3A = arith.addi %mul3A_0, %arg0 : i32
    %add3A_1 = arith.constant 0 : i32
    %add3A_2 = arith.addi %add3A, %add3A_1 : i32
    %mul3A_3 = arith.constant 128 : i32
    %mul3A_4 = arith.muli %add3A_2, %mul3A_3 : i32
    "tpu.region"() ({
      %run_scoped3A = tpu.sem_alloc : memref<!tpu.dma_semaphore, #tpu.memory_space<semaphore_mem>>
      %dma_start3A_36 = tpu.memref_slice %arg3[%mul3A_4] : memref<320000xi32, #tpu.memory_space<hbm>> -> memref<128xi32, #tpu.memory_space<hbm>>
      %dma_start3A_37 = tpu.memref_slice %arg3[%mul3A_4] : memref<320000xi32, #tpu.memory_space<hbm>> -> memref<128xi32, #tpu.memory_space<hbm>>
      tpu.enqueue_dma source(%dma_start3A_37 : memref<128xi32, #tpu.memory_space<hbm>>) target(%arg8 : memref<128xi32, #tpu.memory_space<vmem>>) target_semaphore(%run_scoped3A : memref<!tpu.dma_semaphore, #tpu.memory_space<semaphore_mem>>)
      %dma_wait3A_38 = tpu.memref_slice %arg3[%mul3A_4] : memref<320000xi32, #tpu.memory_space<hbm>> -> memref<128xi32, #tpu.memory_space<hbm>>
      %dma_wait3A_39 = tpu.memref_slice %arg3[%mul3A_4] : memref<320000xi32, #tpu.memory_space<hbm>> -> memref<128xi32, #tpu.memory_space<hbm>>
      tpu.wait_dma2 semaphore(%run_scoped3A : memref<!tpu.dma_semaphore, #tpu.memory_space<semaphore_mem>>) src(%dma_wait3A_39 : memref<128xi32, #tpu.memory_space<hbm>>) dst(%arg8 : memref<128xi32, #tpu.memory_space<vmem>>)
      tpu.yield
    }) : () -> ()
    "tpu.region"() ({
      %run_scoped3A = tpu.sem_alloc : memref<!tpu.dma_semaphore, #tpu.memory_space<semaphore_mem>>
      %dma_start3A_36 = tpu.memref_slice %arg4[%mul3A_4] : memref<320000xi32, #tpu.memory_space<hbm>> -> memref<128xi32, #tpu.memory_space<hbm>>
      %dma_start3A_37 = tpu.memref_slice %arg4[%mul3A_4] : memref<320000xi32, #tpu.memory_space<hbm>> -> memref<128xi32, #tpu.memory_space<hbm>>
      tpu.enqueue_dma source(%dma_start3A_37 : memref<128xi32, #tpu.memory_space<hbm>>) target(%arg11 : memref<128xi32, #tpu.memory_space<vmem>>) target_semaphore(%run_scoped3A : memref<!tpu.dma_semaphore, #tpu.memory_space<semaphore_mem>>)
      %dma_wait3A_38 = tpu.memref_slice %arg4[%mul3A_4] : memref<320000xi32, #tpu.memory_space<hbm>> -> memref<128xi32, #tpu.memory_space<hbm>>
      %dma_wait3A_39 = tpu.memref_slice %arg4[%mul3A_4] : memref<320000xi32, #tpu.memory_space<hbm>> -> memref<128xi32, #tpu.memory_space<hbm>>
      tpu.wait_dma2 semaphore(%run_scoped3A : memref<!tpu.dma_semaphore, #tpu.memory_space<semaphore_mem>>) src(%dma_wait3A_39 : memref<128xi32, #tpu.memory_space<hbm>>) dst(%arg11 : memref<128xi32, #tpu.memory_space<vmem>>)
      tpu.yield
    }) : () -> ()
    %dma_start3A = arith.constant 0 : i32
    %dma_start3A_5 = arith.constant 0 : i32
    %dma_start3A_6 = tpu.memref_slice %arg2[%dma_start3A, %dma_start3A_5] : memref<10000x128xf32, #tpu.memory_space<hbm>> -> memref<10000x128xf32, #tpu.memory_space<hbm>>
    tpu.enqueue_indirect_dma source(%dma_start3A_6 : memref<10000x128xf32, #tpu.memory_space<hbm>>) target(%arg14 : memref<128x128xf32, #tpu.memory_space<vmem>>) offsets(%arg8 : memref<128xi32, #tpu.memory_space<vmem>>) semaphore(%arg17 : memref<!tpu.dma_semaphore, #tpu.memory_space<semaphore_mem>>)
    %add3A_7 = arith.constant 32 : i32
    %add3A_8 = arith.addi %add3A, %add3A_7 : i32
    %mul3A_9 = arith.constant 128 : i32
    %mul3A_10 = arith.muli %add3A_8, %mul3A_9 : i32
    "tpu.region"() ({
      %run_scoped3A = tpu.sem_alloc : memref<!tpu.dma_semaphore, #tpu.memory_space<semaphore_mem>>
      %dma_start3A_36 = tpu.memref_slice %arg3[%mul3A_10] : memref<320000xi32, #tpu.memory_space<hbm>> -> memref<128xi32, #tpu.memory_space<hbm>>
      %dma_start3A_37 = tpu.memref_slice %arg3[%mul3A_10] : memref<320000xi32, #tpu.memory_space<hbm>> -> memref<128xi32, #tpu.memory_space<hbm>>
      tpu.enqueue_dma source(%dma_start3A_37 : memref<128xi32, #tpu.memory_space<hbm>>) target(%arg9 : memref<128xi32, #tpu.memory_space<vmem>>) target_semaphore(%run_scoped3A : memref<!tpu.dma_semaphore, #tpu.memory_space<semaphore_mem>>)
      %dma_wait3A_38 = tpu.memref_slice %arg3[%mul3A_10] : memref<320000xi32, #tpu.memory_space<hbm>> -> memref<128xi32, #tpu.memory_space<hbm>>
      %dma_wait3A_39 = tpu.memref_slice %arg3[%mul3A_10] : memref<320000xi32, #tpu.memory_space<hbm>> -> memref<128xi32, #tpu.memory_space<hbm>>
      tpu.wait_dma2 semaphore(%run_scoped3A : memref<!tpu.dma_semaphore, #tpu.memory_space<semaphore_mem>>) src(%dma_wait3A_39 : memref<128xi32, #tpu.memory_space<hbm>>) dst(%arg9 : memref<128xi32, #tpu.memory_space<vmem>>)
      tpu.yield
    }) : () -> ()
    "tpu.region"() ({
      %run_scoped3A = tpu.sem_alloc : memref<!tpu.dma_semaphore, #tpu.memory_space<semaphore_mem>>
      %dma_start3A_36 = tpu.memref_slice %arg4[%mul3A_10] : memref<320000xi32, #tpu.memory_space<hbm>> -> memref<128xi32, #tpu.memory_space<hbm>>
      %dma_start3A_37 = tpu.memref_slice %arg4[%mul3A_10] : memref<320000xi32, #tpu.memory_space<hbm>> -> memref<128xi32, #tpu.memory_space<hbm>>
      tpu.enqueue_dma source(%dma_start3A_37 : memref<128xi32, #tpu.memory_space<hbm>>) target(%arg12 : memref<128xi32, #tpu.memory_space<vmem>>) target_semaphore(%run_scoped3A : memref<!tpu.dma_semaphore, #tpu.memory_space<semaphore_mem>>)
      %dma_wait3A_38 = tpu.memref_slice %arg4[%mul3A_10] : memref<320000xi32, #tpu.memory_space<hbm>> -> memref<128xi32, #tpu.memory_space<hbm>>
      %dma_wait3A_39 = tpu.memref_slice %arg4[%mul3A_10] : memref<320000xi32, #tpu.memory_space<hbm>> -> memref<128xi32, #tpu.memory_space<hbm>>
      tpu.wait_dma2 semaphore(%run_scoped3A : memref<!tpu.dma_semaphore, #tpu.memory_space<semaphore_mem>>) src(%dma_wait3A_39 : memref<128xi32, #tpu.memory_space<hbm>>) dst(%arg12 : memref<128xi32, #tpu.memory_space<vmem>>)
      tpu.yield
    }) : () -> ()
    %dma_start3A_11 = arith.constant 0 : i32
    %dma_start3A_12 = arith.constant 0 : i32
    %dma_start3A_13 = tpu.memref_slice %arg2[%dma_start3A_11, %dma_start3A_12] : memref<10000x128xf32, #tpu.memory_space<hbm>> -> memref<10000x128xf32, #tpu.memory_space<hbm>>
    tpu.enqueue_indirect_dma source(%dma_start3A_13 : memref<10000x128xf32, #tpu.memory_space<hbm>>) target(%arg15 : memref<128x128xf32, #tpu.memory_space<vmem>>) offsets(%arg9 : memref<128xi32, #tpu.memory_space<vmem>>) semaphore(%arg17 : memref<!tpu.dma_semaphore, #tpu.memory_space<semaphore_mem>>)
    %mul3A_14 = arith.constant 632 : i32
    %mul3A_15 = arith.muli %arg1, %mul3A_14 : i32
    "tpu.region"() ({
      %run_scoped3A = tpu.sem_alloc : memref<!tpu.dma_semaphore, #tpu.memory_space<semaphore_mem>>
      %dma_start3A_36 = arith.constant 0 : i32
      %dma_start3A_37 = tpu.memref_slice %arg7[%mul3A_15, %dma_start3A_36] : memref<10112x128xf32, #tpu.memory_space<vmem_shared>> -> memref<632x128xf32, #tpu.memory_space<vmem_shared>>
      tpu.enqueue_dma source(%arg5 : memref<632x128xf32, #tpu.memory_space<hbm>>) target(%dma_start3A_37 : memref<632x128xf32, #tpu.memory_space<vmem_shared>>) target_semaphore(%run_scoped3A : memref<!tpu.dma_semaphore, #tpu.memory_space<semaphore_mem>>)
      %dma_wait3A_38 = arith.constant 0 : i32
      %dma_wait3A_39 = tpu.memref_slice %arg7[%mul3A_15, %dma_wait3A_38] : memref<10112x128xf32, #tpu.memory_space<vmem_shared>> -> memref<632x128xf32, #tpu.memory_space<vmem_shared>>
      tpu.wait_dma2 semaphore(%run_scoped3A : memref<!tpu.dma_semaphore, #tpu.memory_space<semaphore_mem>>) src(%arg5 : memref<632x128xf32, #tpu.memory_space<hbm>>) dst(%dma_wait3A_39 : memref<632x128xf32, #tpu.memory_space<vmem_shared>>)
      tpu.yield
    }) : () -> ()
    %barrier3A = arith.constant 0 : index
    tpu.barrier barrier_id(%barrier3A)
    %scan3A = arith.constant 0 : i32
    %scan3A_16 = arith.constant 0 : i32
    %scan3A_17 = arith.constant 26 : i32
    %scan3A_18 = arith.addi %scan3A_16, %scan3A_17 : i32
    %scan3A_19 = arith.constant 1 : i32
    scf.for %scan3A_36 = %scan3A_16 to %scan3A_18 step %scan3A_19  : i32 {
      %mul3A_37 = arith.constant 3 : i32
      %mul3A_38 = arith.muli %mul3A_37, %scan3A_36 : i32
      %add3A_39 = arith.constant 2 : i32
      %add3A_40 = arith.addi %mul3A_38, %add3A_39 : i32
      %lt3A_41 = arith.constant 78 : i32
      %lt3A_42 = arith.cmpi slt, %add3A_40, %lt3A_41 : i32
      %convert_element_type3A_43 = arith.extui %lt3A_42 : i1 to i32
      %cond3A_44 = arith.constant 0 : i32
      %cond3A_45 = arith.cmpi ne, %convert_element_type3A_43, %cond3A_44 : i32
      scf.if %cond3A_45 {
        %ge3A = arith.constant 1 : i32
        %ge3A_86 = arith.cmpi sge, %mul3A_38, %ge3A : i32
        %convert_element_type3A_87 = arith.extui %ge3A_86 : i1 to i32
        %cond3A_88 = arith.constant 0 : i32
        %cond3A_89 = arith.cmpi ne, %convert_element_type3A_87, %cond3A_88 : i32
        scf.if %cond3A_89 {
          %dma_wait3A_100 = arith.constant 0 : i32
          %dma_wait3A_101 = arith.constant 0 : i32
          %dma_wait3A_102 = tpu.memref_slice %arg7[%dma_wait3A_100, %dma_wait3A_101] : memref<10112x128xf32, #tpu.memory_space<vmem_shared>> -> memref<10112x128xf32, #tpu.memory_space<vmem_shared>>
          tpu.wait_indirect_dma semaphore(%arg18 : memref<!tpu.dma_semaphore, #tpu.memory_space<semaphore_mem>>) src(%arg16 : memref<128x128xf32, #tpu.memory_space<vmem>>) dst(%dma_wait3A_102 : memref<10112x128xf32, #tpu.memory_space<vmem_shared>>)
        } else {
        }
        %add3A_90 = arith.constant 2 : i32
        %add3A_91 = arith.addi %mul3A_38, %add3A_90 : i32
        %mul3A_92 = arith.constant 32 : i32
        %mul3A_93 = arith.muli %add3A_91, %mul3A_92 : i32
        %add3A_94 = arith.addi %add3A, %mul3A_93 : i32
        %mul3A_95 = arith.constant 128 : i32
        %mul3A_96 = arith.muli %add3A_94, %mul3A_95 : i32
        "tpu.region"() ({
          %run_scoped3A = tpu.sem_alloc : memref<!tpu.dma_semaphore, #tpu.memory_space<semaphore_mem>>
          %dma_start3A_100 = tpu.memref_slice %arg3[%mul3A_96] : memref<320000xi32, #tpu.memory_space<hbm>> -> memref<128xi32, #tpu.memory_space<hbm>>
          %dma_start3A_101 = tpu.memref_slice %arg3[%mul3A_96] : memref<320000xi32, #tpu.memory_space<hbm>> -> memref<128xi32, #tpu.memory_space<hbm>>
          tpu.enqueue_dma source(%dma_start3A_101 : memref<128xi32, #tpu.memory_space<hbm>>) target(%arg10 : memref<128xi32, #tpu.memory_space<vmem>>) target_semaphore(%run_scoped3A : memref<!tpu.dma_semaphore, #tpu.memory_space<semaphore_mem>>)
          %dma_wait3A_102 = tpu.memref_slice %arg3[%mul3A_96] : memref<320000xi32, #tpu.memory_space<hbm>> -> memref<128xi32, #tpu.memory_space<hbm>>
          %dma_wait3A_103 = tpu.memref_slice %arg3[%mul3A_96] : memref<320000xi32, #tpu.memory_space<hbm>> -> memref<128xi32, #tpu.memory_space<hbm>>
          tpu.wait_dma2 semaphore(%run_scoped3A : memref<!tpu.dma_semaphore, #tpu.memory_space<semaphore_mem>>) src(%dma_wait3A_103 : memref<128xi32, #tpu.memory_space<hbm>>) dst(%arg10 : memref<128xi32, #tpu.memory_space<vmem>>)
          tpu.yield
        }) : () -> ()
        "tpu.region"() ({
          %run_scoped3A = tpu.sem_alloc : memref<!tpu.dma_semaphore, #tpu.memory_space<semaphore_mem>>
          %dma_start3A_100 = tpu.memref_slice %arg4[%mul3A_96] : memref<320000xi32, #tpu.memory_space<hbm>> -> memref<128xi32, #tpu.memory_space<hbm>>
          %dma_start3A_101 = tpu.memref_slice %arg4[%mul3A_96] : memref<320000xi32, #tpu.memory_space<hbm>> -> memref<128xi32, #tpu.memory_space<hbm>>
          tpu.enqueue_dma source(%dma_start3A_101 : memref<128xi32, #tpu.memory_space<hbm>>) target(%arg13 : memref<128xi32, #tpu.memory_space<vmem>>) target_semaphore(%run_scoped3A : memref<!tpu.dma_semaphore, #tpu.memory_space<semaphore_mem>>)
          %dma_wait3A_102 = tpu.memref_slice %arg4[%mul3A_96] : memref<320000xi32, #tpu.memory_space<hbm>> -> memref<128xi32, #tpu.memory_space<hbm>>
          %dma_wait3A_103 = tpu.memref_slice %arg4[%mul3A_96] : memref<320000xi32, #tpu.memory_space<hbm>> -> memref<128xi32, #tpu.memory_space<hbm>>
          tpu.wait_dma2 semaphore(%run_scoped3A : memref<!tpu.dma_semaphore, #tpu.memory_space<semaphore_mem>>) src(%dma_wait3A_103 : memref<128xi32, #tpu.memory_space<hbm>>) dst(%arg13 : memref<128xi32, #tpu.memory_space<vmem>>)
          tpu.yield
        }) : () -> ()
        %dma_start3A_97 = arith.constant 0 : i32
        %dma_start3A_98 = arith.constant 0 : i32
        %dma_start3A_99 = tpu.memref_slice %arg2[%dma_start3A_97, %dma_start3A_98] : memref<10000x128xf32, #tpu.memory_space<hbm>> -> memref<10000x128xf32, #tpu.memory_space<hbm>>
        tpu.enqueue_indirect_dma source(%dma_start3A_99 : memref<10000x128xf32, #tpu.memory_space<hbm>>) target(%arg16 : memref<128x128xf32, #tpu.memory_space<vmem>>) offsets(%arg10 : memref<128xi32, #tpu.memory_space<vmem>>) semaphore(%arg17 : memref<!tpu.dma_semaphore, #tpu.memory_space<semaphore_mem>>)
      } else {
      }
      %dma_wait3A_46 = arith.constant 0 : i32
      %dma_wait3A_47 = arith.constant 0 : i32
      %dma_wait3A_48 = tpu.memref_slice %arg2[%dma_wait3A_46, %dma_wait3A_47] : memref<10000x128xf32, #tpu.memory_space<hbm>> -> memref<10000x128xf32, #tpu.memory_space<hbm>>
      tpu.wait_indirect_dma semaphore(%arg17 : memref<!tpu.dma_semaphore, #tpu.memory_space<semaphore_mem>>) src(%dma_wait3A_48 : memref<10000x128xf32, #tpu.memory_space<hbm>>) dst(%arg14 : memref<128x128xf32, #tpu.memory_space<vmem>>)
      %dma_start3A_49 = arith.constant 0 : i32
      %dma_start3A_50 = arith.constant 0 : i32
      %dma_start3A_51 = tpu.memref_slice %arg7[%dma_start3A_49, %dma_start3A_50] : memref<10112x128xf32, #tpu.memory_space<vmem_shared>> -> memref<10112x128xf32, #tpu.memory_space<vmem_shared>>
      tpu.enqueue_indirect_dma source(%arg14 : memref<128x128xf32, #tpu.memory_space<vmem>>) target(%dma_start3A_51 : memref<10112x128xf32, #tpu.memory_space<vmem_shared>>) offsets(%arg11 : memref<128xi32, #tpu.memory_space<vmem>>) semaphore(%arg18 : memref<!tpu.dma_semaphore, #tpu.memory_space<semaphore_mem>>) {add = true}
      %mul3A_52 = arith.constant 3 : i32
      %mul3A_53 = arith.muli %mul3A_52, %scan3A_36 : i32
      %add3A_54 = arith.constant 1 : i32
      %add3A_55 = arith.addi %mul3A_53, %add3A_54 : i32
      %add3A_56 = arith.constant 2 : i32
      %add3A_57 = arith.addi %add3A_55, %add3A_56 : i32
      %lt3A_58 = arith.constant 78 : i32
      %lt3A_59 = arith.cmpi slt, %add3A_57, %lt3A_58 : i32
      %convert_element_type3A_60 = arith.extui %lt3A_59 : i1 to i32
      %cond3A_61 = arith.constant 0 : i32
      %cond3A_62 = arith.cmpi ne, %convert_element_type3A_60, %cond3A_61 : i32
      scf.if %cond3A_62 {
        %ge3A = arith.constant 1 : i32
        %ge3A_86 = arith.cmpi sge, %add3A_55, %ge3A : i32
        %convert_element_type3A_87 = arith.extui %ge3A_86 : i1 to i32
        %cond3A_88 = arith.constant 0 : i32
        %cond3A_89 = arith.cmpi ne, %convert_element_type3A_87, %cond3A_88 : i32
        scf.if %cond3A_89 {
          %dma_wait3A_100 = arith.constant 0 : i32
          %dma_wait3A_101 = arith.constant 0 : i32
          %dma_wait3A_102 = tpu.memref_slice %arg7[%dma_wait3A_100, %dma_wait3A_101] : memref<10112x128xf32, #tpu.memory_space<vmem_shared>> -> memref<10112x128xf32, #tpu.memory_space<vmem_shared>>
          tpu.wait_indirect_dma semaphore(%arg18 : memref<!tpu.dma_semaphore, #tpu.memory_space<semaphore_mem>>) src(%arg14 : memref<128x128xf32, #tpu.memory_space<vmem>>) dst(%dma_wait3A_102 : memref<10112x128xf32, #tpu.memory_space<vmem_shared>>)
        } else {
        }
        %add3A_90 = arith.constant 2 : i32
        %add3A_91 = arith.addi %add3A_55, %add3A_90 : i32
        %mul3A_92 = arith.constant 32 : i32
        %mul3A_93 = arith.muli %add3A_91, %mul3A_92 : i32
        %add3A_94 = arith.addi %add3A, %mul3A_93 : i32
        %mul3A_95 = arith.constant 128 : i32
        %mul3A_96 = arith.muli %add3A_94, %mul3A_95 : i32
        "tpu.region"() ({
          %run_scoped3A = tpu.sem_alloc : memref<!tpu.dma_semaphore, #tpu.memory_space<semaphore_mem>>
          %dma_start3A_100 = tpu.memref_slice %arg3[%mul3A_96] : memref<320000xi32, #tpu.memory_space<hbm>> -> memref<128xi32, #tpu.memory_space<hbm>>
          %dma_start3A_101 = tpu.memref_slice %arg3[%mul3A_96] : memref<320000xi32, #tpu.memory_space<hbm>> -> memref<128xi32, #tpu.memory_space<hbm>>
          tpu.enqueue_dma source(%dma_start3A_101 : memref<128xi32, #tpu.memory_space<hbm>>) target(%arg8 : memref<128xi32, #tpu.memory_space<vmem>>) target_semaphore(%run_scoped3A : memref<!tpu.dma_semaphore, #tpu.memory_space<semaphore_mem>>)
          %dma_wait3A_102 = tpu.memref_slice %arg3[%mul3A_96] : memref<320000xi32, #tpu.memory_space<hbm>> -> memref<128xi32, #tpu.memory_space<hbm>>
          %dma_wait3A_103 = tpu.memref_slice %arg3[%mul3A_96] : memref<320000xi32, #tpu.memory_space<hbm>> -> memref<128xi32, #tpu.memory_space<hbm>>
          tpu.wait_dma2 semaphore(%run_scoped3A : memref<!tpu.dma_semaphore, #tpu.memory_space<semaphore_mem>>) src(%dma_wait3A_103 : memref<128xi32, #tpu.memory_space<hbm>>) dst(%arg8 : memref<128xi32, #tpu.memory_space<vmem>>)
          tpu.yield
        }) : () -> ()
        "tpu.region"() ({
          %run_scoped3A = tpu.sem_alloc : memref<!tpu.dma_semaphore, #tpu.memory_space<semaphore_mem>>
          %dma_start3A_100 = tpu.memref_slice %arg4[%mul3A_96] : memref<320000xi32, #tpu.memory_space<hbm>> -> memref<128xi32, #tpu.memory_space<hbm>>
          %dma_start3A_101 = tpu.memref_slice %arg4[%mul3A_96] : memref<320000xi32, #tpu.memory_space<hbm>> -> memref<128xi32, #tpu.memory_space<hbm>>
          tpu.enqueue_dma source(%dma_start3A_101 : memref<128xi32, #tpu.memory_space<hbm>>) target(%arg11 : memref<128xi32, #tpu.memory_space<vmem>>) target_semaphore(%run_scoped3A : memref<!tpu.dma_semaphore, #tpu.memory_space<semaphore_mem>>)
          %dma_wait3A_102 = tpu.memref_slice %arg4[%mul3A_96] : memref<320000xi32, #tpu.memory_space<hbm>> -> memref<128xi32, #tpu.memory_space<hbm>>
          %dma_wait3A_103 = tpu.memref_slice %arg4[%mul3A_96] : memref<320000xi32, #tpu.memory_space<hbm>> -> memref<128xi32, #tpu.memory_space<hbm>>
          tpu.wait_dma2 semaphore(%run_scoped3A : memref<!tpu.dma_semaphore, #tpu.memory_space<semaphore_mem>>) src(%dma_wait3A_103 : memref<128xi32, #tpu.memory_space<hbm>>) dst(%arg11 : memref<128xi32, #tpu.memory_space<vmem>>)
          tpu.yield
        }) : () -> ()
        %dma_start3A_97 = arith.constant 0 : i32
        %dma_start3A_98 = arith.constant 0 : i32
        %dma_start3A_99 = tpu.memref_slice %arg2[%dma_start3A_97, %dma_start3A_98] : memref<10000x128xf32, #tpu.memory_space<hbm>> -> memref<10000x128xf32, #tpu.memory_space<hbm>>
        tpu.enqueue_indirect_dma source(%dma_start3A_99 : memref<10000x128xf32, #tpu.memory_space<hbm>>) target(%arg14 : memref<128x128xf32, #tpu.memory_space<vmem>>) offsets(%arg8 : memref<128xi32, #tpu.memory_space<vmem>>) semaphore(%arg17 : memref<!tpu.dma_semaphore, #tpu.memory_space<semaphore_mem>>)
      } else {
      }
      %dma_wait3A_63 = arith.constant 0 : i32
      %dma_wait3A_64 = arith.constant 0 : i32
      %dma_wait3A_65 = tpu.memref_slice %arg2[%dma_wait3A_63, %dma_wait3A_64] : memref<10000x128xf32, #tpu.memory_space<hbm>> -> memref<10000x128xf32, #tpu.memory_space<hbm>>
      tpu.wait_indirect_dma semaphore(%arg17 : memref<!tpu.dma_semaphore, #tpu.memory_space<semaphore_mem>>) src(%dma_wait3A_65 : memref<10000x128xf32, #tpu.memory_space<hbm>>) dst(%arg15 : memref<128x128xf32, #tpu.memory_space<vmem>>)
      %dma_start3A_66 = arith.constant 0 : i32
      %dma_start3A_67 = arith.constant 0 : i32
      %dma_start3A_68 = tpu.memref_slice %arg7[%dma_start3A_66, %dma_start3A_67] : memref<10112x128xf32, #tpu.memory_space<vmem_shared>> -> memref<10112x128xf32, #tpu.memory_space<vmem_shared>>
      tpu.enqueue_indirect_dma source(%arg15 : memref<128x128xf32, #tpu.memory_space<vmem>>) target(%dma_start3A_68 : memref<10112x128xf32, #tpu.memory_space<vmem_shared>>) offsets(%arg12 : memref<128xi32, #tpu.memory_space<vmem>>) semaphore(%arg18 : memref<!tpu.dma_semaphore, #tpu.memory_space<semaphore_mem>>) {add = true}
      %mul3A_69 = arith.constant 3 : i32
      %mul3A_70 = arith.muli %mul3A_69, %scan3A_36 : i32
      %add3A_71 = arith.constant 2 : i32
      %add3A_72 = arith.addi %mul3A_70, %add3A_71 : i32
      %add3A_73 = arith.constant 2 : i32
      %add3A_74 = arith.addi %add3A_72, %add3A_73 : i32
      %lt3A_75 = arith.constant 78 : i32
      %lt3A_76 = arith.cmpi slt, %add3A_74, %lt3A_75 : i32
      %convert_element_type3A_77 = arith.extui %lt3A_76 : i1 to i32
      %cond3A_78 = arith.constant 0 : i32
      %cond3A_79 = arith.cmpi ne, %convert_element_type3A_77, %cond3A_78 : i32
      scf.if %cond3A_79 {
        %ge3A = arith.constant 1 : i32
        %ge3A_86 = arith.cmpi sge, %add3A_72, %ge3A : i32
        %convert_element_type3A_87 = arith.extui %ge3A_86 : i1 to i32
        %cond3A_88 = arith.constant 0 : i32
        %cond3A_89 = arith.cmpi ne, %convert_element_type3A_87, %cond3A_88 : i32
        scf.if %cond3A_89 {
          %dma_wait3A_100 = arith.constant 0 : i32
          %dma_wait3A_101 = arith.constant 0 : i32
          %dma_wait3A_102 = tpu.memref_slice %arg7[%dma_wait3A_100, %dma_wait3A_101] : memref<10112x128xf32, #tpu.memory_space<vmem_shared>> -> memref<10112x128xf32, #tpu.memory_space<vmem_shared>>
          tpu.wait_indirect_dma semaphore(%arg18 : memref<!tpu.dma_semaphore, #tpu.memory_space<semaphore_mem>>) src(%arg15 : memref<128x128xf32, #tpu.memory_space<vmem>>) dst(%dma_wait3A_102 : memref<10112x128xf32, #tpu.memory_space<vmem_shared>>)
        } else {
        }
        %add3A_90 = arith.constant 2 : i32
        %add3A_91 = arith.addi %add3A_72, %add3A_90 : i32
        %mul3A_92 = arith.constant 32 : i32
        %mul3A_93 = arith.muli %add3A_91, %mul3A_92 : i32
        %add3A_94 = arith.addi %add3A, %mul3A_93 : i32
        %mul3A_95 = arith.constant 128 : i32
        %mul3A_96 = arith.muli %add3A_94, %mul3A_95 : i32
        "tpu.region"() ({
          %run_scoped3A = tpu.sem_alloc : memref<!tpu.dma_semaphore, #tpu.memory_space<semaphore_mem>>
          %dma_start3A_100 = tpu.memref_slice %arg3[%mul3A_96] : memref<320000xi32, #tpu.memory_space<hbm>> -> memref<128xi32, #tpu.memory_space<hbm>>
          %dma_start3A_101 = tpu.memref_slice %arg3[%mul3A_96] : memref<320000xi32, #tpu.memory_space<hbm>> -> memref<128xi32, #tpu.memory_space<hbm>>
          tpu.enqueue_dma source(%dma_start3A_101 : memref<128xi32, #tpu.memory_space<hbm>>) target(%arg9 : memref<128xi32, #tpu.memory_space<vmem>>) target_semaphore(%run_scoped3A : memref<!tpu.dma_semaphore, #tpu.memory_space<semaphore_mem>>)
          %dma_wait3A_102 = tpu.memref_slice %arg3[%mul3A_96] : memref<320000xi32, #tpu.memory_space<hbm>> -> memref<128xi32, #tpu.memory_space<hbm>>
          %dma_wait3A_103 = tpu.memref_slice %arg3[%mul3A_96] : memref<320000xi32, #tpu.memory_space<hbm>> -> memref<128xi32, #tpu.memory_space<hbm>>
          tpu.wait_dma2 semaphore(%run_scoped3A : memref<!tpu.dma_semaphore, #tpu.memory_space<semaphore_mem>>) src(%dma_wait3A_103 : memref<128xi32, #tpu.memory_space<hbm>>) dst(%arg9 : memref<128xi32, #tpu.memory_space<vmem>>)
          tpu.yield
        }) : () -> ()
        "tpu.region"() ({
          %run_scoped3A = tpu.sem_alloc : memref<!tpu.dma_semaphore, #tpu.memory_space<semaphore_mem>>
          %dma_start3A_100 = tpu.memref_slice %arg4[%mul3A_96] : memref<320000xi32, #tpu.memory_space<hbm>> -> memref<128xi32, #tpu.memory_space<hbm>>
          %dma_start3A_101 = tpu.memref_slice %arg4[%mul3A_96] : memref<320000xi32, #tpu.memory_space<hbm>> -> memref<128xi32, #tpu.memory_space<hbm>>
          tpu.enqueue_dma source(%dma_start3A_101 : memref<128xi32, #tpu.memory_space<hbm>>) target(%arg12 : memref<128xi32, #tpu.memory_space<vmem>>) target_semaphore(%run_scoped3A : memref<!tpu.dma_semaphore, #tpu.memory_space<semaphore_mem>>)
          %dma_wait3A_102 = tpu.memref_slice %arg4[%mul3A_96] : memref<320000xi32, #tpu.memory_space<hbm>> -> memref<128xi32, #tpu.memory_space<hbm>>
          %dma_wait3A_103 = tpu.memref_slice %arg4[%mul3A_96] : memref<320000xi32, #tpu.memory_space<hbm>> -> memref<128xi32, #tpu.memory_space<hbm>>
          tpu.wait_dma2 semaphore(%run_scoped3A : memref<!tpu.dma_semaphore, #tpu.memory_space<semaphore_mem>>) src(%dma_wait3A_103 : memref<128xi32, #tpu.memory_space<hbm>>) dst(%arg12 : memref<128xi32, #tpu.memory_space<vmem>>)
          tpu.yield
        }) : () -> ()
        %dma_start3A_97 = arith.constant 0 : i32
        %dma_start3A_98 = arith.constant 0 : i32
        %dma_start3A_99 = tpu.memref_slice %arg2[%dma_start3A_97, %dma_start3A_98] : memref<10000x128xf32, #tpu.memory_space<hbm>> -> memref<10000x128xf32, #tpu.memory_space<hbm>>
        tpu.enqueue_indirect_dma source(%dma_start3A_99 : memref<10000x128xf32, #tpu.memory_space<hbm>>) target(%arg15 : memref<128x128xf32, #tpu.memory_space<vmem>>) offsets(%arg9 : memref<128xi32, #tpu.memory_space<vmem>>) semaphore(%arg17 : memref<!tpu.dma_semaphore, #tpu.memory_space<semaphore_mem>>)
      } else {
      }
      %dma_wait3A_80 = arith.constant 0 : i32
      %dma_wait3A_81 = arith.constant 0 : i32
      %dma_wait3A_82 = tpu.memref_slice %arg2[%dma_wait3A_80, %dma_wait3A_81] : memref<10000x128xf32, #tpu.memory_space<hbm>> -> memref<10000x128xf32, #tpu.memory_space<hbm>>
      tpu.wait_indirect_dma semaphore(%arg17 : memref<!tpu.dma_semaphore, #tpu.memory_space<semaphore_mem>>) src(%dma_wait3A_82 : memref<10000x128xf32, #tpu.memory_space<hbm>>) dst(%arg16 : memref<128x128xf32, #tpu.memory_space<vmem>>)
      %dma_start3A_83 = arith.constant 0 : i32
      %dma_start3A_84 = arith.constant 0 : i32
      %dma_start3A_85 = tpu.memref_slice %arg7[%dma_start3A_83, %dma_start3A_84] : memref<10112x128xf32, #tpu.memory_space<vmem_shared>> -> memref<10112x128xf32, #tpu.memory_space<vmem_shared>>
      tpu.enqueue_indirect_dma source(%arg16 : memref<128x128xf32, #tpu.memory_space<vmem>>) target(%dma_start3A_85 : memref<10112x128xf32, #tpu.memory_space<vmem_shared>>) offsets(%arg13 : memref<128xi32, #tpu.memory_space<vmem>>) semaphore(%arg18 : memref<!tpu.dma_semaphore, #tpu.memory_space<semaphore_mem>>) {add = true}
    }
    %scan3A_20 = arith.constant 26 : i32
    %dma_wait3A = arith.constant 0 : i32
    %dma_wait3A_21 = arith.constant 0 : i32
    %dma_wait3A_22 = tpu.memref_slice %arg7[%dma_wait3A, %dma_wait3A_21] : memref<10112x128xf32, #tpu.memory_space<vmem_shared>> -> memref<10112x128xf32, #tpu.memory_space<vmem_shared>>
    tpu.wait_indirect_dma semaphore(%arg18 : memref<!tpu.dma_semaphore, #tpu.memory_space<semaphore_mem>>) src(%arg14 : memref<128x128xf32, #tpu.memory_space<vmem>>) dst(%dma_wait3A_22 : memref<10112x128xf32, #tpu.memory_space<vmem_shared>>)
    %dma_wait3A_23 = arith.constant 0 : i32
    %dma_wait3A_24 = arith.constant 0 : i32
    %dma_wait3A_25 = tpu.memref_slice %arg7[%dma_wait3A_23, %dma_wait3A_24] : memref<10112x128xf32, #tpu.memory_space<vmem_shared>> -> memref<10112x128xf32, #tpu.memory_space<vmem_shared>>
    tpu.wait_indirect_dma semaphore(%arg18 : memref<!tpu.dma_semaphore, #tpu.memory_space<semaphore_mem>>) src(%arg15 : memref<128x128xf32, #tpu.memory_space<vmem>>) dst(%dma_wait3A_25 : memref<10112x128xf32, #tpu.memory_space<vmem_shared>>)
    %dma_wait3A_26 = arith.constant 0 : i32
    %dma_wait3A_27 = arith.constant 0 : i32
    %dma_wait3A_28 = tpu.memref_slice %arg7[%dma_wait3A_26, %dma_wait3A_27] : memref<10112x128xf32, #tpu.memory_space<vmem_shared>> -> memref<10112x128xf32, #tpu.memory_space<vmem_shared>>
    tpu.wait_indirect_dma semaphore(%arg18 : memref<!tpu.dma_semaphore, #tpu.memory_space<semaphore_mem>>) src(%arg16 : memref<128x128xf32, #tpu.memory_space<vmem>>) dst(%dma_wait3A_28 : memref<10112x128xf32, #tpu.memory_space<vmem_shared>>)
    %lt3A = arith.constant 4 : i32
    %lt3A_29 = arith.cmpi slt, %add3A, %lt3A : i32
    %convert_element_type3A = arith.extui %lt3A_29 : i1 to i32
    %cond3A = arith.constant 0 : i32
    %cond3A_30 = arith.cmpi ne, %convert_element_type3A, %cond3A : i32
    scf.if %cond3A_30 {
      %add3A_36 = arith.constant 2496 : i32
      %add3A_37 = arith.addi %add3A, %add3A_36 : i32
      %mul3A_38 = arith.constant 128 : i32
      %mul3A_39 = arith.muli %add3A_37, %mul3A_38 : i32
      "tpu.region"() ({
        %run_scoped3A = tpu.sem_alloc : memref<!tpu.dma_semaphore, #tpu.memory_space<semaphore_mem>>
        %dma_start3A_46 = tpu.memref_slice %arg3[%mul3A_39] : memref<320000xi32, #tpu.memory_space<hbm>> -> memref<128xi32, #tpu.memory_space<hbm>>
        %dma_start3A_47 = tpu.memref_slice %arg3[%mul3A_39] : memref<320000xi32, #tpu.memory_space<hbm>> -> memref<128xi32, #tpu.memory_space<hbm>>
        tpu.enqueue_dma source(%dma_start3A_47 : memref<128xi32, #tpu.memory_space<hbm>>) target(%arg8 : memref<128xi32, #tpu.memory_space<vmem>>) target_semaphore(%run_scoped3A : memref<!tpu.dma_semaphore, #tpu.memory_space<semaphore_mem>>)
        %dma_wait3A_48 = tpu.memref_slice %arg3[%mul3A_39] : memref<320000xi32, #tpu.memory_space<hbm>> -> memref<128xi32, #tpu.memory_space<hbm>>
        %dma_wait3A_49 = tpu.memref_slice %arg3[%mul3A_39] : memref<320000xi32, #tpu.memory_space<hbm>> -> memref<128xi32, #tpu.memory_space<hbm>>
        tpu.wait_dma2 semaphore(%run_scoped3A : memref<!tpu.dma_semaphore, #tpu.memory_space<semaphore_mem>>) src(%dma_wait3A_49 : memref<128xi32, #tpu.memory_space<hbm>>) dst(%arg8 : memref<128xi32, #tpu.memory_space<vmem>>)
        tpu.yield
      }) : () -> ()
      "tpu.region"() ({
        %run_scoped3A = tpu.sem_alloc : memref<!tpu.dma_semaphore, #tpu.memory_space<semaphore_mem>>
        %dma_start3A_46 = tpu.memref_slice %arg4[%mul3A_39] : memref<320000xi32, #tpu.memory_space<hbm>> -> memref<128xi32, #tpu.memory_space<hbm>>
        %dma_start3A_47 = tpu.memref_slice %arg4[%mul3A_39] : memref<320000xi32, #tpu.memory_space<hbm>> -> memref<128xi32, #tpu.memory_space<hbm>>
        tpu.enqueue_dma source(%dma_start3A_47 : memref<128xi32, #tpu.memory_space<hbm>>) target(%arg11 : memref<128xi32, #tpu.memory_space<vmem>>) target_semaphore(%run_scoped3A : memref<!tpu.dma_semaphore, #tpu.memory_space<semaphore_mem>>)
        %dma_wait3A_48 = tpu.memref_slice %arg4[%mul3A_39] : memref<320000xi32, #tpu.memory_space<hbm>> -> memref<128xi32, #tpu.memory_space<hbm>>
        %dma_wait3A_49 = tpu.memref_slice %arg4[%mul3A_39] : memref<320000xi32, #tpu.memory_space<hbm>> -> memref<128xi32, #tpu.memory_space<hbm>>
        tpu.wait_dma2 semaphore(%run_scoped3A : memref<!tpu.dma_semaphore, #tpu.memory_space<semaphore_mem>>) src(%dma_wait3A_49 : memref<128xi32, #tpu.memory_space<hbm>>) dst(%arg11 : memref<128xi32, #tpu.memory_space<vmem>>)
        tpu.yield
      }) : () -> ()
      %dma_start3A_40 = arith.constant 0 : i32
      %dma_start3A_41 = arith.constant 0 : i32
      %dma_start3A_42 = tpu.memref_slice %arg2[%dma_start3A_40, %dma_start3A_41] : memref<10000x128xf32, #tpu.memory_space<hbm>> -> memref<10000x128xf32, #tpu.memory_space<hbm>>
      tpu.enqueue_indirect_dma source(%dma_start3A_42 : memref<10000x128xf32, #tpu.memory_space<hbm>>) target(%arg14 : memref<128x128xf32, #tpu.memory_space<vmem>>) offsets(%arg8 : memref<128xi32, #tpu.memory_space<vmem>>) semaphore(%arg17 : memref<!tpu.dma_semaphore, #tpu.memory_space<semaphore_mem>>)
      %dma_wait3A_43 = arith.constant 0 : i32
      %dma_wait3A_44 = arith.constant 0 : i32
      %dma_wait3A_45 = tpu.memref_slice %arg2[%dma_wait3A_43, %dma_wait3A_44] : memref<10000x128xf32, #tpu.memory_space<hbm>> -> memref<10000x128xf32, #tpu.memory_space<hbm>>
      tpu.wait_indirect_dma semaphore(%arg17 : memref<!tpu.dma_semaphore, #tpu.memory_space<semaphore_mem>>) src(%dma_wait3A_45 : memref<10000x128xf32, #tpu.memory_space<hbm>>) dst(%arg14 : memref<128x128xf32, #tpu.memory_space<vmem>>)
      "tpu.region"() ({
        %run_scoped3A = tpu.sem_alloc : memref<!tpu.dma_semaphore, #tpu.memory_space<semaphore_mem>>
        %dma_start3A_46 = arith.constant 0 : i32
        %dma_start3A_47 = arith.constant 0 : i32
        %dma_start3A_48 = tpu.memref_slice %arg7[%dma_start3A_46, %dma_start3A_47] : memref<10112x128xf32, #tpu.memory_space<vmem_shared>> -> memref<10112x128xf32, #tpu.memory_space<vmem_shared>>
        tpu.enqueue_indirect_dma source(%arg14 : memref<128x128xf32, #tpu.memory_space<vmem>>) target(%dma_start3A_48 : memref<10112x128xf32, #tpu.memory_space<vmem_shared>>) offsets(%arg11 : memref<128xi32, #tpu.memory_space<vmem>>) semaphore(%run_scoped3A : memref<!tpu.dma_semaphore, #tpu.memory_space<semaphore_mem>>) {add = true}
        %dma_wait3A_49 = arith.constant 0 : i32
        %dma_wait3A_50 = arith.constant 0 : i32
        %dma_wait3A_51 = tpu.memref_slice %arg7[%dma_wait3A_49, %dma_wait3A_50] : memref<10112x128xf32, #tpu.memory_space<vmem_shared>> -> memref<10112x128xf32, #tpu.memory_space<vmem_shared>>
        tpu.wait_indirect_dma semaphore(%run_scoped3A : memref<!tpu.dma_semaphore, #tpu.memory_space<semaphore_mem>>) src(%arg14 : memref<128x128xf32, #tpu.memory_space<vmem>>) dst(%dma_wait3A_51 : memref<10112x128xf32, #tpu.memory_space<vmem_shared>>)
        tpu.yield
      }) : () -> ()
    } else {
    }
    %barrier3A_31 = arith.constant 0 : index
    tpu.barrier barrier_id(%barrier3A_31)
    %mul3A_32 = arith.constant 632 : i32
    %mul3A_33 = arith.muli %arg1, %mul3A_32 : i32
    %mul3A_34 = arith.constant 632 : i32
    %mul3A_35 = arith.muli %arg1, %mul3A_34 : i32
    "tpu.region"() ({
      %run_scoped3A = tpu.sem_alloc : memref<!tpu.dma_semaphore, #tpu.memory_space<semaphore_mem>>
      %dma_start3A_36 = arith.constant 0 : i32
      %dma_start3A_37 = tpu.memref_slice %arg6[%arg0, %mul3A_35, %dma_start3A_36] : memref<2x10112x128xf32, #tpu.memory_space<hbm>> -> memref<1x632x128xf32, #tpu.memory_space<hbm>>
      %dma_start3A_38 = tpu.memref_squeeze %dma_start3A_37 : memref<1x632x128xf32, #tpu.memory_space<hbm>> -> memref<632x128xf32, #tpu.memory_space<hbm>>
      %dma_start3A_39 = arith.constant 0 : i32
      %dma_start3A_40 = tpu.memref_slice %arg7[%mul3A_33, %dma_start3A_39] : memref<10112x128xf32, #tpu.memory_space<vmem_shared>> -> memref<632x128xf32, #tpu.memory_space<vmem_shared>>
      tpu.enqueue_dma source(%dma_start3A_40 : memref<632x128xf32, #tpu.memory_space<vmem_shared>>) target(%dma_start3A_38 : memref<632x128xf32, #tpu.memory_space<hbm>>) target_semaphore(%run_scoped3A : memref<!tpu.dma_semaphore, #tpu.memory_space<semaphore_mem>>)
      %dma_wait3A_41 = arith.constant 0 : i32
      %dma_wait3A_42 = tpu.memref_slice %arg6[%arg0, %mul3A_35, %dma_wait3A_41] : memref<2x10112x128xf32, #tpu.memory_space<hbm>> -> memref<1x632x128xf32, #tpu.memory_space<hbm>>
      %dma_wait3A_43 = tpu.memref_squeeze %dma_wait3A_42 : memref<1x632x128xf32, #tpu.memory_space<hbm>> -> memref<632x128xf32, #tpu.memory_space<hbm>>
      %dma_wait3A_44 = arith.constant 0 : i32
      %dma_wait3A_45 = tpu.memref_slice %arg7[%mul3A_33, %dma_wait3A_44] : memref<10112x128xf32, #tpu.memory_space<vmem_shared>> -> memref<632x128xf32, #tpu.memory_space<vmem_shared>>
      tpu.wait_dma2 semaphore(%run_scoped3A : memref<!tpu.dma_semaphore, #tpu.memory_space<semaphore_mem>>) src(%dma_wait3A_45 : memref<632x128xf32, #tpu.memory_space<vmem_shared>>) dst(%dma_wait3A_43 : memref<632x128xf32, #tpu.memory_space<hbm>>)
      tpu.yield
    }) : () -> ()
    return
  }
}

#map = affine_map<(d0, d1) -> (0)>
module attributes {stable_mosaic.version = 14 : i64} {
  func.func @kern(%arg0: i32, %arg1: i32, %arg2: memref<320000xi32, #tpu.memory_space<hbm>>, %arg3: memref<640xf32, #tpu.memory_space<hbm>>, %arg4: memref<20480xf32, #tpu.memory_space<hbm>>, %arg5: memref<10240xf32, #tpu.memory_space<vmem_shared>>, %arg6: memref<128xi32, #tpu.memory_space<vmem>>, %arg7: memref<128xi32, #tpu.memory_space<vmem>>, %arg8: memref<128xf32, #tpu.memory_space<vmem>>, %arg9: memref<!tpu.dma_semaphore, #tpu.memory_space<semaphore_mem>>) attributes {dimension_semantics = [#tpu.dimension_semantics<core_parallel>, #tpu.dimension_semantics<subcore_parallel>], iteration_bounds = array<i64: 2, 16>, scalar_prefetch = 0 : i64, scratch_operands = 5 : i64, tpu.core_type = #tpu.core_type<sc_vector_subcore>, window_params = [{transform_indices = #map}, {transform_indices = #map}, {transform_indices = #map}]} {
    %mul3A = arith.constant 2 : i32
    %mul3A_0 = arith.muli %arg1, %mul3A : i32
    %add3A = arith.addi %mul3A_0, %arg0 : i32
    %mul3A_1 = arith.constant 640 : i32
    %mul3A_2 = arith.muli %arg1, %mul3A_1 : i32
    "tpu.region"() ({
      %run_scoped3A = tpu.sem_alloc : memref<!tpu.dma_semaphore, #tpu.memory_space<semaphore_mem>>
      %dma_start3A = tpu.memref_slice %arg5[%mul3A_2] : memref<10240xf32, #tpu.memory_space<vmem_shared>> -> memref<640xf32, #tpu.memory_space<vmem_shared>>
      tpu.enqueue_dma source(%arg3 : memref<640xf32, #tpu.memory_space<hbm>>) target(%dma_start3A : memref<640xf32, #tpu.memory_space<vmem_shared>>) target_semaphore(%run_scoped3A : memref<!tpu.dma_semaphore, #tpu.memory_space<semaphore_mem>>)
      %dma_wait3A_67 = tpu.memref_slice %arg5[%mul3A_2] : memref<10240xf32, #tpu.memory_space<vmem_shared>> -> memref<640xf32, #tpu.memory_space<vmem_shared>>
      tpu.wait_dma2 semaphore(%run_scoped3A : memref<!tpu.dma_semaphore, #tpu.memory_space<semaphore_mem>>) src(%arg3 : memref<640xf32, #tpu.memory_space<hbm>>) dst(%dma_wait3A_67 : memref<640xf32, #tpu.memory_space<vmem_shared>>)
      tpu.yield
    }) : () -> ()
    %broadcast_in_dim3A = arith.constant 1.000000e+00 : f32
    %broadcast_in_dim3A_3 = vector.broadcast %broadcast_in_dim3A : f32 to vector<16xf32>
    %swap3A = arith.constant 0 : index
    %swap3A_4 = tpu.vector_load %arg8[%swap3A] {strides = array<i32>} : memref<128xf32, #tpu.memory_space<vmem>>, vector<16xf32>,
    %swap3A_5 = vector.shape_cast %swap3A_4 : vector<16xf32> to vector<16xf32>
    %swap3A_6 = vector.shape_cast %broadcast_in_dim3A_3 : vector<16xf32> to vector<16xf32>
    tpu.vector_store %arg8[%swap3A], %swap3A_6 {strides = array<i32>} : memref<128xf32, #tpu.memory_space<vmem>>, vector<16xf32>,
    %broadcast_in_dim3A_7 = arith.constant 1.000000e+00 : f32
    %broadcast_in_dim3A_8 = vector.broadcast %broadcast_in_dim3A_7 : f32 to vector<16xf32>
    %swap3A_9 = arith.constant 16 : index
    %swap3A_10 = tpu.vector_load %arg8[%swap3A_9] {strides = array<i32>} : memref<128xf32, #tpu.memory_space<vmem>>, vector<16xf32>,
    %swap3A_11 = vector.shape_cast %swap3A_10 : vector<16xf32> to vector<16xf32>
    %swap3A_12 = vector.shape_cast %broadcast_in_dim3A_8 : vector<16xf32> to vector<16xf32>
    tpu.vector_store %arg8[%swap3A_9], %swap3A_12 {strides = array<i32>} : memref<128xf32, #tpu.memory_space<vmem>>, vector<16xf32>,
    %broadcast_in_dim3A_13 = arith.constant 1.000000e+00 : f32
    %broadcast_in_dim3A_14 = vector.broadcast %broadcast_in_dim3A_13 : f32 to vector<16xf32>
    %swap3A_15 = arith.constant 32 : index
    %swap3A_16 = tpu.vector_load %arg8[%swap3A_15] {strides = array<i32>} : memref<128xf32, #tpu.memory_space<vmem>>, vector<16xf32>,
    %swap3A_17 = vector.shape_cast %swap3A_16 : vector<16xf32> to vector<16xf32>
    %swap3A_18 = vector.shape_cast %broadcast_in_dim3A_14 : vector<16xf32> to vector<16xf32>
    tpu.vector_store %arg8[%swap3A_15], %swap3A_18 {strides = array<i32>} : memref<128xf32, #tpu.memory_space<vmem>>, vector<16xf32>,
    %broadcast_in_dim3A_19 = arith.constant 1.000000e+00 : f32
    %broadcast_in_dim3A_20 = vector.broadcast %broadcast_in_dim3A_19 : f32 to vector<16xf32>
    %swap3A_21 = arith.constant 48 : index
    %swap3A_22 = tpu.vector_load %arg8[%swap3A_21] {strides = array<i32>} : memref<128xf32, #tpu.memory_space<vmem>>, vector<16xf32>,
    %swap3A_23 = vector.shape_cast %swap3A_22 : vector<16xf32> to vector<16xf32>
    %swap3A_24 = vector.shape_cast %broadcast_in_dim3A_20 : vector<16xf32> to vector<16xf32>
    tpu.vector_store %arg8[%swap3A_21], %swap3A_24 {strides = array<i32>} : memref<128xf32, #tpu.memory_space<vmem>>, vector<16xf32>,
    %broadcast_in_dim3A_25 = arith.constant 1.000000e+00 : f32
    %broadcast_in_dim3A_26 = vector.broadcast %broadcast_in_dim3A_25 : f32 to vector<16xf32>
    %swap3A_27 = arith.constant 64 : index
    %swap3A_28 = tpu.vector_load %arg8[%swap3A_27] {strides = array<i32>} : memref<128xf32, #tpu.memory_space<vmem>>, vector<16xf32>,
    %swap3A_29 = vector.shape_cast %swap3A_28 : vector<16xf32> to vector<16xf32>
    %swap3A_30 = vector.shape_cast %broadcast_in_dim3A_26 : vector<16xf32> to vector<16xf32>
    tpu.vector_store %arg8[%swap3A_27], %swap3A_30 {strides = array<i32>} : memref<128xf32, #tpu.memory_space<vmem>>, vector<16xf32>,
    %broadcast_in_dim3A_31 = arith.constant 1.000000e+00 : f32
    %broadcast_in_dim3A_32 = vector.broadcast %broadcast_in_dim3A_31 : f32 to vector<16xf32>
    %swap3A_33 = arith.constant 80 : index
    %swap3A_34 = tpu.vector_load %arg8[%swap3A_33] {strides = array<i32>} : memref<128xf32, #tpu.memory_space<vmem>>, vector<16xf32>,
    %swap3A_35 = vector.shape_cast %swap3A_34 : vector<16xf32> to vector<16xf32>
    %swap3A_36 = vector.shape_cast %broadcast_in_dim3A_32 : vector<16xf32> to vector<16xf32>
    tpu.vector_store %arg8[%swap3A_33], %swap3A_36 {strides = array<i32>} : memref<128xf32, #tpu.memory_space<vmem>>, vector<16xf32>,
    %broadcast_in_dim3A_37 = arith.constant 1.000000e+00 : f32
    %broadcast_in_dim3A_38 = vector.broadcast %broadcast_in_dim3A_37 : f32 to vector<16xf32>
    %swap3A_39 = arith.constant 96 : index
    %swap3A_40 = tpu.vector_load %arg8[%swap3A_39] {strides = array<i32>} : memref<128xf32, #tpu.memory_space<vmem>>, vector<16xf32>,
    %swap3A_41 = vector.shape_cast %swap3A_40 : vector<16xf32> to vector<16xf32>
    %swap3A_42 = vector.shape_cast %broadcast_in_dim3A_38 : vector<16xf32> to vector<16xf32>
    tpu.vector_store %arg8[%swap3A_39], %swap3A_42 {strides = array<i32>} : memref<128xf32, #tpu.memory_space<vmem>>, vector<16xf32>,
    %broadcast_in_dim3A_43 = arith.constant 1.000000e+00 : f32
    %broadcast_in_dim3A_44 = vector.broadcast %broadcast_in_dim3A_43 : f32 to vector<16xf32>
    %swap3A_45 = arith.constant 112 : index
    %swap3A_46 = tpu.vector_load %arg8[%swap3A_45] {strides = array<i32>} : memref<128xf32, #tpu.memory_space<vmem>>, vector<16xf32>,
    %swap3A_47 = vector.shape_cast %swap3A_46 : vector<16xf32> to vector<16xf32>
    %swap3A_48 = vector.shape_cast %broadcast_in_dim3A_44 : vector<16xf32> to vector<16xf32>
    tpu.vector_store %arg8[%swap3A_45], %swap3A_48 {strides = array<i32>} : memref<128xf32, #tpu.memory_space<vmem>>, vector<16xf32>,
    %barrier3A = arith.constant 0 : index
    tpu.barrier barrier_id(%barrier3A)
    %scan3A = arith.constant 0 : i32
    %scan3A_49 = arith.constant 0 : i32
    %scan3A_50 = arith.constant 39 : i32
    %scan3A_51 = arith.addi %scan3A_49, %scan3A_50 : i32
    %scan3A_52 = arith.constant 1 : i32
    scf.for %scan3A_67 = %scan3A_49 to %scan3A_51 step %scan3A_52  : i32 {
      %mul3A_68 = arith.constant 2 : i32
      %mul3A_69 = arith.muli %mul3A_68, %scan3A_67 : i32
      %ge3A = arith.constant 2 : i32
      %ge3A_70 = arith.cmpi sge, %mul3A_69, %ge3A : i32
      %convert_element_type3A_71 = arith.extui %ge3A_70 : i1 to i32
      %cond3A_72 = arith.constant 0 : i32
      %cond3A_73 = arith.cmpi ne, %convert_element_type3A_71, %cond3A_72 : i32
      scf.if %cond3A_73 {
        %dma_wait3A_96 = arith.constant 0 : i32
        %dma_wait3A_97 = tpu.memref_slice %arg5[%dma_wait3A_96] : memref<10240xf32, #tpu.memory_space<vmem_shared>> -> memref<10240xf32, #tpu.memory_space<vmem_shared>>
        tpu.wait_indirect_dma semaphore(%arg9 : memref<!tpu.dma_semaphore, #tpu.memory_space<semaphore_mem>>) src(%arg8 : memref<128xf32, #tpu.memory_space<vmem>>) dst(%dma_wait3A_97 : memref<10240xf32, #tpu.memory_space<vmem_shared>>)
      } else {
      }
      %mul3A_74 = arith.constant 32 : i32
      %mul3A_75 = arith.muli %mul3A_69, %mul3A_74 : i32
      %add3A_76 = arith.addi %add3A, %mul3A_75 : i32
      %mul3A_77 = arith.constant 128 : i32
      %mul3A_78 = arith.muli %add3A_76, %mul3A_77 : i32
      "tpu.region"() ({
        %run_scoped3A = tpu.sem_alloc : memref<!tpu.dma_semaphore, #tpu.memory_space<semaphore_mem>>
        %dma_start3A_96 = tpu.memref_slice %arg2[%mul3A_78] : memref<320000xi32, #tpu.memory_space<hbm>> -> memref<128xi32, #tpu.memory_space<hbm>>
        %dma_start3A_97 = tpu.memref_slice %arg2[%mul3A_78] : memref<320000xi32, #tpu.memory_space<hbm>> -> memref<128xi32, #tpu.memory_space<hbm>>
        tpu.enqueue_dma source(%dma_start3A_97 : memref<128xi32, #tpu.memory_space<hbm>>) target(%arg6 : memref<128xi32, #tpu.memory_space<vmem>>) target_semaphore(%run_scoped3A : memref<!tpu.dma_semaphore, #tpu.memory_space<semaphore_mem>>)
        %dma_wait3A_98 = tpu.memref_slice %arg2[%mul3A_78] : memref<320000xi32, #tpu.memory_space<hbm>> -> memref<128xi32, #tpu.memory_space<hbm>>
        %dma_wait3A_99 = tpu.memref_slice %arg2[%mul3A_78] : memref<320000xi32, #tpu.memory_space<hbm>> -> memref<128xi32, #tpu.memory_space<hbm>>
        tpu.wait_dma2 semaphore(%run_scoped3A : memref<!tpu.dma_semaphore, #tpu.memory_space<semaphore_mem>>) src(%dma_wait3A_99 : memref<128xi32, #tpu.memory_space<hbm>>) dst(%arg6 : memref<128xi32, #tpu.memory_space<vmem>>)
        tpu.yield
      }) : () -> ()
      %dma_start3A = arith.constant 0 : i32
      %dma_start3A_79 = tpu.memref_slice %arg5[%dma_start3A] : memref<10240xf32, #tpu.memory_space<vmem_shared>> -> memref<10240xf32, #tpu.memory_space<vmem_shared>>
      tpu.enqueue_indirect_dma source(%arg8 : memref<128xf32, #tpu.memory_space<vmem>>) target(%dma_start3A_79 : memref<10240xf32, #tpu.memory_space<vmem_shared>>) offsets(%arg6 : memref<128xi32, #tpu.memory_space<vmem>>) semaphore(%arg9 : memref<!tpu.dma_semaphore, #tpu.memory_space<semaphore_mem>>) {add = true}
      %mul3A_80 = arith.constant 2 : i32
      %mul3A_81 = arith.muli %mul3A_80, %scan3A_67 : i32
      %add3A_82 = arith.constant 1 : i32
      %add3A_83 = arith.addi %mul3A_81, %add3A_82 : i32
      %ge3A_84 = arith.constant 2 : i32
      %ge3A_85 = arith.cmpi sge, %add3A_83, %ge3A_84 : i32
      %convert_element_type3A_86 = arith.extui %ge3A_85 : i1 to i32
      %cond3A_87 = arith.constant 0 : i32
      %cond3A_88 = arith.cmpi ne, %convert_element_type3A_86, %cond3A_87 : i32
      scf.if %cond3A_88 {
        %dma_wait3A_96 = arith.constant 0 : i32
        %dma_wait3A_97 = tpu.memref_slice %arg5[%dma_wait3A_96] : memref<10240xf32, #tpu.memory_space<vmem_shared>> -> memref<10240xf32, #tpu.memory_space<vmem_shared>>
        tpu.wait_indirect_dma semaphore(%arg9 : memref<!tpu.dma_semaphore, #tpu.memory_space<semaphore_mem>>) src(%arg8 : memref<128xf32, #tpu.memory_space<vmem>>) dst(%dma_wait3A_97 : memref<10240xf32, #tpu.memory_space<vmem_shared>>)
      } else {
      }
      %mul3A_89 = arith.constant 32 : i32
      %mul3A_90 = arith.muli %add3A_83, %mul3A_89 : i32
      %add3A_91 = arith.addi %add3A, %mul3A_90 : i32
      %mul3A_92 = arith.constant 128 : i32
      %mul3A_93 = arith.muli %add3A_91, %mul3A_92 : i32
      "tpu.region"() ({
        %run_scoped3A = tpu.sem_alloc : memref<!tpu.dma_semaphore, #tpu.memory_space<semaphore_mem>>
        %dma_start3A_96 = tpu.memref_slice %arg2[%mul3A_93] : memref<320000xi32, #tpu.memory_space<hbm>> -> memref<128xi32, #tpu.memory_space<hbm>>
        %dma_start3A_97 = tpu.memref_slice %arg2[%mul3A_93] : memref<320000xi32, #tpu.memory_space<hbm>> -> memref<128xi32, #tpu.memory_space<hbm>>
        tpu.enqueue_dma source(%dma_start3A_97 : memref<128xi32, #tpu.memory_space<hbm>>) target(%arg7 : memref<128xi32, #tpu.memory_space<vmem>>) target_semaphore(%run_scoped3A : memref<!tpu.dma_semaphore, #tpu.memory_space<semaphore_mem>>)
        %dma_wait3A_98 = tpu.memref_slice %arg2[%mul3A_93] : memref<320000xi32, #tpu.memory_space<hbm>> -> memref<128xi32, #tpu.memory_space<hbm>>
        %dma_wait3A_99 = tpu.memref_slice %arg2[%mul3A_93] : memref<320000xi32, #tpu.memory_space<hbm>> -> memref<128xi32, #tpu.memory_space<hbm>>
        tpu.wait_dma2 semaphore(%run_scoped3A : memref<!tpu.dma_semaphore, #tpu.memory_space<semaphore_mem>>) src(%dma_wait3A_99 : memref<128xi32, #tpu.memory_space<hbm>>) dst(%arg7 : memref<128xi32, #tpu.memory_space<vmem>>)
        tpu.yield
      }) : () -> ()
      %dma_start3A_94 = arith.constant 0 : i32
      %dma_start3A_95 = tpu.memref_slice %arg5[%dma_start3A_94] : memref<10240xf32, #tpu.memory_space<vmem_shared>> -> memref<10240xf32, #tpu.memory_space<vmem_shared>>
      tpu.enqueue_indirect_dma source(%arg8 : memref<128xf32, #tpu.memory_space<vmem>>) target(%dma_start3A_95 : memref<10240xf32, #tpu.memory_space<vmem_shared>>) offsets(%arg7 : memref<128xi32, #tpu.memory_space<vmem>>) semaphore(%arg9 : memref<!tpu.dma_semaphore, #tpu.memory_space<semaphore_mem>>) {add = true}
    }
    %scan3A_53 = arith.constant 39 : i32
    %dma_wait3A = arith.constant 0 : i32
    %dma_wait3A_54 = tpu.memref_slice %arg5[%dma_wait3A] : memref<10240xf32, #tpu.memory_space<vmem_shared>> -> memref<10240xf32, #tpu.memory_space<vmem_shared>>
    tpu.wait_indirect_dma semaphore(%arg9 : memref<!tpu.dma_semaphore, #tpu.memory_space<semaphore_mem>>) src(%arg8 : memref<128xf32, #tpu.memory_space<vmem>>) dst(%dma_wait3A_54 : memref<10240xf32, #tpu.memory_space<vmem_shared>>)
    %dma_wait3A_55 = arith.constant 0 : i32
    %dma_wait3A_56 = tpu.memref_slice %arg5[%dma_wait3A_55] : memref<10240xf32, #tpu.memory_space<vmem_shared>> -> memref<10240xf32, #tpu.memory_space<vmem_shared>>
    tpu.wait_indirect_dma semaphore(%arg9 : memref<!tpu.dma_semaphore, #tpu.memory_space<semaphore_mem>>) src(%arg8 : memref<128xf32, #tpu.memory_space<vmem>>) dst(%dma_wait3A_56 : memref<10240xf32, #tpu.memory_space<vmem_shared>>)
    %lt3A = arith.constant 4 : i32
    %lt3A_57 = arith.cmpi slt, %add3A, %lt3A : i32
    %convert_element_type3A = arith.extui %lt3A_57 : i1 to i32
    %cond3A = arith.constant 0 : i32
    %cond3A_58 = arith.cmpi ne, %convert_element_type3A, %cond3A : i32
    scf.if %cond3A_58 {
      %add3A_67 = arith.constant 2496 : i32
      %add3A_68 = arith.addi %add3A, %add3A_67 : i32
      %mul3A_69 = arith.constant 128 : i32
      %mul3A_70 = arith.muli %add3A_68, %mul3A_69 : i32
      "tpu.region"() ({
        %run_scoped3A = tpu.sem_alloc : memref<!tpu.dma_semaphore, #tpu.memory_space<semaphore_mem>>
        %dma_start3A = tpu.memref_slice %arg2[%mul3A_70] : memref<320000xi32, #tpu.memory_space<hbm>> -> memref<128xi32, #tpu.memory_space<hbm>>
        %dma_start3A_71 = tpu.memref_slice %arg2[%mul3A_70] : memref<320000xi32, #tpu.memory_space<hbm>> -> memref<128xi32, #tpu.memory_space<hbm>>
        tpu.enqueue_dma source(%dma_start3A_71 : memref<128xi32, #tpu.memory_space<hbm>>) target(%arg6 : memref<128xi32, #tpu.memory_space<vmem>>) target_semaphore(%run_scoped3A : memref<!tpu.dma_semaphore, #tpu.memory_space<semaphore_mem>>)
        %dma_wait3A_72 = tpu.memref_slice %arg2[%mul3A_70] : memref<320000xi32, #tpu.memory_space<hbm>> -> memref<128xi32, #tpu.memory_space<hbm>>
        %dma_wait3A_73 = tpu.memref_slice %arg2[%mul3A_70] : memref<320000xi32, #tpu.memory_space<hbm>> -> memref<128xi32, #tpu.memory_space<hbm>>
        tpu.wait_dma2 semaphore(%run_scoped3A : memref<!tpu.dma_semaphore, #tpu.memory_space<semaphore_mem>>) src(%dma_wait3A_73 : memref<128xi32, #tpu.memory_space<hbm>>) dst(%arg6 : memref<128xi32, #tpu.memory_space<vmem>>)
        tpu.yield
      }) : () -> ()
      "tpu.region"() ({
        %run_scoped3A = tpu.sem_alloc : memref<!tpu.dma_semaphore, #tpu.memory_space<semaphore_mem>>
        %dma_start3A = arith.constant 0 : i32
        %dma_start3A_71 = tpu.memref_slice %arg5[%dma_start3A] : memref<10240xf32, #tpu.memory_space<vmem_shared>> -> memref<10240xf32, #tpu.memory_space<vmem_shared>>
        tpu.enqueue_indirect_dma source(%arg8 : memref<128xf32, #tpu.memory_space<vmem>>) target(%dma_start3A_71 : memref<10240xf32, #tpu.memory_space<vmem_shared>>) offsets(%arg6 : memref<128xi32, #tpu.memory_space<vmem>>) semaphore(%run_scoped3A : memref<!tpu.dma_semaphore, #tpu.memory_space<semaphore_mem>>) {add = true}
        %dma_wait3A_72 = arith.constant 0 : i32
        %dma_wait3A_73 = tpu.memref_slice %arg5[%dma_wait3A_72] : memref<10240xf32, #tpu.memory_space<vmem_shared>> -> memref<10240xf32, #tpu.memory_space<vmem_shared>>
        tpu.wait_indirect_dma semaphore(%run_scoped3A : memref<!tpu.dma_semaphore, #tpu.memory_space<semaphore_mem>>) src(%arg8 : memref<128xf32, #tpu.memory_space<vmem>>) dst(%dma_wait3A_73 : memref<10240xf32, #tpu.memory_space<vmem_shared>>)
        tpu.yield
      }) : () -> ()
    } else {
    }
    %barrier3A_59 = arith.constant 0 : index
    tpu.barrier barrier_id(%barrier3A_59)
    %mul3A_60 = arith.constant 640 : i32
    %mul3A_61 = arith.muli %arg1, %mul3A_60 : i32
    %mul3A_62 = arith.constant 10240 : i32
    %mul3A_63 = arith.muli %arg0, %mul3A_62 : i32
    %mul3A_64 = arith.constant 640 : i32
    %mul3A_65 = arith.muli %arg1, %mul3A_64 : i32
    %add3A_66 = arith.addi %mul3A_63, %mul3A_65 : i32
    "tpu.region"() ({
      %run_scoped3A = tpu.sem_alloc : memref<!tpu.dma_semaphore, #tpu.memory_space<semaphore_mem>>
      %dma_start3A = tpu.memref_slice %arg4[%add3A_66] : memref<20480xf32, #tpu.memory_space<hbm>> -> memref<640xf32, #tpu.memory_space<hbm>>
      %dma_start3A_67 = tpu.memref_slice %arg5[%mul3A_61] : memref<10240xf32, #tpu.memory_space<vmem_shared>> -> memref<640xf32, #tpu.memory_space<vmem_shared>>
      tpu.enqueue_dma source(%dma_start3A_67 : memref<640xf32, #tpu.memory_space<vmem_shared>>) target(%dma_start3A : memref<640xf32, #tpu.memory_space<hbm>>) target_semaphore(%run_scoped3A : memref<!tpu.dma_semaphore, #tpu.memory_space<semaphore_mem>>)
      %dma_wait3A_68 = tpu.memref_slice %arg4[%add3A_66] : memref<20480xf32, #tpu.memory_space<hbm>> -> memref<640xf32, #tpu.memory_space<hbm>>
      %dma_wait3A_69 = tpu.memref_slice %arg5[%mul3A_61] : memref<10240xf32, #tpu.memory_space<vmem_shared>> -> memref<640xf32, #tpu.memory_space<vmem_shared>>
      tpu.wait_dma2 semaphore(%run_scoped3A : memref<!tpu.dma_semaphore, #tpu.memory_space<semaphore_mem>>) src(%dma_wait3A_69 : memref<640xf32, #tpu.memory_space<vmem_shared>>) dst(%dma_wait3A_68 : memref<640xf32, #tpu.memory_space<hbm>>)
      tpu.yield
    }) : () -> ()
    return
  }
}

#map = affine_map<(d0, d1) -> (0, 0)>
#map1 = affine_map<(d0, d1) -> (0)>
#map2 = affine_map<(d0, d1) -> (0, 0, 0)>
module attributes {stable_mosaic.version = 14 : i64} {
  func.func @kern(%arg0: i32, %arg1: i32, %arg2: memref<10000x128xf32, #tpu.memory_space<hbm>>, %arg3: memref<320000xi32, #tpu.memory_space<hbm>>, %arg4: memref<320000xi32, #tpu.memory_space<hbm>>, %arg5: memref<632x128xf32, #tpu.memory_space<hbm>>, %arg6: memref<2x10112x128xf32, #tpu.memory_space<hbm>>, %arg7: memref<10112x128xf32, #tpu.memory_space<vmem_shared>>, %arg8: memref<128xi32, #tpu.memory_space<vmem>>, %arg9: memref<128xi32, #tpu.memory_space<vmem>>, %arg10: memref<128xi32, #tpu.memory_space<vmem>>, %arg11: memref<128xi32, #tpu.memory_space<vmem>>, %arg12: memref<128xi32, #tpu.memory_space<vmem>>, %arg13: memref<128xi32, #tpu.memory_space<vmem>>, %arg14: memref<128x128xf32, #tpu.memory_space<vmem>>, %arg15: memref<128x128xf32, #tpu.memory_space<vmem>>, %arg16: memref<128x128xf32, #tpu.memory_space<vmem>>, %arg17: memref<!tpu.dma_semaphore, #tpu.memory_space<semaphore_mem>>, %arg18: memref<!tpu.dma_semaphore, #tpu.memory_space<semaphore_mem>>) attributes {dimension_semantics = [#tpu.dimension_semantics<core_parallel>, #tpu.dimension_semantics<subcore_parallel>], iteration_bounds = array<i64: 2, 16>, scalar_prefetch = 0 : i64, scratch_operands = 12 : i64, tpu.core_type = #tpu.core_type<sc_vector_subcore>, window_params = [{transform_indices = #map}, {transform_indices = #map1}, {transform_indices = #map1}, {transform_indices = #map}, {transform_indices = #map2}]} {
    %mul3A = arith.constant 2 : i32
    %mul3A_0 = arith.muli %arg1, %mul3A : i32
    %add3A = arith.addi %mul3A_0, %arg0 : i32
    %add3A_1 = arith.constant 0 : i32
    %add3A_2 = arith.addi %add3A, %add3A_1 : i32
    %mul3A_3 = arith.constant 128 : i32
    %mul3A_4 = arith.muli %add3A_2, %mul3A_3 : i32
    "tpu.region"() ({
      %run_scoped3A = tpu.sem_alloc : memref<!tpu.dma_semaphore, #tpu.memory_space<semaphore_mem>>
      %dma_start3A_36 = tpu.memref_slice %arg3[%mul3A_4] : memref<320000xi32, #tpu.memory_space<hbm>> -> memref<128xi32, #tpu.memory_space<hbm>>
      %dma_start3A_37 = tpu.memref_slice %arg3[%mul3A_4] : memref<320000xi32, #tpu.memory_space<hbm>> -> memref<128xi32, #tpu.memory_space<hbm>>
      tpu.enqueue_dma source(%dma_start3A_37 : memref<128xi32, #tpu.memory_space<hbm>>) target(%arg8 : memref<128xi32, #tpu.memory_space<vmem>>) target_semaphore(%run_scoped3A : memref<!tpu.dma_semaphore, #tpu.memory_space<semaphore_mem>>)
      %dma_wait3A_38 = tpu.memref_slice %arg3[%mul3A_4] : memref<320000xi32, #tpu.memory_space<hbm>> -> memref<128xi32, #tpu.memory_space<hbm>>
      %dma_wait3A_39 = tpu.memref_slice %arg3[%mul3A_4] : memref<320000xi32, #tpu.memory_space<hbm>> -> memref<128xi32, #tpu.memory_space<hbm>>
      tpu.wait_dma2 semaphore(%run_scoped3A : memref<!tpu.dma_semaphore, #tpu.memory_space<semaphore_mem>>) src(%dma_wait3A_39 : memref<128xi32, #tpu.memory_space<hbm>>) dst(%arg8 : memref<128xi32, #tpu.memory_space<vmem>>)
      tpu.yield
    }) : () -> ()
    "tpu.region"() ({
      %run_scoped3A = tpu.sem_alloc : memref<!tpu.dma_semaphore, #tpu.memory_space<semaphore_mem>>
      %dma_start3A_36 = tpu.memref_slice %arg4[%mul3A_4] : memref<320000xi32, #tpu.memory_space<hbm>> -> memref<128xi32, #tpu.memory_space<hbm>>
      %dma_start3A_37 = tpu.memref_slice %arg4[%mul3A_4] : memref<320000xi32, #tpu.memory_space<hbm>> -> memref<128xi32, #tpu.memory_space<hbm>>
      tpu.enqueue_dma source(%dma_start3A_37 : memref<128xi32, #tpu.memory_space<hbm>>) target(%arg11 : memref<128xi32, #tpu.memory_space<vmem>>) target_semaphore(%run_scoped3A : memref<!tpu.dma_semaphore, #tpu.memory_space<semaphore_mem>>)
      %dma_wait3A_38 = tpu.memref_slice %arg4[%mul3A_4] : memref<320000xi32, #tpu.memory_space<hbm>> -> memref<128xi32, #tpu.memory_space<hbm>>
      %dma_wait3A_39 = tpu.memref_slice %arg4[%mul3A_4] : memref<320000xi32, #tpu.memory_space<hbm>> -> memref<128xi32, #tpu.memory_space<hbm>>
      tpu.wait_dma2 semaphore(%run_scoped3A : memref<!tpu.dma_semaphore, #tpu.memory_space<semaphore_mem>>) src(%dma_wait3A_39 : memref<128xi32, #tpu.memory_space<hbm>>) dst(%arg11 : memref<128xi32, #tpu.memory_space<vmem>>)
      tpu.yield
    }) : () -> ()
    %dma_start3A = arith.constant 0 : i32
    %dma_start3A_5 = arith.constant 0 : i32
    %dma_start3A_6 = tpu.memref_slice %arg2[%dma_start3A, %dma_start3A_5] : memref<10000x128xf32, #tpu.memory_space<hbm>> -> memref<10000x128xf32, #tpu.memory_space<hbm>>
    tpu.enqueue_indirect_dma source(%dma_start3A_6 : memref<10000x128xf32, #tpu.memory_space<hbm>>) target(%arg14 : memref<128x128xf32, #tpu.memory_space<vmem>>) offsets(%arg8 : memref<128xi32, #tpu.memory_space<vmem>>) semaphore(%arg17 : memref<!tpu.dma_semaphore, #tpu.memory_space<semaphore_mem>>)
    %add3A_7 = arith.constant 32 : i32
    %add3A_8 = arith.addi %add3A, %add3A_7 : i32
    %mul3A_9 = arith.constant 128 : i32
    %mul3A_10 = arith.muli %add3A_8, %mul3A_9 : i32
    "tpu.region"() ({
      %run_scoped3A = tpu.sem_alloc : memref<!tpu.dma_semaphore, #tpu.memory_space<semaphore_mem>>
      %dma_start3A_36 = tpu.memref_slice %arg3[%mul3A_10] : memref<320000xi32, #tpu.memory_space<hbm>> -> memref<128xi32, #tpu.memory_space<hbm>>
      %dma_start3A_37 = tpu.memref_slice %arg3[%mul3A_10] : memref<320000xi32, #tpu.memory_space<hbm>> -> memref<128xi32, #tpu.memory_space<hbm>>
      tpu.enqueue_dma source(%dma_start3A_37 : memref<128xi32, #tpu.memory_space<hbm>>) target(%arg9 : memref<128xi32, #tpu.memory_space<vmem>>) target_semaphore(%run_scoped3A : memref<!tpu.dma_semaphore, #tpu.memory_space<semaphore_mem>>)
      %dma_wait3A_38 = tpu.memref_slice %arg3[%mul3A_10] : memref<320000xi32, #tpu.memory_space<hbm>> -> memref<128xi32, #tpu.memory_space<hbm>>
      %dma_wait3A_39 = tpu.memref_slice %arg3[%mul3A_10] : memref<320000xi32, #tpu.memory_space<hbm>> -> memref<128xi32, #tpu.memory_space<hbm>>
      tpu.wait_dma2 semaphore(%run_scoped3A : memref<!tpu.dma_semaphore, #tpu.memory_space<semaphore_mem>>) src(%dma_wait3A_39 : memref<128xi32, #tpu.memory_space<hbm>>) dst(%arg9 : memref<128xi32, #tpu.memory_space<vmem>>)
      tpu.yield
    }) : () -> ()
    "tpu.region"() ({
      %run_scoped3A = tpu.sem_alloc : memref<!tpu.dma_semaphore, #tpu.memory_space<semaphore_mem>>
      %dma_start3A_36 = tpu.memref_slice %arg4[%mul3A_10] : memref<320000xi32, #tpu.memory_space<hbm>> -> memref<128xi32, #tpu.memory_space<hbm>>
      %dma_start3A_37 = tpu.memref_slice %arg4[%mul3A_10] : memref<320000xi32, #tpu.memory_space<hbm>> -> memref<128xi32, #tpu.memory_space<hbm>>
      tpu.enqueue_dma source(%dma_start3A_37 : memref<128xi32, #tpu.memory_space<hbm>>) target(%arg12 : memref<128xi32, #tpu.memory_space<vmem>>) target_semaphore(%run_scoped3A : memref<!tpu.dma_semaphore, #tpu.memory_space<semaphore_mem>>)
      %dma_wait3A_38 = tpu.memref_slice %arg4[%mul3A_10] : memref<320000xi32, #tpu.memory_space<hbm>> -> memref<128xi32, #tpu.memory_space<hbm>>
      %dma_wait3A_39 = tpu.memref_slice %arg4[%mul3A_10] : memref<320000xi32, #tpu.memory_space<hbm>> -> memref<128xi32, #tpu.memory_space<hbm>>
      tpu.wait_dma2 semaphore(%run_scoped3A : memref<!tpu.dma_semaphore, #tpu.memory_space<semaphore_mem>>) src(%dma_wait3A_39 : memref<128xi32, #tpu.memory_space<hbm>>) dst(%arg12 : memref<128xi32, #tpu.memory_space<vmem>>)
      tpu.yield
    }) : () -> ()
    %dma_start3A_11 = arith.constant 0 : i32
    %dma_start3A_12 = arith.constant 0 : i32
    %dma_start3A_13 = tpu.memref_slice %arg2[%dma_start3A_11, %dma_start3A_12] : memref<10000x128xf32, #tpu.memory_space<hbm>> -> memref<10000x128xf32, #tpu.memory_space<hbm>>
    tpu.enqueue_indirect_dma source(%dma_start3A_13 : memref<10000x128xf32, #tpu.memory_space<hbm>>) target(%arg15 : memref<128x128xf32, #tpu.memory_space<vmem>>) offsets(%arg9 : memref<128xi32, #tpu.memory_space<vmem>>) semaphore(%arg17 : memref<!tpu.dma_semaphore, #tpu.memory_space<semaphore_mem>>)
    %mul3A_14 = arith.constant 632 : i32
    %mul3A_15 = arith.muli %arg1, %mul3A_14 : i32
    "tpu.region"() ({
      %run_scoped3A = tpu.sem_alloc : memref<!tpu.dma_semaphore, #tpu.memory_space<semaphore_mem>>
      %dma_start3A_36 = arith.constant 0 : i32
      %dma_start3A_37 = tpu.memref_slice %arg7[%mul3A_15, %dma_start3A_36] : memref<10112x128xf32, #tpu.memory_space<vmem_shared>> -> memref<632x128xf32, #tpu.memory_space<vmem_shared>>
      tpu.enqueue_dma source(%arg5 : memref<632x128xf32, #tpu.memory_space<hbm>>) target(%dma_start3A_37 : memref<632x128xf32, #tpu.memory_space<vmem_shared>>) target_semaphore(%run_scoped3A : memref<!tpu.dma_semaphore, #tpu.memory_space<semaphore_mem>>)
      %dma_wait3A_38 = arith.constant 0 : i32
      %dma_wait3A_39 = tpu.memref_slice %arg7[%mul3A_15, %dma_wait3A_38] : memref<10112x128xf32, #tpu.memory_space<vmem_shared>> -> memref<632x128xf32, #tpu.memory_space<vmem_shared>>
      tpu.wait_dma2 semaphore(%run_scoped3A : memref<!tpu.dma_semaphore, #tpu.memory_space<semaphore_mem>>) src(%arg5 : memref<632x128xf32, #tpu.memory_space<hbm>>) dst(%dma_wait3A_39 : memref<632x128xf32, #tpu.memory_space<vmem_shared>>)
      tpu.yield
    }) : () -> ()
    %barrier3A = arith.constant 0 : index
    tpu.barrier barrier_id(%barrier3A)
    %scan3A = arith.constant 0 : i32
    %scan3A_16 = arith.constant 0 : i32
    %scan3A_17 = arith.constant 26 : i32
    %scan3A_18 = arith.addi %scan3A_16, %scan3A_17 : i32
    %scan3A_19 = arith.constant 1 : i32
    scf.for %scan3A_36 = %scan3A_16 to %scan3A_18 step %scan3A_19  : i32 {
      %mul3A_37 = arith.constant 3 : i32
      %mul3A_38 = arith.muli %mul3A_37, %scan3A_36 : i32
      %add3A_39 = arith.constant 2 : i32
      %add3A_40 = arith.addi %mul3A_38, %add3A_39 : i32
      %lt3A_41 = arith.constant 78 : i32
      %lt3A_42 = arith.cmpi slt, %add3A_40, %lt3A_41 : i32
      %convert_element_type3A_43 = arith.extui %lt3A_42 : i1 to i32
      %cond3A_44 = arith.constant 0 : i32
      %cond3A_45 = arith.cmpi ne, %convert_element_type3A_43, %cond3A_44 : i32
      scf.if %cond3A_45 {
        %ge3A = arith.constant 1 : i32
        %ge3A_86 = arith.cmpi sge, %mul3A_38, %ge3A : i32
        %convert_element_type3A_87 = arith.extui %ge3A_86 : i1 to i32
        %cond3A_88 = arith.constant 0 : i32
        %cond3A_89 = arith.cmpi ne, %convert_element_type3A_87, %cond3A_88 : i32
        scf.if %cond3A_89 {
          %dma_wait3A_100 = arith.constant 0 : i32
          %dma_wait3A_101 = arith.constant 0 : i32
          %dma_wait3A_102 = tpu.memref_slice %arg7[%dma_wait3A_100, %dma_wait3A_101] : memref<10112x128xf32, #tpu.memory_space<vmem_shared>> -> memref<10112x128xf32, #tpu.memory_space<vmem_shared>>
          tpu.wait_indirect_dma semaphore(%arg18 : memref<!tpu.dma_semaphore, #tpu.memory_space<semaphore_mem>>) src(%arg16 : memref<128x128xf32, #tpu.memory_space<vmem>>) dst(%dma_wait3A_102 : memref<10112x128xf32, #tpu.memory_space<vmem_shared>>)
        } else {
        }
        %add3A_90 = arith.constant 2 : i32
        %add3A_91 = arith.addi %mul3A_38, %add3A_90 : i32
        %mul3A_92 = arith.constant 32 : i32
        %mul3A_93 = arith.muli %add3A_91, %mul3A_92 : i32
        %add3A_94 = arith.addi %add3A, %mul3A_93 : i32
        %mul3A_95 = arith.constant 128 : i32
        %mul3A_96 = arith.muli %add3A_94, %mul3A_95 : i32
        "tpu.region"() ({
          %run_scoped3A = tpu.sem_alloc : memref<!tpu.dma_semaphore, #tpu.memory_space<semaphore_mem>>
          %dma_start3A_100 = tpu.memref_slice %arg3[%mul3A_96] : memref<320000xi32, #tpu.memory_space<hbm>> -> memref<128xi32, #tpu.memory_space<hbm>>
          %dma_start3A_101 = tpu.memref_slice %arg3[%mul3A_96] : memref<320000xi32, #tpu.memory_space<hbm>> -> memref<128xi32, #tpu.memory_space<hbm>>
          tpu.enqueue_dma source(%dma_start3A_101 : memref<128xi32, #tpu.memory_space<hbm>>) target(%arg10 : memref<128xi32, #tpu.memory_space<vmem>>) target_semaphore(%run_scoped3A : memref<!tpu.dma_semaphore, #tpu.memory_space<semaphore_mem>>)
          %dma_wait3A_102 = tpu.memref_slice %arg3[%mul3A_96] : memref<320000xi32, #tpu.memory_space<hbm>> -> memref<128xi32, #tpu.memory_space<hbm>>
          %dma_wait3A_103 = tpu.memref_slice %arg3[%mul3A_96] : memref<320000xi32, #tpu.memory_space<hbm>> -> memref<128xi32, #tpu.memory_space<hbm>>
          tpu.wait_dma2 semaphore(%run_scoped3A : memref<!tpu.dma_semaphore, #tpu.memory_space<semaphore_mem>>) src(%dma_wait3A_103 : memref<128xi32, #tpu.memory_space<hbm>>) dst(%arg10 : memref<128xi32, #tpu.memory_space<vmem>>)
          tpu.yield
        }) : () -> ()
        "tpu.region"() ({
          %run_scoped3A = tpu.sem_alloc : memref<!tpu.dma_semaphore, #tpu.memory_space<semaphore_mem>>
          %dma_start3A_100 = tpu.memref_slice %arg4[%mul3A_96] : memref<320000xi32, #tpu.memory_space<hbm>> -> memref<128xi32, #tpu.memory_space<hbm>>
          %dma_start3A_101 = tpu.memref_slice %arg4[%mul3A_96] : memref<320000xi32, #tpu.memory_space<hbm>> -> memref<128xi32, #tpu.memory_space<hbm>>
          tpu.enqueue_dma source(%dma_start3A_101 : memref<128xi32, #tpu.memory_space<hbm>>) target(%arg13 : memref<128xi32, #tpu.memory_space<vmem>>) target_semaphore(%run_scoped3A : memref<!tpu.dma_semaphore, #tpu.memory_space<semaphore_mem>>)
          %dma_wait3A_102 = tpu.memref_slice %arg4[%mul3A_96] : memref<320000xi32, #tpu.memory_space<hbm>> -> memref<128xi32, #tpu.memory_space<hbm>>
          %dma_wait3A_103 = tpu.memref_slice %arg4[%mul3A_96] : memref<320000xi32, #tpu.memory_space<hbm>> -> memref<128xi32, #tpu.memory_space<hbm>>
          tpu.wait_dma2 semaphore(%run_scoped3A : memref<!tpu.dma_semaphore, #tpu.memory_space<semaphore_mem>>) src(%dma_wait3A_103 : memref<128xi32, #tpu.memory_space<hbm>>) dst(%arg13 : memref<128xi32, #tpu.memory_space<vmem>>)
          tpu.yield
        }) : () -> ()
        %dma_start3A_97 = arith.constant 0 : i32
        %dma_start3A_98 = arith.constant 0 : i32
        %dma_start3A_99 = tpu.memref_slice %arg2[%dma_start3A_97, %dma_start3A_98] : memref<10000x128xf32, #tpu.memory_space<hbm>> -> memref<10000x128xf32, #tpu.memory_space<hbm>>
        tpu.enqueue_indirect_dma source(%dma_start3A_99 : memref<10000x128xf32, #tpu.memory_space<hbm>>) target(%arg16 : memref<128x128xf32, #tpu.memory_space<vmem>>) offsets(%arg10 : memref<128xi32, #tpu.memory_space<vmem>>) semaphore(%arg17 : memref<!tpu.dma_semaphore, #tpu.memory_space<semaphore_mem>>)
      } else {
      }
      %dma_wait3A_46 = arith.constant 0 : i32
      %dma_wait3A_47 = arith.constant 0 : i32
      %dma_wait3A_48 = tpu.memref_slice %arg2[%dma_wait3A_46, %dma_wait3A_47] : memref<10000x128xf32, #tpu.memory_space<hbm>> -> memref<10000x128xf32, #tpu.memory_space<hbm>>
      tpu.wait_indirect_dma semaphore(%arg17 : memref<!tpu.dma_semaphore, #tpu.memory_space<semaphore_mem>>) src(%dma_wait3A_48 : memref<10000x128xf32, #tpu.memory_space<hbm>>) dst(%arg14 : memref<128x128xf32, #tpu.memory_space<vmem>>)
      %dma_start3A_49 = arith.constant 0 : i32
      %dma_start3A_50 = arith.constant 0 : i32
      %dma_start3A_51 = tpu.memref_slice %arg7[%dma_start3A_49, %dma_start3A_50] : memref<10112x128xf32, #tpu.memory_space<vmem_shared>> -> memref<10112x128xf32, #tpu.memory_space<vmem_shared>>
      tpu.enqueue_indirect_dma source(%arg14 : memref<128x128xf32, #tpu.memory_space<vmem>>) target(%dma_start3A_51 : memref<10112x128xf32, #tpu.memory_space<vmem_shared>>) offsets(%arg11 : memref<128xi32, #tpu.memory_space<vmem>>) semaphore(%arg18 : memref<!tpu.dma_semaphore, #tpu.memory_space<semaphore_mem>>) {add = true}
      %mul3A_52 = arith.constant 3 : i32
      %mul3A_53 = arith.muli %mul3A_52, %scan3A_36 : i32
      %add3A_54 = arith.constant 1 : i32
      %add3A_55 = arith.addi %mul3A_53, %add3A_54 : i32
      %add3A_56 = arith.constant 2 : i32
      %add3A_57 = arith.addi %add3A_55, %add3A_56 : i32
      %lt3A_58 = arith.constant 78 : i32
      %lt3A_59 = arith.cmpi slt, %add3A_57, %lt3A_58 : i32
      %convert_element_type3A_60 = arith.extui %lt3A_59 : i1 to i32
      %cond3A_61 = arith.constant 0 : i32
      %cond3A_62 = arith.cmpi ne, %convert_element_type3A_60, %cond3A_61 : i32
      scf.if %cond3A_62 {
        %ge3A = arith.constant 1 : i32
        %ge3A_86 = arith.cmpi sge, %add3A_55, %ge3A : i32
        %convert_element_type3A_87 = arith.extui %ge3A_86 : i1 to i32
        %cond3A_88 = arith.constant 0 : i32
        %cond3A_89 = arith.cmpi ne, %convert_element_type3A_87, %cond3A_88 : i32
        scf.if %cond3A_89 {
          %dma_wait3A_100 = arith.constant 0 : i32
          %dma_wait3A_101 = arith.constant 0 : i32
          %dma_wait3A_102 = tpu.memref_slice %arg7[%dma_wait3A_100, %dma_wait3A_101] : memref<10112x128xf32, #tpu.memory_space<vmem_shared>> -> memref<10112x128xf32, #tpu.memory_space<vmem_shared>>
          tpu.wait_indirect_dma semaphore(%arg18 : memref<!tpu.dma_semaphore, #tpu.memory_space<semaphore_mem>>) src(%arg14 : memref<128x128xf32, #tpu.memory_space<vmem>>) dst(%dma_wait3A_102 : memref<10112x128xf32, #tpu.memory_space<vmem_shared>>)
        } else {
        }
        %add3A_90 = arith.constant 2 : i32
        %add3A_91 = arith.addi %add3A_55, %add3A_90 : i32
        %mul3A_92 = arith.constant 32 : i32
        %mul3A_93 = arith.muli %add3A_91, %mul3A_92 : i32
        %add3A_94 = arith.addi %add3A, %mul3A_93 : i32
        %mul3A_95 = arith.constant 128 : i32
        %mul3A_96 = arith.muli %add3A_94, %mul3A_95 : i32
        "tpu.region"() ({
          %run_scoped3A = tpu.sem_alloc : memref<!tpu.dma_semaphore, #tpu.memory_space<semaphore_mem>>
          %dma_start3A_100 = tpu.memref_slice %arg3[%mul3A_96] : memref<320000xi32, #tpu.memory_space<hbm>> -> memref<128xi32, #tpu.memory_space<hbm>>
          %dma_start3A_101 = tpu.memref_slice %arg3[%mul3A_96] : memref<320000xi32, #tpu.memory_space<hbm>> -> memref<128xi32, #tpu.memory_space<hbm>>
          tpu.enqueue_dma source(%dma_start3A_101 : memref<128xi32, #tpu.memory_space<hbm>>) target(%arg8 : memref<128xi32, #tpu.memory_space<vmem>>) target_semaphore(%run_scoped3A : memref<!tpu.dma_semaphore, #tpu.memory_space<semaphore_mem>>)
          %dma_wait3A_102 = tpu.memref_slice %arg3[%mul3A_96] : memref<320000xi32, #tpu.memory_space<hbm>> -> memref<128xi32, #tpu.memory_space<hbm>>
          %dma_wait3A_103 = tpu.memref_slice %arg3[%mul3A_96] : memref<320000xi32, #tpu.memory_space<hbm>> -> memref<128xi32, #tpu.memory_space<hbm>>
          tpu.wait_dma2 semaphore(%run_scoped3A : memref<!tpu.dma_semaphore, #tpu.memory_space<semaphore_mem>>) src(%dma_wait3A_103 : memref<128xi32, #tpu.memory_space<hbm>>) dst(%arg8 : memref<128xi32, #tpu.memory_space<vmem>>)
          tpu.yield
        }) : () -> ()
        "tpu.region"() ({
          %run_scoped3A = tpu.sem_alloc : memref<!tpu.dma_semaphore, #tpu.memory_space<semaphore_mem>>
          %dma_start3A_100 = tpu.memref_slice %arg4[%mul3A_96] : memref<320000xi32, #tpu.memory_space<hbm>> -> memref<128xi32, #tpu.memory_space<hbm>>
          %dma_start3A_101 = tpu.memref_slice %arg4[%mul3A_96] : memref<320000xi32, #tpu.memory_space<hbm>> -> memref<128xi32, #tpu.memory_space<hbm>>
          tpu.enqueue_dma source(%dma_start3A_101 : memref<128xi32, #tpu.memory_space<hbm>>) target(%arg11 : memref<128xi32, #tpu.memory_space<vmem>>) target_semaphore(%run_scoped3A : memref<!tpu.dma_semaphore, #tpu.memory_space<semaphore_mem>>)
          %dma_wait3A_102 = tpu.memref_slice %arg4[%mul3A_96] : memref<320000xi32, #tpu.memory_space<hbm>> -> memref<128xi32, #tpu.memory_space<hbm>>
          %dma_wait3A_103 = tpu.memref_slice %arg4[%mul3A_96] : memref<320000xi32, #tpu.memory_space<hbm>> -> memref<128xi32, #tpu.memory_space<hbm>>
          tpu.wait_dma2 semaphore(%run_scoped3A : memref<!tpu.dma_semaphore, #tpu.memory_space<semaphore_mem>>) src(%dma_wait3A_103 : memref<128xi32, #tpu.memory_space<hbm>>) dst(%arg11 : memref<128xi32, #tpu.memory_space<vmem>>)
          tpu.yield
        }) : () -> ()
        %dma_start3A_97 = arith.constant 0 : i32
        %dma_start3A_98 = arith.constant 0 : i32
        %dma_start3A_99 = tpu.memref_slice %arg2[%dma_start3A_97, %dma_start3A_98] : memref<10000x128xf32, #tpu.memory_space<hbm>> -> memref<10000x128xf32, #tpu.memory_space<hbm>>
        tpu.enqueue_indirect_dma source(%dma_start3A_99 : memref<10000x128xf32, #tpu.memory_space<hbm>>) target(%arg14 : memref<128x128xf32, #tpu.memory_space<vmem>>) offsets(%arg8 : memref<128xi32, #tpu.memory_space<vmem>>) semaphore(%arg17 : memref<!tpu.dma_semaphore, #tpu.memory_space<semaphore_mem>>)
      } else {
      }
      %dma_wait3A_63 = arith.constant 0 : i32
      %dma_wait3A_64 = arith.constant 0 : i32
      %dma_wait3A_65 = tpu.memref_slice %arg2[%dma_wait3A_63, %dma_wait3A_64] : memref<10000x128xf32, #tpu.memory_space<hbm>> -> memref<10000x128xf32, #tpu.memory_space<hbm>>
      tpu.wait_indirect_dma semaphore(%arg17 : memref<!tpu.dma_semaphore, #tpu.memory_space<semaphore_mem>>) src(%dma_wait3A_65 : memref<10000x128xf32, #tpu.memory_space<hbm>>) dst(%arg15 : memref<128x128xf32, #tpu.memory_space<vmem>>)
      %dma_start3A_66 = arith.constant 0 : i32
      %dma_start3A_67 = arith.constant 0 : i32
      %dma_start3A_68 = tpu.memref_slice %arg7[%dma_start3A_66, %dma_start3A_67] : memref<10112x128xf32, #tpu.memory_space<vmem_shared>> -> memref<10112x128xf32, #tpu.memory_space<vmem_shared>>
      tpu.enqueue_indirect_dma source(%arg15 : memref<128x128xf32, #tpu.memory_space<vmem>>) target(%dma_start3A_68 : memref<10112x128xf32, #tpu.memory_space<vmem_shared>>) offsets(%arg12 : memref<128xi32, #tpu.memory_space<vmem>>) semaphore(%arg18 : memref<!tpu.dma_semaphore, #tpu.memory_space<semaphore_mem>>) {add = true}
      %mul3A_69 = arith.constant 3 : i32
      %mul3A_70 = arith.muli %mul3A_69, %scan3A_36 : i32
      %add3A_71 = arith.constant 2 : i32
      %add3A_72 = arith.addi %mul3A_70, %add3A_71 : i32
      %add3A_73 = arith.constant 2 : i32
      %add3A_74 = arith.addi %add3A_72, %add3A_73 : i32
      %lt3A_75 = arith.constant 78 : i32
      %lt3A_76 = arith.cmpi slt, %add3A_74, %lt3A_75 : i32
      %convert_element_type3A_77 = arith.extui %lt3A_76 : i1 to i32
      %cond3A_78 = arith.constant 0 : i32
      %cond3A_79 = arith.cmpi ne, %convert_element_type3A_77, %cond3A_78 : i32
      scf.if %cond3A_79 {
        %ge3A = arith.constant 1 : i32
        %ge3A_86 = arith.cmpi sge, %add3A_72, %ge3A : i32
        %convert_element_type3A_87 = arith.extui %ge3A_86 : i1 to i32
        %cond3A_88 = arith.constant 0 : i32
        %cond3A_89 = arith.cmpi ne, %convert_element_type3A_87, %cond3A_88 : i32
        scf.if %cond3A_89 {
          %dma_wait3A_100 = arith.constant 0 : i32
          %dma_wait3A_101 = arith.constant 0 : i32
          %dma_wait3A_102 = tpu.memref_slice %arg7[%dma_wait3A_100, %dma_wait3A_101] : memref<10112x128xf32, #tpu.memory_space<vmem_shared>> -> memref<10112x128xf32, #tpu.memory_space<vmem_shared>>
          tpu.wait_indirect_dma semaphore(%arg18 : memref<!tpu.dma_semaphore, #tpu.memory_space<semaphore_mem>>) src(%arg15 : memref<128x128xf32, #tpu.memory_space<vmem>>) dst(%dma_wait3A_102 : memref<10112x128xf32, #tpu.memory_space<vmem_shared>>)
        } else {
        }
        %add3A_90 = arith.constant 2 : i32
        %add3A_91 = arith.addi %add3A_72, %add3A_90 : i32
        %mul3A_92 = arith.constant 32 : i32
        %mul3A_93 = arith.muli %add3A_91, %mul3A_92 : i32
        %add3A_94 = arith.addi %add3A, %mul3A_93 : i32
        %mul3A_95 = arith.constant 128 : i32
        %mul3A_96 = arith.muli %add3A_94, %mul3A_95 : i32
        "tpu.region"() ({
          %run_scoped3A = tpu.sem_alloc : memref<!tpu.dma_semaphore, #tpu.memory_space<semaphore_mem>>
          %dma_start3A_100 = tpu.memref_slice %arg3[%mul3A_96] : memref<320000xi32, #tpu.memory_space<hbm>> -> memref<128xi32, #tpu.memory_space<hbm>>
          %dma_start3A_101 = tpu.memref_slice %arg3[%mul3A_96] : memref<320000xi32, #tpu.memory_space<hbm>> -> memref<128xi32, #tpu.memory_space<hbm>>
          tpu.enqueue_dma source(%dma_start3A_101 : memref<128xi32, #tpu.memory_space<hbm>>) target(%arg9 : memref<128xi32, #tpu.memory_space<vmem>>) target_semaphore(%run_scoped3A : memref<!tpu.dma_semaphore, #tpu.memory_space<semaphore_mem>>)
          %dma_wait3A_102 = tpu.memref_slice %arg3[%mul3A_96] : memref<320000xi32, #tpu.memory_space<hbm>> -> memref<128xi32, #tpu.memory_space<hbm>>
          %dma_wait3A_103 = tpu.memref_slice %arg3[%mul3A_96] : memref<320000xi32, #tpu.memory_space<hbm>> -> memref<128xi32, #tpu.memory_space<hbm>>
          tpu.wait_dma2 semaphore(%run_scoped3A : memref<!tpu.dma_semaphore, #tpu.memory_space<semaphore_mem>>) src(%dma_wait3A_103 : memref<128xi32, #tpu.memory_space<hbm>>) dst(%arg9 : memref<128xi32, #tpu.memory_space<vmem>>)
          tpu.yield
        }) : () -> ()
        "tpu.region"() ({
          %run_scoped3A = tpu.sem_alloc : memref<!tpu.dma_semaphore, #tpu.memory_space<semaphore_mem>>
          %dma_start3A_100 = tpu.memref_slice %arg4[%mul3A_96] : memref<320000xi32, #tpu.memory_space<hbm>> -> memref<128xi32, #tpu.memory_space<hbm>>
          %dma_start3A_101 = tpu.memref_slice %arg4[%mul3A_96] : memref<320000xi32, #tpu.memory_space<hbm>> -> memref<128xi32, #tpu.memory_space<hbm>>
          tpu.enqueue_dma source(%dma_start3A_101 : memref<128xi32, #tpu.memory_space<hbm>>) target(%arg12 : memref<128xi32, #tpu.memory_space<vmem>>) target_semaphore(%run_scoped3A : memref<!tpu.dma_semaphore, #tpu.memory_space<semaphore_mem>>)
          %dma_wait3A_102 = tpu.memref_slice %arg4[%mul3A_96] : memref<320000xi32, #tpu.memory_space<hbm>> -> memref<128xi32, #tpu.memory_space<hbm>>
          %dma_wait3A_103 = tpu.memref_slice %arg4[%mul3A_96] : memref<320000xi32, #tpu.memory_space<hbm>> -> memref<128xi32, #tpu.memory_space<hbm>>
          tpu.wait_dma2 semaphore(%run_scoped3A : memref<!tpu.dma_semaphore, #tpu.memory_space<semaphore_mem>>) src(%dma_wait3A_103 : memref<128xi32, #tpu.memory_space<hbm>>) dst(%arg12 : memref<128xi32, #tpu.memory_space<vmem>>)
          tpu.yield
        }) : () -> ()
        %dma_start3A_97 = arith.constant 0 : i32
        %dma_start3A_98 = arith.constant 0 : i32
        %dma_start3A_99 = tpu.memref_slice %arg2[%dma_start3A_97, %dma_start3A_98] : memref<10000x128xf32, #tpu.memory_space<hbm>> -> memref<10000x128xf32, #tpu.memory_space<hbm>>
        tpu.enqueue_indirect_dma source(%dma_start3A_99 : memref<10000x128xf32, #tpu.memory_space<hbm>>) target(%arg15 : memref<128x128xf32, #tpu.memory_space<vmem>>) offsets(%arg9 : memref<128xi32, #tpu.memory_space<vmem>>) semaphore(%arg17 : memref<!tpu.dma_semaphore, #tpu.memory_space<semaphore_mem>>)
      } else {
      }
      %dma_wait3A_80 = arith.constant 0 : i32
      %dma_wait3A_81 = arith.constant 0 : i32
      %dma_wait3A_82 = tpu.memref_slice %arg2[%dma_wait3A_80, %dma_wait3A_81] : memref<10000x128xf32, #tpu.memory_space<hbm>> -> memref<10000x128xf32, #tpu.memory_space<hbm>>
      tpu.wait_indirect_dma semaphore(%arg17 : memref<!tpu.dma_semaphore, #tpu.memory_space<semaphore_mem>>) src(%dma_wait3A_82 : memref<10000x128xf32, #tpu.memory_space<hbm>>) dst(%arg16 : memref<128x128xf32, #tpu.memory_space<vmem>>)
      %dma_start3A_83 = arith.constant 0 : i32
      %dma_start3A_84 = arith.constant 0 : i32
      %dma_start3A_85 = tpu.memref_slice %arg7[%dma_start3A_83, %dma_start3A_84] : memref<10112x128xf32, #tpu.memory_space<vmem_shared>> -> memref<10112x128xf32, #tpu.memory_space<vmem_shared>>
      tpu.enqueue_indirect_dma source(%arg16 : memref<128x128xf32, #tpu.memory_space<vmem>>) target(%dma_start3A_85 : memref<10112x128xf32, #tpu.memory_space<vmem_shared>>) offsets(%arg13 : memref<128xi32, #tpu.memory_space<vmem>>) semaphore(%arg18 : memref<!tpu.dma_semaphore, #tpu.memory_space<semaphore_mem>>) {add = true}
    }
    %scan3A_20 = arith.constant 26 : i32
    %dma_wait3A = arith.constant 0 : i32
    %dma_wait3A_21 = arith.constant 0 : i32
    %dma_wait3A_22 = tpu.memref_slice %arg7[%dma_wait3A, %dma_wait3A_21] : memref<10112x128xf32, #tpu.memory_space<vmem_shared>> -> memref<10112x128xf32, #tpu.memory_space<vmem_shared>>
    tpu.wait_indirect_dma semaphore(%arg18 : memref<!tpu.dma_semaphore, #tpu.memory_space<semaphore_mem>>) src(%arg14 : memref<128x128xf32, #tpu.memory_space<vmem>>) dst(%dma_wait3A_22 : memref<10112x128xf32, #tpu.memory_space<vmem_shared>>)
    %dma_wait3A_23 = arith.constant 0 : i32
    %dma_wait3A_24 = arith.constant 0 : i32
    %dma_wait3A_25 = tpu.memref_slice %arg7[%dma_wait3A_23, %dma_wait3A_24] : memref<10112x128xf32, #tpu.memory_space<vmem_shared>> -> memref<10112x128xf32, #tpu.memory_space<vmem_shared>>
    tpu.wait_indirect_dma semaphore(%arg18 : memref<!tpu.dma_semaphore, #tpu.memory_space<semaphore_mem>>) src(%arg15 : memref<128x128xf32, #tpu.memory_space<vmem>>) dst(%dma_wait3A_25 : memref<10112x128xf32, #tpu.memory_space<vmem_shared>>)
    %dma_wait3A_26 = arith.constant 0 : i32
    %dma_wait3A_27 = arith.constant 0 : i32
    %dma_wait3A_28 = tpu.memref_slice %arg7[%dma_wait3A_26, %dma_wait3A_27] : memref<10112x128xf32, #tpu.memory_space<vmem_shared>> -> memref<10112x128xf32, #tpu.memory_space<vmem_shared>>
    tpu.wait_indirect_dma semaphore(%arg18 : memref<!tpu.dma_semaphore, #tpu.memory_space<semaphore_mem>>) src(%arg16 : memref<128x128xf32, #tpu.memory_space<vmem>>) dst(%dma_wait3A_28 : memref<10112x128xf32, #tpu.memory_space<vmem_shared>>)
    %lt3A = arith.constant 4 : i32
    %lt3A_29 = arith.cmpi slt, %add3A, %lt3A : i32
    %convert_element_type3A = arith.extui %lt3A_29 : i1 to i32
    %cond3A = arith.constant 0 : i32
    %cond3A_30 = arith.cmpi ne, %convert_element_type3A, %cond3A : i32
    scf.if %cond3A_30 {
      %add3A_36 = arith.constant 2496 : i32
      %add3A_37 = arith.addi %add3A, %add3A_36 : i32
      %mul3A_38 = arith.constant 128 : i32
      %mul3A_39 = arith.muli %add3A_37, %mul3A_38 : i32
      "tpu.region"() ({
        %run_scoped3A = tpu.sem_alloc : memref<!tpu.dma_semaphore, #tpu.memory_space<semaphore_mem>>
        %dma_start3A_46 = tpu.memref_slice %arg3[%mul3A_39] : memref<320000xi32, #tpu.memory_space<hbm>> -> memref<128xi32, #tpu.memory_space<hbm>>
        %dma_start3A_47 = tpu.memref_slice %arg3[%mul3A_39] : memref<320000xi32, #tpu.memory_space<hbm>> -> memref<128xi32, #tpu.memory_space<hbm>>
        tpu.enqueue_dma source(%dma_start3A_47 : memref<128xi32, #tpu.memory_space<hbm>>) target(%arg8 : memref<128xi32, #tpu.memory_space<vmem>>) target_semaphore(%run_scoped3A : memref<!tpu.dma_semaphore, #tpu.memory_space<semaphore_mem>>)
        %dma_wait3A_48 = tpu.memref_slice %arg3[%mul3A_39] : memref<320000xi32, #tpu.memory_space<hbm>> -> memref<128xi32, #tpu.memory_space<hbm>>
        %dma_wait3A_49 = tpu.memref_slice %arg3[%mul3A_39] : memref<320000xi32, #tpu.memory_space<hbm>> -> memref<128xi32, #tpu.memory_space<hbm>>
        tpu.wait_dma2 semaphore(%run_scoped3A : memref<!tpu.dma_semaphore, #tpu.memory_space<semaphore_mem>>) src(%dma_wait3A_49 : memref<128xi32, #tpu.memory_space<hbm>>) dst(%arg8 : memref<128xi32, #tpu.memory_space<vmem>>)
        tpu.yield
      }) : () -> ()
      "tpu.region"() ({
        %run_scoped3A = tpu.sem_alloc : memref<!tpu.dma_semaphore, #tpu.memory_space<semaphore_mem>>
        %dma_start3A_46 = tpu.memref_slice %arg4[%mul3A_39] : memref<320000xi32, #tpu.memory_space<hbm>> -> memref<128xi32, #tpu.memory_space<hbm>>
        %dma_start3A_47 = tpu.memref_slice %arg4[%mul3A_39] : memref<320000xi32, #tpu.memory_space<hbm>> -> memref<128xi32, #tpu.memory_space<hbm>>
        tpu.enqueue_dma source(%dma_start3A_47 : memref<128xi32, #tpu.memory_space<hbm>>) target(%arg11 : memref<128xi32, #tpu.memory_space<vmem>>) target_semaphore(%run_scoped3A : memref<!tpu.dma_semaphore, #tpu.memory_space<semaphore_mem>>)
        %dma_wait3A_48 = tpu.memref_slice %arg4[%mul3A_39] : memref<320000xi32, #tpu.memory_space<hbm>> -> memref<128xi32, #tpu.memory_space<hbm>>
        %dma_wait3A_49 = tpu.memref_slice %arg4[%mul3A_39] : memref<320000xi32, #tpu.memory_space<hbm>> -> memref<128xi32, #tpu.memory_space<hbm>>
        tpu.wait_dma2 semaphore(%run_scoped3A : memref<!tpu.dma_semaphore, #tpu.memory_space<semaphore_mem>>) src(%dma_wait3A_49 : memref<128xi32, #tpu.memory_space<hbm>>) dst(%arg11 : memref<128xi32, #tpu.memory_space<vmem>>)
        tpu.yield
      }) : () -> ()
      %dma_start3A_40 = arith.constant 0 : i32
      %dma_start3A_41 = arith.constant 0 : i32
      %dma_start3A_42 = tpu.memref_slice %arg2[%dma_start3A_40, %dma_start3A_41] : memref<10000x128xf32, #tpu.memory_space<hbm>> -> memref<10000x128xf32, #tpu.memory_space<hbm>>
      tpu.enqueue_indirect_dma source(%dma_start3A_42 : memref<10000x128xf32, #tpu.memory_space<hbm>>) target(%arg14 : memref<128x128xf32, #tpu.memory_space<vmem>>) offsets(%arg8 : memref<128xi32, #tpu.memory_space<vmem>>) semaphore(%arg17 : memref<!tpu.dma_semaphore, #tpu.memory_space<semaphore_mem>>)
      %dma_wait3A_43 = arith.constant 0 : i32
      %dma_wait3A_44 = arith.constant 0 : i32
      %dma_wait3A_45 = tpu.memref_slice %arg2[%dma_wait3A_43, %dma_wait3A_44] : memref<10000x128xf32, #tpu.memory_space<hbm>> -> memref<10000x128xf32, #tpu.memory_space<hbm>>
      tpu.wait_indirect_dma semaphore(%arg17 : memref<!tpu.dma_semaphore, #tpu.memory_space<semaphore_mem>>) src(%dma_wait3A_45 : memref<10000x128xf32, #tpu.memory_space<hbm>>) dst(%arg14 : memref<128x128xf32, #tpu.memory_space<vmem>>)
      "tpu.region"() ({
        %run_scoped3A = tpu.sem_alloc : memref<!tpu.dma_semaphore, #tpu.memory_space<semaphore_mem>>
        %dma_start3A_46 = arith.constant 0 : i32
        %dma_start3A_47 = arith.constant 0 : i32
        %dma_start3A_48 = tpu.memref_slice %arg7[%dma_start3A_46, %dma_start3A_47] : memref<10112x128xf32, #tpu.memory_space<vmem_shared>> -> memref<10112x128xf32, #tpu.memory_space<vmem_shared>>
        tpu.enqueue_indirect_dma source(%arg14 : memref<128x128xf32, #tpu.memory_space<vmem>>) target(%dma_start3A_48 : memref<10112x128xf32, #tpu.memory_space<vmem_shared>>) offsets(%arg11 : memref<128xi32, #tpu.memory_space<vmem>>) semaphore(%run_scoped3A : memref<!tpu.dma_semaphore, #tpu.memory_space<semaphore_mem>>) {add = true}
        %dma_wait3A_49 = arith.constant 0 : i32
        %dma_wait3A_50 = arith.constant 0 : i32
        %dma_wait3A_51 = tpu.memref_slice %arg7[%dma_wait3A_49, %dma_wait3A_50] : memref<10112x128xf32, #tpu.memory_space<vmem_shared>> -> memref<10112x128xf32, #tpu.memory_space<vmem_shared>>
        tpu.wait_indirect_dma semaphore(%run_scoped3A : memref<!tpu.dma_semaphore, #tpu.memory_space<semaphore_mem>>) src(%arg14 : memref<128x128xf32, #tpu.memory_space<vmem>>) dst(%dma_wait3A_51 : memref<10112x128xf32, #tpu.memory_space<vmem_shared>>)
        tpu.yield
      }) : () -> ()
    } else {
    }
    %barrier3A_31 = arith.constant 0 : index
    tpu.barrier barrier_id(%barrier3A_31)
    %mul3A_32 = arith.constant 632 : i32
    %mul3A_33 = arith.muli %arg1, %mul3A_32 : i32
    %mul3A_34 = arith.constant 632 : i32
    %mul3A_35 = arith.muli %arg1, %mul3A_34 : i32
    "tpu.region"() ({
      %run_scoped3A = tpu.sem_alloc : memref<!tpu.dma_semaphore, #tpu.memory_space<semaphore_mem>>
      %dma_start3A_36 = arith.constant 0 : i32
      %dma_start3A_37 = tpu.memref_slice %arg6[%arg0, %mul3A_35, %dma_start3A_36] : memref<2x10112x128xf32, #tpu.memory_space<hbm>> -> memref<1x632x128xf32, #tpu.memory_space<hbm>>
      %dma_start3A_38 = tpu.memref_squeeze %dma_start3A_37 : memref<1x632x128xf32, #tpu.memory_space<hbm>> -> memref<632x128xf32, #tpu.memory_space<hbm>>
      %dma_start3A_39 = arith.constant 0 : i32
      %dma_start3A_40 = tpu.memref_slice %arg7[%mul3A_33, %dma_start3A_39] : memref<10112x128xf32, #tpu.memory_space<vmem_shared>> -> memref<632x128xf32, #tpu.memory_space<vmem_shared>>
      tpu.enqueue_dma source(%dma_start3A_40 : memref<632x128xf32, #tpu.memory_space<vmem_shared>>) target(%dma_start3A_38 : memref<632x128xf32, #tpu.memory_space<hbm>>) target_semaphore(%run_scoped3A : memref<!tpu.dma_semaphore, #tpu.memory_space<semaphore_mem>>)
      %dma_wait3A_41 = arith.constant 0 : i32
      %dma_wait3A_42 = tpu.memref_slice %arg6[%arg0, %mul3A_35, %dma_wait3A_41] : memref<2x10112x128xf32, #tpu.memory_space<hbm>> -> memref<1x632x128xf32, #tpu.memory_space<hbm>>
      %dma_wait3A_43 = tpu.memref_squeeze %dma_wait3A_42 : memref<1x632x128xf32, #tpu.memory_space<hbm>> -> memref<632x128xf32, #tpu.memory_space<hbm>>
      %dma_wait3A_44 = arith.constant 0 : i32
      %dma_wait3A_45 = tpu.memref_slice %arg7[%mul3A_33, %dma_wait3A_44] : memref<10112x128xf32, #tpu.memory_space<vmem_shared>> -> memref<632x128xf32, #tpu.memory_space<vmem_shared>>
      tpu.wait_dma2 semaphore(%run_scoped3A : memref<!tpu.dma_semaphore, #tpu.memory_space<semaphore_mem>>) src(%dma_wait3A_45 : memref<632x128xf32, #tpu.memory_space<vmem_shared>>) dst(%dma_wait3A_43 : memref<632x128xf32, #tpu.memory_space<hbm>>)
      tpu.yield
    }) : () -> ()
    return
  }
}

module attributes {stable_mosaic.version = 14 : i64} {
  func.func @_tc2_body(%arg0: i32, %arg1: memref<2x1000x128xf32, #tpu.memory_space<vmem>>, %arg2: memref<1000x128xf32, #tpu.memory_space<vmem>>, %arg3: memref<128x40xf32, #tpu.memory_space<vmem>>, %arg4: memref<1x40xf32, #tpu.memory_space<vmem>>, %arg5: memref<1000x2xf32, #tpu.memory_space<vmem>>, %arg6: memref<1000x128xf32, #tpu.memory_space<vmem>>, %arg7: memref<1000x40xf32, #tpu.memory_space<vmem>>) attributes {dimension_semantics = [#tpu.dimension_semantics<arbitrary>], iteration_bounds = array<i64: 10>, scalar_prefetch = 0 : i64, scratch_operands = 0 : i64, tpu.core_type = #tpu.core_type<tc>, window_params = [{transform_indices = @transform_0, window_bounds = array<i64: 2, 1000, 128>}, {transform_indices = @transform_1, window_bounds = array<i64: 1000, 128>}, {pipeline_mode = #tpu.pipeline_mode<synchronous>, transform_indices = @transform_2, window_bounds = array<i64: 128, 40>}, {pipeline_mode = #tpu.pipeline_mode<synchronous>, transform_indices = @transform_3, window_bounds = array<i64: 1, 40>}, {transform_indices = @transform_4, window_bounds = array<i64: 1000, 2>}, {transform_indices = @transform_5, window_bounds = array<i64: 1000, 128>}, {transform_indices = @transform_6, window_bounds = array<i64: 1000, 40>}]} {
    %get3A = arith.constant 0 : index
    %get3A_0 = arith.constant 0 : index
    %get3A_1 = vector.load %arg5[%get3A, %get3A_0] : memref<1000x2xf32, #tpu.memory_space<vmem>>, vector<1000x2xf32>
    %slice3A = vector.extract_strided_slice %get3A_1 {offsets = [0, 0], sizes = [1000, 1], strides = [1, 1]} : vector<1000x2xf32> to vector<1000x1xf32>
    %slice3A_2 = vector.extract_strided_slice %get3A_1 {offsets = [0, 1], sizes = [1000, 1], strides = [1, 1]} : vector<1000x2xf32> to vector<1000x1xf32>
    %add3A = arith.addf %slice3A, %slice3A_2 : vector<1000x1xf32>
    %add3A_3 = arith.constant 1.000000e+00 : f32
    %add3A_4 = vector.broadcast %add3A_3 : f32 to vector<1000x1xf32>
    %add3A_5 = arith.addf %add3A, %add3A_4 : vector<1000x1xf32>
    %rsqrt3A = math.rsqrt %add3A_5 : vector<1000x1xf32>
    %get3A_6 = arith.constant 0 : index
    %get3A_7 = arith.constant 0 : index
    %get3A_8 = arith.constant 0 : index
    %get3A_9 = vector.load %arg1[%get3A_6, %get3A_7, %get3A_8] : memref<2x1000x128xf32, #tpu.memory_space<vmem>>, vector<1x1000x128xf32>
    %get3A_10 = vector.shape_cast %get3A_9 : vector<1x1000x128xf32> to vector<1000x128xf32>
    %get3A_11 = arith.constant 1 : index
    %get3A_12 = arith.constant 0 : index
    %get3A_13 = arith.constant 0 : index
    %get3A_14 = vector.load %arg1[%get3A_11, %get3A_12, %get3A_13] : memref<2x1000x128xf32, #tpu.memory_space<vmem>>, vector<1x1000x128xf32>
    %get3A_15 = vector.shape_cast %get3A_14 : vector<1x1000x128xf32> to vector<1000x128xf32>
    %add3A_16 = arith.addf %get3A_10, %get3A_15 : vector<1000x128xf32>
    %mul3A = vector.broadcast %rsqrt3A : vector<1000x1xf32> to vector<1000x128xf32>
    %mul3A_17 = arith.mulf %mul3A, %add3A_16 : vector<1000x128xf32>
    %get3A_18 = arith.constant 0 : index
    %get3A_19 = arith.constant 0 : index
    %get3A_20 = vector.load %arg2[%get3A_18, %get3A_19] : memref<1000x128xf32, #tpu.memory_space<vmem>>, vector<1000x128xf32>
    %add3A_21 = arith.addf %mul3A_17, %get3A_20 : vector<1000x128xf32>
    %max3A = arith.constant 0.000000e+00 : f32
    %max3A_22 = vector.broadcast %max3A : f32 to vector<1000x128xf32>
    %max3A_23 = arith.maximumf %add3A_21, %max3A_22 : vector<1000x128xf32>
    %mul3A_24 = arith.constant 0.899999976 : f32
    %mul3A_25 = vector.broadcast %mul3A_24 : f32 to vector<1000x128xf32>
    %mul3A_26 = arith.mulf %mul3A_25, %max3A_23 : vector<1000x128xf32>
    %add3A_27 = arith.constant 1.000000e-01 : f32
    %add3A_28 = vector.broadcast %add3A_27 : f32 to vector<1000x128xf32>
    %add3A_29 = arith.addf %mul3A_26, %add3A_28 : vector<1000x128xf32>
    %get3A_30 = arith.constant 0 : index
    %get3A_31 = arith.constant 0 : index
    %get3A_32 = vector.load %arg3[%get3A_30, %get3A_31] : memref<128x40xf32, #tpu.memory_space<vmem>>, vector<128x40xf32>
    %dot_general3A = arith.constant dense<0.000000e+00> : vector<1000x40xf32>
    %dot_general3A_33 = tpu.matmul %add3A_29, %get3A_32, %dot_general3A {dimension_numbers = #tpu.dot_dimension_numbers<[1], [0], [0], [1], [0, 0, 1, 1], [], []>, transpose_lhs_hint = false} : vector<1000x128xf32>, vector<128x40xf32>, vector<1000x40xf32> -> vector<1000x40xf32>
    %mul3A_34 = vector.broadcast %rsqrt3A : vector<1000x1xf32> to vector<1000x40xf32>
    %mul3A_35 = arith.mulf %mul3A_34, %dot_general3A_33 : vector<1000x40xf32>
    %broadcast_in_dim3A = arith.constant 0.000000e+00 : f32
    %broadcast_in_dim3A_36 = vector.broadcast %broadcast_in_dim3A : f32 to vector<1000x88xf32>
    %concatenate3A = tpu.concatenate %mul3A_35, %broadcast_in_dim3A_36 in 1 : vector<1000x40xf32>, vector<1000x88xf32> -> vector<1000x128xf32>
    %swap3A = arith.constant 0 : index
    %swap3A_37 = arith.constant 0 : index
    %swap3A_38 = vector.load %arg6[%swap3A, %swap3A_37] : memref<1000x128xf32, #tpu.memory_space<vmem>>, vector<1000x128xf32>
    tpu.vector_store %arg6[%swap3A, %swap3A_37], %concatenate3A {strides = array<i32>} : memref<1000x128xf32, #tpu.memory_space<vmem>>, vector<1000x128xf32>,
    %mul3A_39 = arith.mulf %rsqrt3A, %rsqrt3A : vector<1000x1xf32>
    %mul3A_40 = vector.broadcast %mul3A_39 : vector<1000x1xf32> to vector<1000x40xf32>
    %mul3A_41 = arith.mulf %mul3A_40, %dot_general3A_33 : vector<1000x40xf32>
    %get3A_42 = arith.constant 0 : index
    %get3A_43 = arith.constant 0 : index
    %get3A_44 = vector.load %arg4[%get3A_42, %get3A_43] : memref<1x40xf32, #tpu.memory_space<vmem>>, vector<1x40xf32>
    %add3A_45 = vector.broadcast %get3A_44 : vector<1x40xf32> to vector<1000x40xf32>
    %add3A_46 = arith.addf %mul3A_41, %add3A_45 : vector<1000x40xf32>
    %swap3A_47 = arith.constant 0 : index
    %swap3A_48 = arith.constant 0 : index
    %swap3A_49 = vector.load %arg7[%swap3A_47, %swap3A_48] : memref<1000x40xf32, #tpu.memory_space<vmem>>, vector<1000x40xf32>
    tpu.vector_store %arg7[%swap3A_47, %swap3A_48], %add3A_46 {strides = array<i32>} : memref<1000x40xf32, #tpu.memory_space<vmem>>, vector<1000x40xf32>,
    return
  }
  func.func @transform_0(%arg0: i32) -> (i32, i32, i32) {
    %c0_i32 = arith.constant 0 : i32
    %c0_i32_0 = arith.constant 0 : i32
    %c0_i32_1 = arith.constant 0 : i32
    return %c0_i32, %arg0, %c0_i32_0 : i32, i32, i32
  }
  func.func @transform_1(%arg0: i32) -> (i32, i32) {
    %c0_i32 = arith.constant 0 : i32
    %c0_i32_0 = arith.constant 0 : i32
    return %arg0, %c0_i32 : i32, i32
  }
  func.func @transform_2(%arg0: i32) -> (i32, i32) {
    %c0_i32 = arith.constant 0 : i32
    %c0_i32_0 = arith.constant 0 : i32
    %c0_i32_1 = arith.constant 0 : i32
    return %c0_i32, %c0_i32_0 : i32, i32
  }
  func.func @transform_3(%arg0: i32) -> (i32, i32) {
    %c0_i32 = arith.constant 0 : i32
    %c0_i32_0 = arith.constant 0 : i32
    %c0_i32_1 = arith.constant 0 : i32
    return %c0_i32, %c0_i32_0 : i32, i32
  }
  func.func @transform_4(%arg0: i32) -> (i32, i32) {
    %c0_i32 = arith.constant 0 : i32
    %c0_i32_0 = arith.constant 0 : i32
    return %arg0, %c0_i32 : i32, i32
  }
  func.func @transform_5(%arg0: i32) -> (i32, i32) {
    %c0_i32 = arith.constant 0 : i32
    %c0_i32_0 = arith.constant 0 : i32
    return %arg0, %c0_i32 : i32, i32
  }
  func.func @transform_6(%arg0: i32) -> (i32, i32) {
    %c0_i32 = arith.constant 0 : i32
    %c0_i32_0 = arith.constant 0 : i32
    return %arg0, %c0_i32 : i32, i32
  }
}

module attributes {stable_mosaic.version = 14 : i64} {
  func.func @_tc1_body(%arg0: i32, %arg1: memref<1000x128xf32, #tpu.memory_space<vmem>>, %arg2: memref<128x128xf32, #tpu.memory_space<vmem>>, %arg3: memref<1x128xf32, #tpu.memory_space<vmem>>, %arg4: memref<1000x2xf32, #tpu.memory_space<vmem>>, %arg5: memref<1000x128xf32, #tpu.memory_space<vmem>>, %arg6: memref<1000x128xf32, #tpu.memory_space<vmem>>) attributes {dimension_semantics = [#tpu.dimension_semantics<arbitrary>], iteration_bounds = array<i64: 10>, scalar_prefetch = 0 : i64, scratch_operands = 0 : i64, tpu.core_type = #tpu.core_type<tc>, window_params = [{transform_indices = @transform_0, window_bounds = array<i64: 1000, 128>}, {pipeline_mode = #tpu.pipeline_mode<synchronous>, transform_indices = @transform_1, window_bounds = array<i64: 128, 128>}, {pipeline_mode = #tpu.pipeline_mode<synchronous>, transform_indices = @transform_2, window_bounds = array<i64: 1, 128>}, {transform_indices = @transform_3, window_bounds = array<i64: 1000, 2>}, {transform_indices = @transform_4, window_bounds = array<i64: 1000, 128>}, {transform_indices = @transform_5, window_bounds = array<i64: 1000, 128>}]} {
    %get3A = arith.constant 0 : index
    %get3A_0 = arith.constant 0 : index
    %get3A_1 = vector.load %arg4[%get3A, %get3A_0] : memref<1000x2xf32, #tpu.memory_space<vmem>>, vector<1000x2xf32>
    %slice3A = vector.extract_strided_slice %get3A_1 {offsets = [0, 0], sizes = [1000, 1], strides = [1, 1]} : vector<1000x2xf32> to vector<1000x1xf32>
    %slice3A_2 = vector.extract_strided_slice %get3A_1 {offsets = [0, 1], sizes = [1000, 1], strides = [1, 1]} : vector<1000x2xf32> to vector<1000x1xf32>
    %add3A = arith.addf %slice3A, %slice3A_2 : vector<1000x1xf32>
    %add3A_3 = arith.constant 1.000000e+00 : f32
    %add3A_4 = vector.broadcast %add3A_3 : f32 to vector<1000x1xf32>
    %add3A_5 = arith.addf %add3A, %add3A_4 : vector<1000x1xf32>
    %rsqrt3A = math.rsqrt %add3A_5 : vector<1000x1xf32>
    %get3A_6 = arith.constant 0 : index
    %get3A_7 = arith.constant 0 : index
    %get3A_8 = vector.load %arg1[%get3A_6, %get3A_7] : memref<1000x128xf32, #tpu.memory_space<vmem>>, vector<1000x128xf32>
    %get3A_9 = arith.constant 0 : index
    %get3A_10 = arith.constant 0 : index
    %get3A_11 = vector.load %arg2[%get3A_9, %get3A_10] : memref<128x128xf32, #tpu.memory_space<vmem>>, vector<128x128xf32>
    %dot_general3A = arith.constant dense<0.000000e+00> : vector<1000x128xf32>
    %dot_general3A_12 = tpu.matmul %get3A_8, %get3A_11, %dot_general3A {dimension_numbers = #tpu.dot_dimension_numbers<[1], [0], [0], [1], [0, 0, 1, 1], [], []>, transpose_lhs_hint = false} : vector<1000x128xf32>, vector<128x128xf32>, vector<1000x128xf32> -> vector<1000x128xf32>
    %mul3A = vector.broadcast %rsqrt3A : vector<1000x1xf32> to vector<1000x128xf32>
    %mul3A_13 = arith.mulf %mul3A, %dot_general3A_12 : vector<1000x128xf32>
    %swap3A = arith.constant 0 : index
    %swap3A_14 = arith.constant 0 : index
    %swap3A_15 = vector.load %arg5[%swap3A, %swap3A_14] : memref<1000x128xf32, #tpu.memory_space<vmem>>, vector<1000x128xf32>
    tpu.vector_store %arg5[%swap3A, %swap3A_14], %mul3A_13 {strides = array<i32>} : memref<1000x128xf32, #tpu.memory_space<vmem>>, vector<1000x128xf32>,
    %mul3A_16 = arith.mulf %rsqrt3A, %rsqrt3A : vector<1000x1xf32>
    %mul3A_17 = vector.broadcast %mul3A_16 : vector<1000x1xf32> to vector<1000x128xf32>
    %mul3A_18 = arith.mulf %mul3A_17, %dot_general3A_12 : vector<1000x128xf32>
    %get3A_19 = arith.constant 0 : index
    %get3A_20 = arith.constant 0 : index
    %get3A_21 = vector.load %arg3[%get3A_19, %get3A_20] : memref<1x128xf32, #tpu.memory_space<vmem>>, vector<1x128xf32>
    %add3A_22 = vector.broadcast %get3A_21 : vector<1x128xf32> to vector<1000x128xf32>
    %add3A_23 = arith.addf %mul3A_18, %add3A_22 : vector<1000x128xf32>
    %swap3A_24 = arith.constant 0 : index
    %swap3A_25 = arith.constant 0 : index
    %swap3A_26 = vector.load %arg6[%swap3A_24, %swap3A_25] : memref<1000x128xf32, #tpu.memory_space<vmem>>, vector<1000x128xf32>
    tpu.vector_store %arg6[%swap3A_24, %swap3A_25], %add3A_23 {strides = array<i32>} : memref<1000x128xf32, #tpu.memory_space<vmem>>, vector<1000x128xf32>,
    return
  }
  func.func @transform_0(%arg0: i32) -> (i32, i32) {
    %c0_i32 = arith.constant 0 : i32
    %c0_i32_0 = arith.constant 0 : i32
    return %arg0, %c0_i32 : i32, i32
  }
  func.func @transform_1(%arg0: i32) -> (i32, i32) {
    %c0_i32 = arith.constant 0 : i32
    %c0_i32_0 = arith.constant 0 : i32
    %c0_i32_1 = arith.constant 0 : i32
    return %c0_i32, %c0_i32_0 : i32, i32
  }
  func.func @transform_2(%arg0: i32) -> (i32, i32) {
    %c0_i32 = arith.constant 0 : i32
    %c0_i32_0 = arith.constant 0 : i32
    %c0_i32_1 = arith.constant 0 : i32
    return %c0_i32, %c0_i32_0 : i32, i32
  }
  func.func @transform_3(%arg0: i32) -> (i32, i32) {
    %c0_i32 = arith.constant 0 : i32
    %c0_i32_0 = arith.constant 0 : i32
    return %arg0, %c0_i32 : i32, i32
  }
  func.func @transform_4(%arg0: i32) -> (i32, i32) {
    %c0_i32 = arith.constant 0 : i32
    %c0_i32_0 = arith.constant 0 : i32
    return %arg0, %c0_i32 : i32, i32
  }
  func.func @transform_5(%arg0: i32) -> (i32, i32) {
    %c0_i32 = arith.constant 0 : i32
    %c0_i32_0 = arith.constant 0 : i32
    return %arg0, %c0_i32 : i32, i32
  }
}

module attributes {stable_mosaic.version = 14 : i64} {
  func.func @_tc3_body(%arg0: i32, %arg1: memref<2x1000x128xf32, #tpu.memory_space<vmem>>, %arg2: memref<1000x40xf32, #tpu.memory_space<vmem>>, %arg3: memref<1000x2xf32, #tpu.memory_space<vmem>>, %arg4: memref<1000x40xf32, #tpu.memory_space<vmem>>) attributes {dimension_semantics = [#tpu.dimension_semantics<arbitrary>], iteration_bounds = array<i64: 10>, scalar_prefetch = 0 : i64, scratch_operands = 0 : i64, tpu.core_type = #tpu.core_type<tc>, window_params = [{transform_indices = @transform_0, window_bounds = array<i64: 2, 1000, 128>}, {transform_indices = @transform_1, window_bounds = array<i64: 1000, 40>}, {transform_indices = @transform_2, window_bounds = array<i64: 1000, 2>}, {transform_indices = @transform_3, window_bounds = array<i64: 1000, 40>}]} {
    %get3A = arith.constant 0 : index
    %get3A_0 = arith.constant 0 : index
    %get3A_1 = vector.load %arg3[%get3A, %get3A_0] : memref<1000x2xf32, #tpu.memory_space<vmem>>, vector<1000x2xf32>
    %slice3A = vector.extract_strided_slice %get3A_1 {offsets = [0, 0], sizes = [1000, 1], strides = [1, 1]} : vector<1000x2xf32> to vector<1000x1xf32>
    %slice3A_2 = vector.extract_strided_slice %get3A_1 {offsets = [0, 1], sizes = [1000, 1], strides = [1, 1]} : vector<1000x2xf32> to vector<1000x1xf32>
    %add3A = arith.addf %slice3A, %slice3A_2 : vector<1000x1xf32>
    %add3A_3 = arith.constant 1.000000e+00 : f32
    %add3A_4 = vector.broadcast %add3A_3 : f32 to vector<1000x1xf32>
    %add3A_5 = arith.addf %add3A, %add3A_4 : vector<1000x1xf32>
    %rsqrt3A = math.rsqrt %add3A_5 : vector<1000x1xf32>
    %get3A_6 = arith.constant 0 : index
    %get3A_7 = arith.constant 0 : index
    %get3A_8 = arith.constant 0 : index
    %get3A_9 = vector.load %arg1[%get3A_6, %get3A_7, %get3A_8] : memref<2x1000x128xf32, #tpu.memory_space<vmem>>, vector<1x1000x128xf32>
    %get3A_10 = vector.shape_cast %get3A_9 : vector<1x1000x128xf32> to vector<1000x128xf32>
    %get3A_11 = arith.constant 1 : index
    %get3A_12 = arith.constant 0 : index
    %get3A_13 = arith.constant 0 : index
    %get3A_14 = vector.load %arg1[%get3A_11, %get3A_12, %get3A_13] : memref<2x1000x128xf32, #tpu.memory_space<vmem>>, vector<1x1000x128xf32>
    %get3A_15 = vector.shape_cast %get3A_14 : vector<1x1000x128xf32> to vector<1000x128xf32>
    %add3A_16 = arith.addf %get3A_10, %get3A_15 : vector<1000x128xf32>
    %slice3A_17 = vector.extract_strided_slice %add3A_16 {offsets = [0, 0], sizes = [1000, 40], strides = [1, 1]} : vector<1000x128xf32> to vector<1000x40xf32>
    %mul3A = vector.broadcast %rsqrt3A : vector<1000x1xf32> to vector<1000x40xf32>
    %mul3A_18 = arith.mulf %mul3A, %slice3A_17 : vector<1000x40xf32>
    %get3A_19 = arith.constant 0 : index
    %get3A_20 = arith.constant 0 : index
    %get3A_21 = vector.load %arg2[%get3A_19, %get3A_20] : memref<1000x40xf32, #tpu.memory_space<vmem>>, vector<1000x40xf32>
    %add3A_22 = arith.addf %mul3A_18, %get3A_21 : vector<1000x40xf32>
    %reduce_max3A = arith.constant dense<0xFF800000> : vector<1000xf32>
    %reduce_max3A_23 = vector.multi_reduction <maximumf>, %add3A_22, %reduce_max3A [1] : vector<1000x40xf32> to vector<1000xf32>
    %broadcast_in_dim3A = vector.shape_cast %reduce_max3A_23 : vector<1000xf32> to vector<1000x1xf32>
    %sub3A = vector.broadcast %broadcast_in_dim3A : vector<1000x1xf32> to vector<1000x40xf32>
    %sub3A_24 = arith.subf %add3A_22, %sub3A : vector<1000x40xf32>
    %exp3A = math.exp %sub3A_24 : vector<1000x40xf32>
    %reduce_sum3A = arith.constant dense<0.000000e+00> : vector<1000xf32>
    %reduce_sum3A_25 = vector.multi_reduction <add>, %exp3A, %reduce_sum3A [1] : vector<1000x40xf32> to vector<1000xf32>
    %broadcast_in_dim3A_26 = vector.shape_cast %reduce_sum3A_25 : vector<1000xf32> to vector<1000x1xf32>
    %log3A = math.log %broadcast_in_dim3A_26 : vector<1000x1xf32>
    %sub3A_27 = vector.broadcast %log3A : vector<1000x1xf32> to vector<1000x40xf32>
    %sub3A_28 = arith.subf %sub3A_24, %sub3A_27 : vector<1000x40xf32>
    %swap3A = arith.constant 0 : index
    %swap3A_29 = arith.constant 0 : index
    %swap3A_30 = vector.load %arg4[%swap3A, %swap3A_29] : memref<1000x40xf32, #tpu.memory_space<vmem>>, vector<1000x40xf32>
    tpu.vector_store %arg4[%swap3A, %swap3A_29], %sub3A_28 {strides = array<i32>} : memref<1000x40xf32, #tpu.memory_space<vmem>>, vector<1000x40xf32>,
    return
  }
  func.func @transform_0(%arg0: i32) -> (i32, i32, i32) {
    %c0_i32 = arith.constant 0 : i32
    %c0_i32_0 = arith.constant 0 : i32
    %c0_i32_1 = arith.constant 0 : i32
    return %c0_i32, %arg0, %c0_i32_0 : i32, i32, i32
  }
  func.func @transform_1(%arg0: i32) -> (i32, i32) {
    %c0_i32 = arith.constant 0 : i32
    %c0_i32_0 = arith.constant 0 : i32
    return %arg0, %c0_i32 : i32, i32
  }
  func.func @transform_2(%arg0: i32) -> (i32, i32) {
    %c0_i32 = arith.constant 0 : i32
    %c0_i32_0 = arith.constant 0 : i32
    return %arg0, %c0_i32 : i32, i32
  }
  func.func @transform_3(%arg0: i32) -> (i32, i32) {
    %c0_i32 = arith.constant 0 : i32
    %c0_i32_0 = arith.constant 0 : i32
    return %arg0, %c0_i32 : i32, i32
  }
}

</mosaic_0001>

<sc_bundles>
// kernel: kernel.11.cloned.1.call-start
scs
__scs_entry_jumppad:
0x0: {  	(pc) =	sbr.rel $0x88, $3  }
0x1: {  	(tag) =	ssettag $0x0;
	lr =	simm.s32 $0x1  }
0x2: {  	[smem:$0x3F9B] =	sst lr;
	_ =	strace $0xD0000000  }
0x3: {  	_ = 	snop  }
0x4: {  	_ = 	snop  }
0x5: {  	_ = 	snop  }
0x6: {  	_ = 	snop  }
0x7: {  	_ = 	snop  }
__scs_overlays_trampoline_lowered:
0x8: {  	[smem:$0x3FAA] =	sst s0  }
0x9: {  	[smem:$0x3FAB] =	sst s1  }
0xa: {  	[smem:$0x3FAC] =	sst s2  }
0xb: {  	[smem:$0x3FAD] =	sst s3  }
0xc: {  	[smem:$0x3FAE] =	sst s4  }
0xd: {  	[smem:$0x3FAF] =	sst s5  }
0xe: {  	[smem:$0x3FB0] =	sst s6  }
0xf: {  	[smem:$0x3FB1] =	sst s7  }
0x10: {  	[smem:$0x3FB2] =	sst s8  }
0x11: {  	[smem:$0x3FB3] =	sst s9;
	s0 =	simm.s32 @!p0 $0x0  }
0x12: {  	s1 =	sld [smem:$0x3F99];
	s0 =	simm.s32 @p0 $0x1  }
0x13: {  	[smem:$0x3FB4] =	sst s0;
	s0 =	simm.s32 @!p1 $0x0  }
0x14: {  	s2 =	sld [smem:$0x3F98];
	s0 =	simm.s32 @p1 $0x1  }
0x15: {  	[smem:$0x3FB5] =	sst s0;
	s0 =	simm.s32 @!p2 $0x0  }
0x16: {  	s3 =	sld [smem:$0x3FDB];
	s0 =	simm.s32 @p2 $0x1  }
0x17: {  	s4 =	simm.s32 $0x1BF5;
	[smem:$0x3FB7] =	sst s0  }
0x18: {  	s0 =	sld [smem:$0x3F9A];
	_ =	swait.ge [sflag:s4], $0x0  }
0x19: {  	s7 =	sld [smem:$0x3F9B]  }
0x1a: {  	s8 =	sadd.s32 $0xFFFFE003, lr  }
0x1b: {  	s9 =	sadd.s32 $0xFFFFFEF7, lr;
	s5 =	simm.s32 $0xFFFFFFFF;
	p2 =	slt.u32 s8, $0xFFFFF086  }
0x1c: {  	p1 =	slt.u32 s9, $0xF7A;
	s5 =	simm.s32 @!p2 $0x0  }
0x1d: {  	s5 =	simm.s32 @p1 $0x1;
	p0 =	seq.s32 s7, s2  }
0x1e: {  	s7 =	smul.u32 @!p0 $0xF7A, s2;
	p2 =	seq.s32 @!p0 s5, $0x0  }
0x1f: {  	s9 =	smul.u32 $0xF7A, s1;
	s8 =	simm.s32 @!p0 $0x1BF5;
	p2 =	por !p2, p0  }
0x20: {  	[sflag:s8] =	ssyncset.s32 @!p0 $0xFFFFF086;
	s6 =	sadd.s32 @!p0 s3, s7;
	s7 =	simm.s32 @!p0 $0x108  }
0x21: {  	s3 =	sadd.s32 s3, s9;
	s6 =	sadd.s32 @!p0 $0x88, s6;
	s7 =	simm.s32 @p2 $0x1082  }
0x22: {  	[simem:s7], [sflag:s8] =	dma.local @!p0 [hbm:s6], $0xF7A  }
0x23: {  	s9 =	sor.u32 $0xD0000000, s2;
	s6 =	simm.s32 $0x108;
	_ =	swait.ge @!p0 [sflag:s8], $0x0  }
0x24: {  	s3 =	sadd.s32 $0x88, s3;
	s6 =	simm.s32 @!p1 $0x1082;
	[sflag:s4] =	ssyncset.s32 $0xFFFFF086  }
0x25: {  	[simem:s6], [sflag:s4] =	dma.local [hbm:s3], $0xF7A  }
0x26: {  	[smem:$0x3F9B] =	sst s1;
	(tag) =	ssettag s2;
	_ =	strace s9  }
0x27: {  	s1 =	sld [smem:$0x3FAB]  }
0x28: {  	s2 =	sld [smem:$0x3FAC]  }
0x29: {  	s4 =	sld [smem:$0x3FAE]  }
0x2a: {  	p0 =	seq.s32 s5, $0x0;
	s5 =	sld [smem:$0x3FAF]  }
0x2b: {  	s6 =	sld [smem:$0x3FB0]  }
0x2c: {  	s7 =	sld [smem:$0x3FB1]  }
0x2d: {  	s3 =	simm.s32 $0x108;
	s8 =	sld [smem:$0x3FB2]  }
0x2e: {  	s3 =	simm.s32 @!p0 $0x1082;
	s9 =	sld [smem:$0x3FB3]  }
0x2f: {  	lr =	sadd.s32 s0, s3;
	s0 =	sld [smem:$0x3FAA]  }
0x30: {  	s3 =	sld [smem:$0x3FAD]  }
0x31: {  	[smem:$0x3FB6] =	sst s10  }
0x32: {  	s10 =	sld [smem:$0x3FB4];
	_ =	sdelay $0x3  }
0x33: {  	p0 =	seq.s32 s10, $0x1;
	s10 =	sld [smem:$0x3FB6];
	_ =	sdelay $0x3  }
0x34: {  	[smem:$0x3FB6] =	sst s10  }
0x35: {  	s10 =	sld [smem:$0x3FB5];
	_ =	sdelay $0x3  }
0x36: {  	p1 =	seq.s32 s10, $0x1;
	s10 =	sld [smem:$0x3FB6];
	_ =	sdelay $0x3  }
0x37: {  	[smem:$0x3FB6] =	sst s10  }
0x38: {  	s10 =	sld [smem:$0x3FB7]  }
0x39: {  	_ = 	snop;
	(pc) =	sbr.ind lr, $3  }
0x3a: {  	_ = 	snop  }
0x3b: {  	_ = 	snop  }
0x3c: {  	p2 =	seq.s32 s10, $0x1;
	s10 =	sld [smem:$0x3FB6]  }
0x3d: {  	_ =	shalt  }
0x3e: {  	_ =	shalt  }
0x3f: {  	_ =	shalt  }
0x40: {  	_ =	shalt  }
0x41: {  	_ =	shalt  }
0x42: {  	_ =	shalt  }
0x43: {  	_ =	shalt  }
0x44: {  	_ =	shalt  }
0x45: {  	_ =	shalt  }
0x46: {  	_ =	shalt  }
0x47: {  	_ =	shalt  }
0x48: {  	_ =	shalt  }
0x49: {  	_ =	shalt  }
0x4a: {  	_ =	shalt  }
0x4b: {  	_ =	shalt  }
0x4c: {  	_ =	shalt  }
0x4d: {  	_ =	shalt  }
0x4e: {  	_ =	shalt  }
0x4f: {  	_ =	shalt  }
0x50: {  	_ =	shalt  }
0x51: {  	_ =	shalt  }
0x52: {  	_ =	shalt  }
0x53: {  	_ =	shalt  }
0x54: {  	_ =	shalt  }
0x55: {  	_ =	shalt  }
0x56: {  	_ =	shalt  }
0x57: {  	_ =	shalt  }
0x58: {  	_ =	shalt  }
0x59: {  	_ =	shalt  }
0x5a: {  	_ =	shalt  }
0x5b: {  	_ =	shalt  }
0x5c: {  	_ =	shalt  }
0x5d: {  	_ =	shalt  }
0x5e: {  	_ =	shalt  }
0x5f: {  	_ =	shalt  }
0x60: {  	_ =	shalt  }
0x61: {  	_ =	shalt  }
0x62: {  	_ =	shalt  }
0x63: {  	_ =	shalt  }
0x64: {  	_ =	shalt  }
0x65: {  	_ =	shalt  }
0x66: {  	_ =	shalt  }
0x67: {  	_ =	shalt  }
0x68: {  	_ =	shalt  }
0x69: {  	_ =	shalt  }
0x6a: {  	_ =	shalt  }
0x6b: {  	_ =	shalt  }
0x6c: {  	_ =	shalt  }
0x6d: {  	_ =	shalt  }
0x6e: {  	_ =	shalt  }
0x6f: {  	_ =	shalt  }
0x70: {  	_ =	shalt  }
0x71: {  	_ =	shalt  }
0x72: {  	_ =	shalt  }
0x73: {  	_ =	shalt  }
0x74: {  	_ =	shalt  }
0x75: {  	_ =	shalt  }
0x76: {  	_ =	shalt  }
0x77: {  	_ =	shalt  }
0x78: {  	_ =	shalt  }
0x79: {  	_ =	shalt  }
0x7a: {  	_ =	shalt  }
0x7b: {  	_ =	shalt  }
0x7c: {  	_ =	shalt  }
0x7d: {  	_ =	shalt  }
0x7e: {  	_ =	shalt  }
0x7f: {  	_ =	shalt  }
0x80: {  	_ =	shalt  }
0x81: {  	_ =	shalt  }
0x82: {  	_ =	shalt  }
0x83: {  	_ =	shalt  }
0x84: {  	_ =	shalt  }
0x85: {  	_ =	shalt  }
0x86: {  	_ =	shalt  }
0x87: {  	_ =	shalt  }
.Lfunc_end0:
.L_simem_size_0:
called_computation.1_lowered:
.L_overlay_start_0:
0x88: {  	s2 =	sld [smem:$0x3FD9]  }
0x89: {  	s3 =	sld [smem:$0x3FFE];
	_ =	sdelay $0x1  }
0x8a: {  	s1 =	srdreg.scid  }
0x8b: {  	s0 =	sand.u32 $0x1, s1  }
0x8c: {  	s17 =	sshll.u32 s0, $0xA;
	s2 =	sadd.s32 s3, s2  }
0x8d: {  	s2 =	sadd.s32 s2, s17  }
0x8e: {  	[smem:$0x3FC2] =	sst s2  }
0x8f: {  	_ = 	snop  }
0x90: {  	s2 =	sld [smem:$0x3FD0];
	(tm) =	ssettm $0x1  }
0x91: {  	s18 =	sld [smem:$0x3FFB];
	_ =	sdelay $0x3  }
0x92: {  	_ =	strace s18  }
0x93: {  	s3 =	sld [smem:$0x3FFC];
	_ =	sdelay $0x3  }
0x94: {  	_ =	strace s3  }
0x95: {  	s3 =	sld [smem:$0x3FFD];
	_ =	sdelay $0x3  }
0x96: {  	_ =	strace s3  }
0x97: {  	_ =	strace $0x8FFFFFFF  }
0x98: {  	s19 =	sld [smem:$0x3FDB];
	_ =	sdelay $0x1  }
0x99: {  	s4 =	simm.s32 $_scs_section_size  }
0x9a: {  	s5 =	simm.s32 $_size__tile_overlayer_lowered;
	s6 =	simm.s32 $_tile_overlayer_lowered  }
0x9b: {  	s22 =	simm.s32 $0x1BFF;
	s21 =	sshll.u32 s6, $0x1;
	s3 =	sadd.s32 s4, s19  }
0x9c: {  	s7 =	simm.s32 $0x0;
	s20 =	sshll.u32 s5, $0x1;
	s5 =	sadd.s32 s21, s3  }
0x9d: {  	[timem:s7], [sflag:s22] =	dma.local [hbm:s5], s20  }
0x9e: {  	_ =	swait.ge [sflag:s22], s20  }
0x9f: {  	s4 =	ssub.s32 $0x0, s20;
	[sflag:s22] =	ssyncset.done $0x0  }
0xa0: {  	[sflag:s22] =	ssyncadd.s32 s4;
	_ =	sdelay $0x1  }
0xa1: {  	s23 =	simm.s32 $0x1B8B  }
0xa2: {  	_ =	swait.ge [sflag:s23], $0x1  }
0xa3: {  	[sflag:s23] =	ssyncset.done $0x0  }
0xa4: {  	s25 =	simm.s32 $0x1B8E;
	s24 =	sld [smem:$0x3FFE];
	[sflag:s23] =	ssyncadd.s32 $0xFFFFFFFF  }
0xa5: {  	s26 =	simm.s32 $execute0_lowered;
	[smem:$0x3FD2] =	sst s25  }
0xa6: {  	s5 =	sshll.u32 s26, $0x1;
	_ =	strace $0x80000049;
	[dreg:$0x1] =	wrdreg $0xFFFFFFFF  }
0xa7: {  	s28 =	simm.s32 $_size_execute0_lowered;
	s3 =	sadd.s32 s3, s5;
	[dreg:$0x0] =	wrdreg $0x0  }
0xa8: {  	s5 =	sshll.u32 s28, $0x1;
	[dreg:$0x2] =	wrdreg s3  }
0xa9: {  	[dreg:$0x3] =	wrdreg s5  }
0xaa: {  	[dreg:$0x4] =	wrdreg $0xC0  }
0xab: {  	_ =	task [dreg:s7], $0x5FFFF  }
0xac: {  	[dreg:$0x1] =	wrdreg $0xFFFFFFFF  }
0xad: {  	[dreg:$0x0] =	wrdreg $0x60  }
0xae: {  	[dreg:$0x2] =	wrdreg s24  }
0xaf: {  	[dreg:$0x3] =	wrdreg s2  }
0xb0: {  	[dreg:$0x4] =	wrdreg $0x0  }
0xb1: {  	[dreg:$0x5] =	wrdreg $0x9  }
0xb2: {  	_ =	task.clear_ibuf [dreg:s7], $0x6FFFF;
	_ =	strace $0x90000049  }
0xb3: {  	s29 =	simm.s32 $0x9;
	_ =	strace $0x8000004B  }
0xb4: {  	_ =	swait.ge [sflag:s29], $0x1  }
0xb5: {  	[sflag:s29] =	ssyncadd.s32 $0xFFFFFFFF  }
0xb6: {  	_ =	strace $0x9000004B  }
0xb7: {  	_ =	sfence  }
0xb8: {  	s30 =	sld [smem:$0x0];
	_ =	sdelay $0x2  }
0xb9: {  	s31 =	sshll.u32 s1, $0xD;
	s1 =	sshrl.u32 s1, $0x2  }
0xba: {  	s3 =	sand.u32 $0x4000, s31;
	s1 =	sadd.s32 s1, s30  }
0xbb: {  	s0 =	sor.u32 s3, s0;
	s1 =	sshll.u32 s1, $0x11  }
0xbc: {  	s0 =	sor.u32 s1, s0  }
0xbd: {  	s0 =	sadd.s32 $0x8F2B, s0  }
0xbe: {  	[sflag:s0] =	ssyncadd.remote.s32 $0x1  }
0xbf: {  	_ =	sfence.sel $0xFFFF  }
0xc0: {  	[dreg:$0x0] =	wrdreg $0xFFFFFFFF;
	(pc) =	sbr.abs _section_cstart, $3  }
0xc1: {  	[dreg:$0x1] =	wrdreg $0xFFFFFFFF  }
0xc2: {  	_ =	task.clear_ibuf [dreg:s7], $0x2FFFF;
	_ =	strace $0x9FFFFFFF  }
0xc3: {  	(tm) =	ssettm $0x7FFFFFFF  }
tec
execute0_lowered:
.L_overlay_start_1:
0x0: {  	(tag) =	ssettag $0x1  }
0x1: {  	s0 =	rddreg [dreg:$0x0]  }
0x2: {  	s1 =	rddreg [dreg:$0x1]  }
0x3: {  	s2 =	rddreg [dreg:$0x2]  }
0x4: {  	s3 =	srdreg.scid;
	s4 =	simm.s32 $0x0;
	s18 =	stileid.u32  }
0x5: {  	s28 =	simm.s32 $0x13E80;
	s29 =	simm.s32 $0x1BF00;
	s30 =	simm.s32 $0x1  }
0x6: {  	s31 =	simm.s32 $0x2;
	s3 =	sand.u32 $0x1, s3;
	[smem:$0x7FF] =	sst s4  }
0x7: {  	s8 =	smul.u32 $0x13C00, s18;
	s5 =	sadd.s32 $0xBA00, s0;
	s6 =	sadd.s32 $0x1C00, s0  }
0x8: {  	s9 =	sadd.s32 $0x32C00, s0;
	s26 =	sshll.u32 s18, $0x5;
	s15 =	sshll.u32 s18, $0x8  }
0x9: {  	p0 =	sgt.u32 s18, $0x1;
	s7 =	smul.u32 $0x13C000, s3;
	_ =	strace $0x8000004A  }
0xa: {  	[dreg:$0x8] =	wrdreg s9;
	s25 =	ssub.s32 $0x2, s3;
	s10 =	sshll.u32 s3, $0x4  }
0xb: {  	s3 =	sshll.u32 s3, $0x7;
	s24 =	sadd.s32 s26, s1;
	s9 =	sadd.s32 s26, s6  }
0xc: {  	s11 =	sshrl.u32 s25, $0x1;
	s12 =	sor.u32 s10, s26;
	s3 =	sor.u32 s3, s15  }
0xd: {  	s9 =	sadd.s32 s10, s9;
	s7 =	sadd.s32 s8, s7;
	s13 =	sadd.s32 s1, s12  }
0xe: {  	s14 =	sadd.s32 s6, s12;
	s16 =	sor.u32 $0x200, s12;
	s20 =	sor.u32 $0x4000, s3  }
0xf: {  	s26 =	sadd.s32 $0x400, s9;
	s7 =	sshrl.u32 s7, $0x3;
	[dreg:$0x9] =	wrdreg s13  }
0x10: {  	[dreg:$0xa] =	wrdreg s14;
	s13 =	smul.u32 $0x4F000, s18;
	s17 =	sadd.s32 s1, s16  }
0x11: {  	s19 =	sadd.s32 s6, s16;
	s14 =	sor.u32 $0x9C00, s12;
	s8 =	sshrl.u32 s20, $0x3  }
0x12: {  	[dreg:$0x7] =	wrdreg s26;
	s20 =	simm.s32 $0x13D80;
	s26 =	simm.s32 $0x13D00  }
0x13: {  	s0 =	sadd.s32 s7, s0;
	s7 =	ssub.s32 s25, s11;
	[dreg:$0xb] =	wrdreg s17  }
0x14: {  	[dreg:$0xc] =	wrdreg s19;
	s22 =	sadd.s32 s1, s14;
	s15 =	sadd.s32 s8, s6  }
0x15: {  	s23 =	sadd.s32 s6, s14;
	s8 =	sadd.s32 s8, s1;
	[dreg:$0xe] =	wrdreg s22  }
0x16: {  	s17 =	sor.u32 $0x3000, s3;
	s19 =	simm.s32 $0x3;
	[dreg:$0xf] =	wrdreg s23  }
0x17: {  	s13 =	sshrl.u32 s13, $0x2;
	[dreg:$0x4] =	wrdreg s15;
	s15 =	sadd.s32 s10, s24  }
0x18: {  	[dreg:$0x5] =	wrdreg s8;
	s0 =	sadd.s32 $0x35400, s0;
	s16 =	smax.u32 s7, $0x1  }
0x19: {  	s22 =	simm.s32 $0x13F00;
	s21 =	sadd.s32 s13, s2;
	[dreg:$0x10] =	wrdreg s0  }
0x1a: {  	s23 =	simm.s32 $0x13C80;
	s25 =	sadd.s32 $0x400, s15;
	[dreg:$0xd] =	wrdreg s21  }
0x1b: {  	s0 =	simm.s32 $0x0;
	[dreg:$0x6] =	wrdreg s25;
	s21 =	simm.s32 $0x80  }
.LBB2_1:
0x1c: {  	s3 =	rddreg [dreg:$0x9];
	s7 =	simm.s32 $0x13C00  }
0x1d: {  	[tilespmem:s7], [sflag:$0x3] =	stream.linear.gather [hbm4b:s3+s4], $0x80, $0x38;
	[tilespmem:$0x1FF00] =	vst v63  }
0x1e: {  	_ =	swait.ge [sflag:s19], $0x80  }
0x1f: {  	[sflag:s19] =	ssyncset.done $0x0  }
0x20: {  	s25 =	rddreg [dreg:$0xa];
	[sflag:s19] =	ssyncadd.s32 $0xFFFFFF80  }
0x21: {  	[tilespmem:s20], [sflag:$0x3] =	stream.linear.gather [hbm4b:s25+s4], $0x80, $0x38;
	[tilespmem:$0x1FF00] =	vst v63  }
0x22: {  	_ =	swait.ge [sflag:s19], $0x80  }
0x23: {  	[sflag:s19] =	ssyncset.done $0x0  }
0x24: {  	[sflag:s19] =	ssyncadd.s32 $0xFFFFFF80  }
0x25: {  	[tilespmem:s22], [sflag:$0x1] =	stream.indirect.gather [hbm4b:s5+s21], $0x80, s7, s21, $0xb8;
	[tilespmem:$0x1FF00] =	vst v63  }
0x26: {  	s7 =	rddreg [dreg:$0xb]  }
0x27: {  	[tilespmem:s23], [sflag:$0x3] =	stream.linear.gather [hbm4b:s7+s4], $0x80, $0x38;
	[tilespmem:$0x1FF00] =	vst v63  }
0x28: {  	_ =	swait.ge [sflag:s19], $0x80  }
0x29: {  	s9 =	simm.s32 $0x13E00;
	[sflag:s19] =	ssyncset.done $0x0  }
0x2a: {  	s11 =	stileid.u32;
	s8 =	rddreg [dreg:$0xc];
	[sflag:s19] =	ssyncadd.s32 $0xFFFFFF80  }
0x2b: {  	[tilespmem:s9], [sflag:$0x3] =	stream.linear.gather [hbm4b:s8+s4], $0x80, $0x38;
	[tilespmem:$0x1FF00] =	vst v63  }
0x2c: {  	s10 =	simm.s32 $0x17F00;
	s3 =	sshll.u32 s11, $0x6;
	_ =	swait.ge [sflag:s19], $0x80  }
0x2d: {  	s24 =	sor.u32 $0x1C03, s3;
	[sflag:s19] =	ssyncset.done $0x0;
	s12 =	rddreg [dreg:$0xd]  }
0x2e: {  	s13 =	rddreg [dreg:$0x8];
	[sflag:s19] =	ssyncadd.s32 $0xFFFFFF80;
	s25 =	sshrl.u32 s12, $0x3  }
0x2f: {  	[tilespmem:s10], [sflag:$0x1] =	stream.indirect.gather [hbm4b:s5+s21], $0x80, s23, s21, $0xb8;
	[tilespmem:$0x1FF00] =	vst v63  }
0x30: {  	[spmem:s25], [sflag:s24] =	dma.local [hbm:s13], $0x2780  }
0x31: {  	_ =	swait.ge [sflag:s19], $0x2780  }
0x32: {  	[sflag:s19] =	ssyncset.done $0x0  }
0x33: {  	p1 =	por $0x1, $0x1;
	[sflag:s19] =	ssyncadd.s32 $0xFFFFD880  }
0x34: {  	s3 =	simm.s32 @!p1 $0x2;
	[bflag:$0x0] =	sbarrier.arrive $0xFFFF  }
0x35: {  	_ =	swait.ge @!p1 [sflag:s3], $0x4000  }
0x36: {  	s14 =	rddreg [dreg:$0x6];
	[sflag:s3] =	ssyncset.done @!p1 $0x0  }
0x37: {  	[sflag:s3] =	ssyncadd.s32 @!p1 $0xFFFFC000;
	s15 =	sadd.s32 $0x0, s14  }
0x38: {  	[tilespmem:s26], [sflag:$0x3] =	stream.linear.gather [hbm4b:s15+s4], $0x80, $0x38;
	[tilespmem:$0x1FF00] =	vst v63  }
0x39: {  	_ =	swait.ge [sflag:s19], $0x80  }
0x3a: {  	s18 =	rddreg [dreg:$0x7];
	[sflag:s19] =	ssyncset.done $0x0  }
0x3b: {  	[sflag:s19] =	ssyncadd.s32 $0xFFFFFF80;
	s3 =	sadd.s32 $0x0, s18  }
0x3c: {  	[tilespmem:s28], [sflag:$0x3] =	stream.linear.gather [hbm4b:s3+s4], $0x80, $0x38;
	[tilespmem:$0x1FF00] =	vst v63  }
0x3d: {  	_ =	swait.ge [sflag:s19], $0x80  }
0x3e: {  	[sflag:s19] =	ssyncset.done $0x0  }
0x3f: {  	[sflag:s19] =	ssyncadd.s32 $0xFFFFFF80  }
0x40: {  	[tilespmem:s29], [sflag:$0x1] =	stream.indirect.gather [hbm4b:s5+s21], $0x80, s26, s21, $0xb8;
	[tilespmem:$0x1FF00] =	vst v63  }
0x41: {  	_ =	swait.ge [sflag:s30], $0x4000  }
0x42: {  	p1 =	por $0x0, $0x0;
	[sflag:s30] =	ssyncset.done $0x0  }
0x43: {  	s3 =	simm.s32 @p1 $0x1;
	[sflag:s30] =	ssyncadd.s32 $0xFFFFC000  }
0x44: {  	[spmem:s2] =	stream.indirect.scatter.add.f32 [tilespmem:s22], [sflag:$0x2], $0x80, s20, s21, $0xb8;
	[tilespmem:$0x1FF00] =	vst v63  }
0x45: {  	_ =	swait.ge @p1 [sflag:s3], $0x4000  }
0x46: {  	s7 =	simm.s32 @p1 $0x17F00;
	s8 =	simm.s32 @p1 $0x80;
	[sflag:s3] =	ssyncset.done @p1 $0x0  }
0x47: {  	s9 =	simm.s32 @p1 $0x13E00;
	[sflag:s3] =	ssyncadd.s32 @p1 $0xFFFFC000;
	s3 =	simm.s32 @!p1 $0x2  }
0x48: {  	[spmem:s2] =	stream.indirect.scatter.add.f32 @p1 [tilespmem:s7], [sflag:$0x2], $0x80, s9, s8, $0xb8;
	[tilespmem:$0x1FF00] =	vst v63  }
0x49: {  	s10 =	simm.s32 @!p1 $0x13C00;
	_ =	swait.ge @!p1 [sflag:s3], $0x4000  }
0x4a: {  	s11 =	simm.s32 @!p1 $0x3;
	s7 =	sshrl.u32 @!p1 s17, $0x3;
	[sflag:s3] =	ssyncset.done @!p1 $0x0  }
0x4b: {  	s9 =	simm.s32 @!p1 $0x0;
	s8 =	sadd.s32 @!p1 s1, s7;
	[sflag:s3] =	ssyncadd.s32 @!p1 $0xFFFFC000  }
0x4c: {  	[tilespmem:s10], [sflag:$0x3] =	stream.linear.gather @!p1 [hbm4b:s8+s9], $0x80, $0x38;
	[tilespmem:$0x1FF00] =	vst v63  }
0x4d: {  	_ =	swait.ge @!p1 [sflag:s11], $0x80  }
0x4e: {  	[sflag:s11] =	ssyncset.done @!p1 $0x0  }
0x4f: {  	s7 =	sadd.s32 @!p1 s6, s7;
	s8 =	simm.s32 @!p1 $0x13D80;
	[sflag:s11] =	ssyncadd.s32 @!p1 $0xFFFFFF80  }
0x50: {  	[tilespmem:s8], [sflag:$0x3] =	stream.linear.gather @!p1 [hbm4b:s7+s9], $0x80, $0x38;
	[tilespmem:$0x1FF00] =	vst v63  }
0x51: {  	_ =	swait.ge @!p1 [sflag:s11], $0x80  }
0x52: {  	s12 =	simm.s32 @!p1 $0x1;
	[sflag:s11] =	ssyncset.done @!p1 $0x0  }
0x53: {  	s7 =	simm.s32 @!p1 $0x80;
	s8 =	simm.s32 @!p1 $0x13F00;
	[sflag:s11] =	ssyncadd.s32 @!p1 $0xFFFFFF80  }
0x54: {  	[tilespmem:s8], [sflag:$0x1] =	stream.indirect.gather @!p1 [hbm4b:s5+s7], $0x80, s10, s7, $0xb8;
	[tilespmem:$0x1FF00] =	vst v63  }
0x55: {  	_ =	swait.ge @!p1 [sflag:s12], $0x4000  }
0x56: {  	[sflag:s12] =	ssyncset.done @!p1 $0x0  }
0x57: {  	s8 =	simm.s32 @!p1 $0x13E00;
	s10 =	simm.s32 @!p1 $0x17F00;
	[sflag:s12] =	ssyncadd.s32 @!p1 $0xFFFFC000  }
0x58: {  	[spmem:s2] =	stream.indirect.scatter.add.f32 @!p1 [tilespmem:s10], [sflag:$0x2], $0x80, s8, s7, $0xb8;
	[tilespmem:$0x1FF00] =	vst v63  }
0x59: {  	_ =	swait.ge @!p1 [sflag:s3], $0x4000  }
0x5a: {  	s12 =	rddreg [dreg:$0x5];
	[sflag:s3] =	ssyncset.done @!p1 $0x0  }
0x5b: {  	[sflag:s3] =	ssyncadd.s32 @!p1 $0xFFFFC000;
	s3 =	simm.s32 @!p1 $0x13C80;
	s12 =	sadd.s32 @!p1 $0x0, s12  }
0x5c: {  	[tilespmem:s3], [sflag:$0x3] =	stream.linear.gather @!p1 [hbm4b:s12+s9], $0x80, $0x38;
	[tilespmem:$0x1FF00] =	vst v63  }
0x5d: {  	_ =	swait.ge @!p1 [sflag:s11], $0x80  }
0x5e: {  	s12 =	rddreg [dreg:$0x4];
	[sflag:s11] =	ssyncset.done @!p1 $0x0  }
0x5f: {  	[sflag:s11] =	ssyncadd.s32 @!p1 $0xFFFFFF80;
	s12 =	sadd.s32 @!p1 $0x0, s12  }
0x60: {  	[tilespmem:s8], [sflag:$0x3] =	stream.linear.gather @!p1 [hbm4b:s12+s9], $0x80, $0x38;
	[tilespmem:$0x1FF00] =	vst v63  }
0x61: {  	_ =	swait.ge @!p1 [sflag:s11], $0x80  }
0x62: {  	[sflag:s11] =	ssyncset.done @!p1 $0x0  }
0x63: {  	p2 =	por $0x0, $0x0;
	s8 =	simm.s32 $0xC00;
	[sflag:s11] =	ssyncadd.s32 @!p1 $0xFFFFFF80  }
0x64: {  	[tilespmem:s10], [sflag:$0x1] =	stream.indirect.gather @!p1 [hbm4b:s5+s7], $0x80, s3, s7, $0xb8;
	[tilespmem:$0x1FF00] =	vst v63  }
0x65: {  	s3 =	simm.s32 $0x600;
	s7 =	sadd.s32 $0x3000, s17;
	_ =	swait.ge [sflag:s30], $0x4000  }
.LBB2_2:
0x66: {  	[sflag:s30] =	ssyncset.done $0x0  }
0x67: {  	s10 =	simm.s32 @!p2 $0x2;
	[sflag:s30] =	ssyncadd.s32 $0xFFFFC000  }
0x68: {  	[spmem:s2] =	stream.indirect.scatter.add.f32 [tilespmem:s29], [sflag:$0x2], $0x80, s28, s21, $0xb8;
	[tilespmem:$0x1FF00] =	vst v63  }
0x69: {  	_ =	swait.ge @!p2 [sflag:s10], $0x4000  }
0x6a: {  	[sflag:s10] =	ssyncset.done @!p2 $0x0;
	s11 =	rddreg [dreg:$0x6]  }
0x6b: {  	[sflag:s10] =	ssyncadd.s32 @!p2 $0xFFFFC000;
	s15 =	sadd.s32 s3, s11  }
0x6c: {  	[tilespmem:s26], [sflag:$0x3] =	stream.linear.gather [hbm4b:s15+s4], $0x80, $0x38;
	[tilespmem:$0x1FF00] =	vst v63  }
0x6d: {  	_ =	swait.ge [sflag:s19], $0x80  }
0x6e: {  	s18 =	rddreg [dreg:$0x7];
	[sflag:s19] =	ssyncset.done $0x0  }
0x6f: {  	[sflag:s19] =	ssyncadd.s32 $0xFFFFFF80;
	s10 =	sadd.s32 s3, s18  }
0x70: {  	[tilespmem:s28], [sflag:$0x3] =	stream.linear.gather [hbm4b:s10+s4], $0x80, $0x38;
	[tilespmem:$0x1FF00] =	vst v63  }
0x71: {  	_ =	swait.ge [sflag:s19], $0x80  }
0x72: {  	[sflag:s19] =	ssyncset.done $0x0  }
0x73: {  	[sflag:s19] =	ssyncadd.s32 $0xFFFFFF80  }
0x74: {  	[tilespmem:s29], [sflag:$0x1] =	stream.indirect.gather [hbm4b:s5+s21], $0x80, s26, s21, $0xb8;
	[tilespmem:$0x1FF00] =	vst v63  }
0x75: {  	_ =	swait.ge [sflag:s30], $0x4000  }
0x76: {  	p2 =	seq.s32 s3, $0x9600;
	[sflag:s30] =	ssyncset.done $0x0  }
0x77: {  	s10 =	simm.s32 @p2 $0x1;
	[sflag:s30] =	ssyncadd.s32 $0xFFFFC000  }
0x78: {  	[spmem:s2] =	stream.indirect.scatter.add.f32 [tilespmem:s22], [sflag:$0x2], $0x80, s20, s21, $0xb8;
	[tilespmem:$0x1FF00] =	vst v63  }
0x79: {  	_ =	swait.ge @p2 [sflag:s10], $0x4000  }
0x7a: {  	s12 =	simm.s32 @p2 $0x17F00;
	s14 =	simm.s32 @p2 $0x80;
	[sflag:s10] =	ssyncset.done @p2 $0x0  }
0x7b: {  	s15 =	simm.s32 @!p2 $0x2;
	s18 =	simm.s32 @p2 $0x13E00;
	[sflag:s10] =	ssyncadd.s32 @p2 $0xFFFFC000  }
0x7c: {  	[spmem:s2] =	stream.indirect.scatter.add.f32 @p2 [tilespmem:s12], [sflag:$0x2], $0x80, s18, s14, $0xb8;
	[tilespmem:$0x1FF00] =	vst v63  }
0x7d: {  	s11 =	sshrl.u32 @!p2 s7, $0x3;
	_ =	swait.ge @!p2 [sflag:s15], $0x4000  }
0x7e: {  	s13 =	sadd.s32 @!p2 s1, s11;
	s10 =	simm.s32 @!p2 $0x3;
	[sflag:s15] =	ssyncset.done @!p2 $0x0  }
0x7f: {  	s12 =	simm.s32 @!p2 $0x0;
	s14 =	simm.s32 @!p2 $0x13C00;
	[sflag:s15] =	ssyncadd.s32 @!p2 $0xFFFFC000  }
0x80: {  	[tilespmem:s14], [sflag:$0x3] =	stream.linear.gather @!p2 [hbm4b:s13+s12], $0x80, $0x38;
	[tilespmem:$0x1FF00] =	vst v63  }
0x81: {  	_ =	swait.ge @!p2 [sflag:s10], $0x80  }
0x82: {  	[sflag:s10] =	ssyncset.done @!p2 $0x0  }
0x83: {  	s11 =	sadd.s32 @!p2 s6, s11;
	s13 =	simm.s32 @!p2 $0x13D80;
	[sflag:s10] =	ssyncadd.s32 @!p2 $0xFFFFFF80  }
0x84: {  	[tilespmem:s13], [sflag:$0x3] =	stream.linear.gather @!p2 [hbm4b:s11+s12], $0x80, $0x38;
	[tilespmem:$0x1FF00] =	vst v63  }
0x85: {  	_ =	swait.ge @!p2 [sflag:s10], $0x80  }
0x86: {  	s18 =	simm.s32 @!p2 $0x1;
	[sflag:s10] =	ssyncset.done @!p2 $0x0  }
0x87: {  	s11 =	simm.s32 @!p2 $0x80;
	s13 =	simm.s32 @!p2 $0x13F00;
	[sflag:s10] =	ssyncadd.s32 @!p2 $0xFFFFFF80  }
0x88: {  	[tilespmem:s13], [sflag:$0x1] =	stream.indirect.gather @!p2 [hbm4b:s5+s11], $0x80, s14, s11, $0xb8;
	[tilespmem:$0x1FF00] =	vst v63  }
0x89: {  	_ =	swait.ge @!p2 [sflag:s18], $0x4000  }
0x8a: {  	[sflag:s18] =	ssyncset.done @!p2 $0x0  }
0x8b: {  	s13 =	simm.s32 @!p2 $0x13E00;
	s14 =	simm.s32 @!p2 $0x17F00;
	[sflag:s18] =	ssyncadd.s32 @!p2 $0xFFFFC000  }
0x8c: {  	[spmem:s2] =	stream.indirect.scatter.add.f32 @!p2 [tilespmem:s14], [sflag:$0x2], $0x80, s13, s11, $0xb8;
	[tilespmem:$0x1FF00] =	vst v63  }
0x8d: {  	_ =	swait.ge @!p2 [sflag:s15], $0x4000  }
0x8e: {  	[sflag:s15] =	ssyncset.done @!p2 $0x0;
	s18 =	rddreg [dreg:$0x5]  }
0x8f: {  	[sflag:s15] =	ssyncadd.s32 @!p2 $0xFFFFC000;
	s15 =	simm.s32 @!p2 $0x13C80;
	s18 =	sadd.s32 @!p2 s3, s18  }
0x90: {  	[tilespmem:s15], [sflag:$0x3] =	stream.linear.gather @!p2 [hbm4b:s18+s12], $0x80, $0x38;
	[tilespmem:$0x1FF00] =	vst v63  }
0x91: {  	s9 =	smov.u32 s8;
	_ =	swait.ge @!p2 [sflag:s10], $0x80  }
0x92: {  	s8 =	sadd.s32 $0x600, s8;
	[sflag:s10] =	ssyncset.done @!p2 $0x0;
	s18 =	rddreg [dreg:$0x4]  }
0x93: {  	p1 =	sne.s32 s8, $0x9C00;
	[sflag:s10] =	ssyncadd.s32 @!p2 $0xFFFFFF80;
	s18 =	sadd.s32 @!p2 s3, s18  }
0x94: {  	[tilespmem:s13], [sflag:$0x3] =	stream.linear.gather @!p2 [hbm4b:s18+s12], $0x80, $0x38;
	[tilespmem:$0x1FF00] =	vst v63  }
.Ltmp0:
0x95: {  	_ =	swait.ge @!p2 [sflag:s10], $0x80;
	(pc) =	sbr.rel @p1 .LBB2_2-.Ltmp0, $4  }
0x96: {  	[sflag:s10] =	ssyncset.done @!p2 $0x0  }
0x97: {  	s3 =	smov.u32 s9;
	[sflag:s10] =	ssyncadd.s32 @!p2 $0xFFFFFF80  }
0x98: {  	[tilespmem:s14], [sflag:$0x1] =	stream.indirect.gather @!p2 [hbm4b:s5+s11], $0x80, s15, s11, $0xb8;
	[tilespmem:$0x1FF00] =	vst v63  }
0x99: {  	s7 =	sadd.s32 $0x3000, s7;
	p2 =	seq.s32 s3, $0x0;
	_ =	swait.ge [sflag:s30], $0x4000  }
0x9a: {  	[sflag:s30] =	ssyncset.done $0x0  }
0x9b: {  	s8 =	simm.s32 @!p2 $0x2;
	[sflag:s30] =	ssyncadd.s32 $0xFFFFC000  }
0x9c: {  	[spmem:s2] =	stream.indirect.scatter.add.f32 [tilespmem:s29], [sflag:$0x2], $0x80, s28, s21, $0xb8;
	[tilespmem:$0x1FF00] =	vst v63  }
0x9d: {  	_ =	swait.ge @!p2 [sflag:s8], $0x4000  }
0x9e: {  	s9 =	rddreg [dreg:$0x6];
	[sflag:s8] =	ssyncset.done @!p2 $0x0  }
0x9f: {  	[sflag:s8] =	ssyncadd.s32 @!p2 $0xFFFFC000;
	s14 =	sadd.s32 s3, s9  }
0xa0: {  	[tilespmem:s26], [sflag:$0x3] =	stream.linear.gather [hbm4b:s14+s4], $0x80, $0x38;
	[tilespmem:$0x1FF00] =	vst v63  }
0xa1: {  	_ =	swait.ge [sflag:s19], $0x80  }
0xa2: {  	s15 =	rddreg [dreg:$0x7];
	[sflag:s19] =	ssyncset.done $0x0  }
0xa3: {  	[sflag:s19] =	ssyncadd.s32 $0xFFFFFF80;
	s8 =	sadd.s32 s3, s15  }
0xa4: {  	[tilespmem:s28], [sflag:$0x3] =	stream.linear.gather [hbm4b:s8+s4], $0x80, $0x38;
	[tilespmem:$0x1FF00] =	vst v63  }
0xa5: {  	_ =	swait.ge [sflag:s19], $0x80  }
0xa6: {  	[sflag:s19] =	ssyncset.done $0x0  }
0xa7: {  	[sflag:s19] =	ssyncadd.s32 $0xFFFFFF80  }
0xa8: {  	[tilespmem:s29], [sflag:$0x1] =	stream.indirect.gather [hbm4b:s5+s21], $0x80, s26, s21, $0xb8;
	[tilespmem:$0x1FF00] =	vst v63  }
0xa9: {  	_ =	swait.ge [sflag:s30], $0x4000  }
0xaa: {  	p1 =	seq.s32 s3, $0x9600;
	[sflag:s30] =	ssyncset.done $0x0  }
0xab: {  	s8 =	simm.s32 @p1 $0x1;
	[sflag:s30] =	ssyncadd.s32 $0xFFFFC000  }
0xac: {  	[spmem:s2] =	stream.indirect.scatter.add.f32 [tilespmem:s22], [sflag:$0x2], $0x80, s20, s21, $0xb8;
	[tilespmem:$0x1FF00] =	vst v63  }
0xad: {  	_ =	swait.ge @p1 [sflag:s8], $0x4000  }
0xae: {  	s10 =	simm.s32 @p1 $0x80;
	s11 =	simm.s32 @p1 $0x13E00;
	[sflag:s8] =	ssyncset.done @p1 $0x0  }
0xaf: {  	s9 =	simm.s32 @p1 $0x17F00;
	[sflag:s8] =	ssyncadd.s32 @p1 $0xFFFFC000;
	s8 =	simm.s32 @!p1 $0x2  }
0xb0: {  	[spmem:s2] =	stream.indirect.scatter.add.f32 @p1 [tilespmem:s9], [sflag:$0x2], $0x80, s11, s10, $0xb8;
	[tilespmem:$0x1FF00] =	vst v63  }
0xb1: {  	s7 =	sshrl.u32 @!p1 s7, $0x3;
	_ =	swait.ge @!p1 [sflag:s8], $0x4000  }
0xb2: {  	s12 =	simm.s32 @!p1 $0x3;
	s9 =	sadd.s32 @!p1 s1, s7;
	[sflag:s8] =	ssyncset.done @!p1 $0x0  }
0xb3: {  	s10 =	simm.s32 @!p1 $0x0;
	s11 =	simm.s32 @!p1 $0x13C00;
	[sflag:s8] =	ssyncadd.s32 @!p1 $0xFFFFC000  }
0xb4: {  	[tilespmem:s11], [sflag:$0x3] =	stream.linear.gather @!p1 [hbm4b:s9+s10], $0x80, $0x38;
	[tilespmem:$0x1FF00] =	vst v63  }
0xb5: {  	_ =	swait.ge @!p1 [sflag:s12], $0x80  }
0xb6: {  	[sflag:s12] =	ssyncset.done @!p1 $0x0  }
0xb7: {  	s7 =	sadd.s32 @!p1 s6, s7;
	s9 =	simm.s32 @!p1 $0x13D80;
	[sflag:s12] =	ssyncadd.s32 @!p1 $0xFFFFFF80  }
0xb8: {  	[tilespmem:s9], [sflag:$0x3] =	stream.linear.gather @!p1 [hbm4b:s7+s10], $0x80, $0x38;
	[tilespmem:$0x1FF00] =	vst v63  }
0xb9: {  	_ =	swait.ge @!p1 [sflag:s12], $0x80  }
0xba: {  	s13 =	simm.s32 @!p1 $0x1;
	[sflag:s12] =	ssyncset.done @!p1 $0x0  }
0xbb: {  	s7 =	simm.s32 @!p1 $0x80;
	s9 =	simm.s32 @!p1 $0x13F00;
	[sflag:s12] =	ssyncadd.s32 @!p1 $0xFFFFFF80  }
0xbc: {  	[tilespmem:s9], [sflag:$0x1] =	stream.indirect.gather @!p1 [hbm4b:s5+s7], $0x80, s11, s7, $0xb8;
	[tilespmem:$0x1FF00] =	vst v63  }
0xbd: {  	_ =	swait.ge @!p1 [sflag:s13], $0x4000  }
0xbe: {  	[sflag:s13] =	ssyncset.done @!p1 $0x0  }
0xbf: {  	s9 =	simm.s32 @!p1 $0x13E00;
	s11 =	simm.s32 @!p1 $0x17F00;
	[sflag:s13] =	ssyncadd.s32 @!p1 $0xFFFFC000  }
0xc0: {  	[spmem:s2] =	stream.indirect.scatter.add.f32 @!p1 [tilespmem:s11], [sflag:$0x2], $0x80, s9, s7, $0xb8;
	[tilespmem:$0x1FF00] =	vst v63  }
0xc1: {  	_ =	swait.ge @!p1 [sflag:s8], $0x4000  }
0xc2: {  	s13 =	rddreg [dreg:$0x5];
	[sflag:s8] =	ssyncset.done @!p1 $0x0  }
0xc3: {  	[sflag:s8] =	ssyncadd.s32 @!p1 $0xFFFFC000;
	s8 =	simm.s32 @!p1 $0x13C80;
	s13 =	sadd.s32 @!p1 s3, s13  }
0xc4: {  	[tilespmem:s8], [sflag:$0x3] =	stream.linear.gather @!p1 [hbm4b:s13+s10], $0x80, $0x38;
	[tilespmem:$0x1FF00] =	vst v63  }
0xc5: {  	_ =	swait.ge @!p1 [sflag:s12], $0x80  }
0xc6: {  	s13 =	rddreg [dreg:$0x4];
	[sflag:s12] =	ssyncset.done @!p1 $0x0  }
0xc7: {  	s3 =	sadd.s32 @!p1 s3, s13;
	[sflag:s12] =	ssyncadd.s32 @!p1 $0xFFFFFF80  }
0xc8: {  	[tilespmem:s9], [sflag:$0x3] =	stream.linear.gather @!p1 [hbm4b:s3+s10], $0x80, $0x38;
	[tilespmem:$0x1FF00] =	vst v63  }
0xc9: {  	_ =	swait.ge @!p1 [sflag:s12], $0x80  }
0xca: {  	[sflag:s12] =	ssyncset.done @!p1 $0x0  }
0xcb: {  	[sflag:s12] =	ssyncadd.s32 @!p1 $0xFFFFFF80  }
0xcc: {  	[tilespmem:s11], [sflag:$0x1] =	stream.indirect.gather @!p1 [hbm4b:s5+s7], $0x80, s8, s7, $0xb8;
	[tilespmem:$0x1FF00] =	vst v63  }
0xcd: {  	_ =	swait.ge [sflag:s30], $0x4000  }
0xce: {  	[sflag:s30] =	ssyncset.done $0x0  }
0xcf: {  	[sflag:s30] =	ssyncadd.s32 $0xFFFFC000  }
0xd0: {  	[spmem:s2] =	stream.indirect.scatter.add.f32 [tilespmem:s29], [sflag:$0x2], $0x80, s28, s21, $0xb8;
	[tilespmem:$0x1FF00] =	vst v63  }
0xd1: {  	_ =	swait.ge [sflag:s31], $0x4000  }
0xd2: {  	[sflag:s31] =	ssyncset.done $0x0  }
0xd3: {  	[sflag:s31] =	ssyncadd.s32 $0xFFFFC000  }
0xd4: {  	_ =	swait.ge [sflag:s31], $0x4000  }
0xd5: {  	[sflag:s31] =	ssyncset.done $0x0  }
0xd6: {  	[sflag:s31] =	ssyncadd.s32 $0xFFFFC000  }
0xd7: {  	_ =	swait.ge [sflag:s31], $0x4000  }
0xd8: {  	s3 =	simm.s32 @!p0 $0x0;
	[sflag:s31] =	ssyncset.done $0x0  }
0xd9: {  	s7 =	simm.s32 @!p0 $0x13C00;
	s8 =	rddreg [dreg:$0xe];
	[sflag:s31] =	ssyncadd.s32 $0xFFFFC000  }
0xda: {  	[tilespmem:s7], [sflag:$0x3] =	stream.linear.gather @!p0 [hbm4b:s8+s3], $0x80, $0x38;
	[tilespmem:$0x1FF00] =	vst v63  }
0xdb: {  	s8 =	simm.s32 @!p0 $0x3  }
0xdc: {  	_ =	swait.ge @!p0 [sflag:s8], $0x80  }
0xdd: {  	[sflag:s8] =	ssyncset.done @!p0 $0x0  }
0xde: {  	s9 =	simm.s32 @!p0 $0x13D80;
	s10 =	rddreg [dreg:$0xf];
	[sflag:s8] =	ssyncadd.s32 @!p0 $0xFFFFFF80  }
0xdf: {  	[tilespmem:s9], [sflag:$0x3] =	stream.linear.gather @!p0 [hbm4b:s10+s3], $0x80, $0x38;
	[tilespmem:$0x1FF00] =	vst v63  }
0xe0: {  	_ =	swait.ge @!p0 [sflag:s8], $0x80  }
0xe1: {  	[sflag:s8] =	ssyncset.done @!p0 $0x0  }
0xe2: {  	s3 =	simm.s32 @!p0 $0x80;
	s10 =	simm.s32 @!p0 $0x13F00;
	[sflag:s8] =	ssyncadd.s32 @!p0 $0xFFFFFF80  }
0xe3: {  	[tilespmem:s10], [sflag:$0x1] =	stream.indirect.gather @!p0 [hbm4b:s5+s3], $0x80, s7, s3, $0xb8;
	[tilespmem:$0x1FF00] =	vst v63  }
0xe4: {  	s7 =	simm.s32 @!p0 $0x1  }
0xe5: {  	_ =	swait.ge @!p0 [sflag:s7], $0x4000  }
0xe6: {  	[sflag:s7] =	ssyncset.done @!p0 $0x0  }
0xe7: {  	[sflag:s7] =	ssyncadd.s32 @!p0 $0xFFFFC000  }
0xe8: {  	[spmem:s2] =	stream.indirect.scatter.add.f32 @!p0 [tilespmem:s10], [sflag:$0x3], $0x80, s9, s3, $0xb8;
	[tilespmem:$0x1FF00] =	vst v63  }
0xe9: {  	_ =	swait.ge @!p0 [sflag:s8], $0x4000  }
0xea: {  	[sflag:s8] =	ssyncset.done @!p0 $0x0  }
0xeb: {  	s0 =	sadd.s32 $0x1, s0;
	[sflag:s8] =	ssyncadd.s32 @!p0 $0xFFFFC000  }
0xec: {  	p1 =	sne.s32 s0, s16;
	[bflag:$0x0] =	sbarrier.arrive $0xFFFF  }
.Ltmp1:
0xed: {  	s18 =	rddreg [dreg:$0x10];
	(pc) =	sbr.rel @p1 .LBB2_1-.Ltmp1, $4  }
0xee: {  	[hbm:s18], [sflag:s24] =	dma.local [spmem:s25], $0x2780  }
0xef: {  	_ =	swait.ge [sflag:s19], $0x2780  }
0xf0: {  	[sflag:s19] =	ssyncset.done $0x0  }
0xf1: {  	[sflag:s19] =	ssyncadd.s32 $0xFFFFD880  }
0xf2: {  	_ =	sfence.sel $0x180000  }
0xf3: {  	[bflag:$0x0] =	sbarrier.arrive $0xFFFF  }
0xf4: {  	_ =	strace $0x9000004A  }
0xf5: {  	s0 =	stileid.u32;
	[bflag:$0x2] =	sbarrier.arrive $0xFFFF  }
0xf6: {  	p0 =	sne.s32 s0, $0x0;
	s0 =	rddreg [dreg:$0x3]  }
0xf7: {  	s0 =	sadd.s32 @!p0 $0x100000, s0  }
0xf8: {  	[sflag:s0] =	ssyncadd.tile.s32 @!p0 $0x1;
	_ =	shalt  }
.Lfunc_end2:
_tile_overlayer_lowered:
.L_overlay_start_2:
0xf9: {  	(tag) =	ssettag $0x2  }
0xfa: {  	s0 =	rddreg [dreg:$0x0];
	s2 =	stileid.u32  }
0xfb: {  	s1 =	rddreg [dreg:$0x1];
	p0 =	sne.s32 s2, $0x0  }
0xfc: {  	s3 =	rddreg [dreg:$0x2];
	[bflag:$0x3] =	sbarrier.arrive $0xFFFF;
	s2 =	simm.s32 @!p0 $0x1C03  }
0xfd: {  	[timem:s3], [sflag:s2] =	dma.local @!p0 [hbm:s0], s1  }
0xfe: {  	s0 =	simm.s32 @!p0 $0x3  }
0xff: {  	_ =	swait.ge @!p0 [sflag:s0], s1  }
0x100: {  	s1 =	ssub.s32 @!p0 $0x0, s1;
	[sflag:s0] =	ssyncset.done @!p0 $0x0  }
0x101: {  	[sflag:s0] =	ssyncadd.s32 @!p0 s1  }
0x102: {  	[bflag:$0x3] =	sbarrier.arrive $0xFFFF  }
0x103: {  	_ =	shalt  }

// kernel: kernel.14.cloned.1.call-start
scs
__scs_entry_jumppad:
0x0: {  	(pc) =	sbr.rel $0x88, $3  }
0x1: {  	(tag) =	ssettag $0x0;
	lr =	simm.s32 $0x1  }
0x2: {  	[smem:$0x3F9B] =	sst lr;
	_ =	strace $0xD0000000  }
0x3: {  	_ = 	snop  }
0x4: {  	_ = 	snop  }
0x5: {  	_ = 	snop  }
0x6: {  	_ = 	snop  }
0x7: {  	_ = 	snop  }
__scs_overlays_trampoline_lowered:
0x8: {  	[smem:$0x3FAA] =	sst s0  }
0x9: {  	[smem:$0x3FAB] =	sst s1  }
0xa: {  	[smem:$0x3FAC] =	sst s2  }
0xb: {  	[smem:$0x3FAD] =	sst s3  }
0xc: {  	[smem:$0x3FAE] =	sst s4  }
0xd: {  	[smem:$0x3FAF] =	sst s5  }
0xe: {  	[smem:$0x3FB0] =	sst s6  }
0xf: {  	[smem:$0x3FB1] =	sst s7  }
0x10: {  	[smem:$0x3FB2] =	sst s8  }
0x11: {  	[smem:$0x3FB3] =	sst s9;
	s0 =	simm.s32 @!p0 $0x0  }
0x12: {  	s1 =	sld [smem:$0x3F99];
	s0 =	simm.s32 @p0 $0x1  }
0x13: {  	[smem:$0x3FB4] =	sst s0;
	s0 =	simm.s32 @!p1 $0x0  }
0x14: {  	s2 =	sld [smem:$0x3F98];
	s0 =	simm.s32 @p1 $0x1  }
0x15: {  	[smem:$0x3FB5] =	sst s0;
	s0 =	simm.s32 @!p2 $0x0  }
0x16: {  	s3 =	sld [smem:$0x3FDB];
	s0 =	simm.s32 @p2 $0x1  }
0x17: {  	s4 =	simm.s32 $0x1BF5;
	[smem:$0x3FB7] =	sst s0  }
0x18: {  	s0 =	sld [smem:$0x3F9A];
	_ =	swait.ge [sflag:s4], $0x0  }
0x19: {  	s7 =	sld [smem:$0x3F9B]  }
0x1a: {  	s8 =	sadd.s32 $0xFFFFE003, lr  }
0x1b: {  	s9 =	sadd.s32 $0xFFFFFEF7, lr;
	s5 =	simm.s32 $0xFFFFFFFF;
	p2 =	slt.u32 s8, $0xFFFFF086  }
0x1c: {  	p1 =	slt.u32 s9, $0xF7A;
	s5 =	simm.s32 @!p2 $0x0  }
0x1d: {  	s5 =	simm.s32 @p1 $0x1;
	p0 =	seq.s32 s7, s2  }
0x1e: {  	s7 =	smul.u32 @!p0 $0xF7A, s2;
	p2 =	seq.s32 @!p0 s5, $0x0  }
0x1f: {  	s9 =	smul.u32 $0xF7A, s1;
	s8 =	simm.s32 @!p0 $0x1BF5;
	p2 =	por !p2, p0  }
0x20: {  	[sflag:s8] =	ssyncset.s32 @!p0 $0xFFFFF086;
	s6 =	sadd.s32 @!p0 s3, s7;
	s7 =	simm.s32 @!p0 $0x108  }
0x21: {  	s3 =	sadd.s32 s3, s9;
	s6 =	sadd.s32 @!p0 $0x88, s6;
	s7 =	simm.s32 @p2 $0x1082  }
0x22: {  	[simem:s7], [sflag:s8] =	dma.local @!p0 [hbm:s6], $0xF7A  }
0x23: {  	s9 =	sor.u32 $0xD0000000, s2;
	s6 =	simm.s32 $0x108;
	_ =	swait.ge @!p0 [sflag:s8], $0x0  }
0x24: {  	s3 =	sadd.s32 $0x88, s3;
	s6 =	simm.s32 @!p1 $0x1082;
	[sflag:s4] =	ssyncset.s32 $0xFFFFF086  }
0x25: {  	[simem:s6], [sflag:s4] =	dma.local [hbm:s3], $0xF7A  }
0x26: {  	[smem:$0x3F9B] =	sst s1;
	(tag) =	ssettag s2;
	_ =	strace s9  }
0x27: {  	s1 =	sld [smem:$0x3FAB]  }
0x28: {  	s2 =	sld [smem:$0x3FAC]  }
0x29: {  	s4 =	sld [smem:$0x3FAE]  }
0x2a: {  	p0 =	seq.s32 s5, $0x0;
	s5 =	sld [smem:$0x3FAF]  }
0x2b: {  	s6 =	sld [smem:$0x3FB0]  }
0x2c: {  	s7 =	sld [smem:$0x3FB1]  }
0x2d: {  	s3 =	simm.s32 $0x108;
	s8 =	sld [smem:$0x3FB2]  }
0x2e: {  	s3 =	simm.s32 @!p0 $0x1082;
	s9 =	sld [smem:$0x3FB3]  }
0x2f: {  	lr =	sadd.s32 s0, s3;
	s0 =	sld [smem:$0x3FAA]  }
0x30: {  	s3 =	sld [smem:$0x3FAD]  }
0x31: {  	[smem:$0x3FB6] =	sst s10  }
0x32: {  	s10 =	sld [smem:$0x3FB4];
	_ =	sdelay $0x3  }
0x33: {  	p0 =	seq.s32 s10, $0x1;
	s10 =	sld [smem:$0x3FB6];
	_ =	sdelay $0x3  }
0x34: {  	[smem:$0x3FB6] =	sst s10  }
0x35: {  	s10 =	sld [smem:$0x3FB5];
	_ =	sdelay $0x3  }
0x36: {  	p1 =	seq.s32 s10, $0x1;
	s10 =	sld [smem:$0x3FB6];
	_ =	sdelay $0x3  }
0x37: {  	[smem:$0x3FB6] =	sst s10  }
0x38: {  	s10 =	sld [smem:$0x3FB7]  }
0x39: {  	_ = 	snop;
	(pc) =	sbr.ind lr, $3  }
0x3a: {  	_ = 	snop  }
0x3b: {  	_ = 	snop  }
0x3c: {  	p2 =	seq.s32 s10, $0x1;
	s10 =	sld [smem:$0x3FB6]  }
0x3d: {  	_ =	shalt  }
0x3e: {  	_ =	shalt  }
0x3f: {  	_ =	shalt  }
0x40: {  	_ =	shalt  }
0x41: {  	_ =	shalt  }
0x42: {  	_ =	shalt  }
0x43: {  	_ =	shalt  }
0x44: {  	_ =	shalt  }
0x45: {  	_ =	shalt  }
0x46: {  	_ =	shalt  }
0x47: {  	_ =	shalt  }
0x48: {  	_ =	shalt  }
0x49: {  	_ =	shalt  }
0x4a: {  	_ =	shalt  }
0x4b: {  	_ =	shalt  }
0x4c: {  	_ =	shalt  }
0x4d: {  	_ =	shalt  }
0x4e: {  	_ =	shalt  }
0x4f: {  	_ =	shalt  }
0x50: {  	_ =	shalt  }
0x51: {  	_ =	shalt  }
0x52: {  	_ =	shalt  }
0x53: {  	_ =	shalt  }
0x54: {  	_ =	shalt  }
0x55: {  	_ =	shalt  }
0x56: {  	_ =	shalt  }
0x57: {  	_ =	shalt  }
0x58: {  	_ =	shalt  }
0x59: {  	_ =	shalt  }
0x5a: {  	_ =	shalt  }
0x5b: {  	_ =	shalt  }
0x5c: {  	_ =	shalt  }
0x5d: {  	_ =	shalt  }
0x5e: {  	_ =	shalt  }
0x5f: {  	_ =	shalt  }
0x60: {  	_ =	shalt  }
0x61: {  	_ =	shalt  }
0x62: {  	_ =	shalt  }
0x63: {  	_ =	shalt  }
0x64: {  	_ =	shalt  }
0x65: {  	_ =	shalt  }
0x66: {  	_ =	shalt  }
0x67: {  	_ =	shalt  }
0x68: {  	_ =	shalt  }
0x69: {  	_ =	shalt  }
0x6a: {  	_ =	shalt  }
0x6b: {  	_ =	shalt  }
0x6c: {  	_ =	shalt  }
0x6d: {  	_ =	shalt  }
0x6e: {  	_ =	shalt  }
0x6f: {  	_ =	shalt  }
0x70: {  	_ =	shalt  }
0x71: {  	_ =	shalt  }
0x72: {  	_ =	shalt  }
0x73: {  	_ =	shalt  }
0x74: {  	_ =	shalt  }
0x75: {  	_ =	shalt  }
0x76: {  	_ =	shalt  }
0x77: {  	_ =	shalt  }
0x78: {  	_ =	shalt  }
0x79: {  	_ =	shalt  }
0x7a: {  	_ =	shalt  }
0x7b: {  	_ =	shalt  }
0x7c: {  	_ =	shalt  }
0x7d: {  	_ =	shalt  }
0x7e: {  	_ =	shalt  }
0x7f: {  	_ =	shalt  }
0x80: {  	_ =	shalt  }
0x81: {  	_ =	shalt  }
0x82: {  	_ =	shalt  }
0x83: {  	_ =	shalt  }
0x84: {  	_ =	shalt  }
0x85: {  	_ =	shalt  }
0x86: {  	_ =	shalt  }
0x87: {  	_ =	shalt  }
.Lfunc_end0:
.L_simem_size_0:
called_computation.2_lowered:
.L_overlay_start_0:
0x88: {  	s2 =	sld [smem:$0x3FD9]  }
0x89: {  	s3 =	sld [smem:$0x3FFE];
	_ =	sdelay $0x1  }
0x8a: {  	s1 =	srdreg.scid  }
0x8b: {  	s0 =	sand.u32 $0x1, s1  }
0x8c: {  	s17 =	sshll.u32 s0, $0xA;
	s2 =	sadd.s32 s3, s2  }
0x8d: {  	s2 =	sadd.s32 s2, s17  }
0x8e: {  	[smem:$0x3FC2] =	sst s2  }
0x8f: {  	_ = 	snop  }
0x90: {  	s2 =	sld [smem:$0x3FD0];
	(tm) =	ssettm $0x1  }
0x91: {  	s18 =	sld [smem:$0x3FFB];
	_ =	sdelay $0x3  }
0x92: {  	_ =	strace s18  }
0x93: {  	s3 =	sld [smem:$0x3FFC];
	_ =	sdelay $0x3  }
0x94: {  	_ =	strace s3  }
0x95: {  	s3 =	sld [smem:$0x3FFD];
	_ =	sdelay $0x3  }
0x96: {  	_ =	strace s3  }
0x97: {  	_ =	strace $0x8FFFFFFF  }
0x98: {  	s19 =	sld [smem:$0x3FDB];
	_ =	sdelay $0x1  }
0x99: {  	s4 =	simm.s32 $_scs_section_size  }
0x9a: {  	s5 =	simm.s32 $_size__tile_overlayer_lowered;
	s6 =	simm.s32 $_tile_overlayer_lowered  }
0x9b: {  	s22 =	simm.s32 $0x1BFF;
	s21 =	sshll.u32 s6, $0x1;
	s3 =	sadd.s32 s4, s19  }
0x9c: {  	s7 =	simm.s32 $0x0;
	s20 =	sshll.u32 s5, $0x1;
	s5 =	sadd.s32 s21, s3  }
0x9d: {  	[timem:s7], [sflag:s22] =	dma.local [hbm:s5], s20  }
0x9e: {  	_ =	swait.ge [sflag:s22], s20  }
0x9f: {  	s4 =	ssub.s32 $0x0, s20;
	[sflag:s22] =	ssyncset.done $0x0  }
0xa0: {  	[sflag:s22] =	ssyncadd.s32 s4;
	_ =	sdelay $0x1  }
0xa1: {  	s23 =	simm.s32 $0x1B8B  }
0xa2: {  	_ =	swait.ge [sflag:s23], $0x1  }
0xa3: {  	[sflag:s23] =	ssyncset.done $0x0  }
0xa4: {  	s25 =	simm.s32 $0x1B8E;
	s24 =	sld [smem:$0x3FFE];
	[sflag:s23] =	ssyncadd.s32 $0xFFFFFFFF  }
0xa5: {  	s26 =	simm.s32 $execute0_lowered;
	[smem:$0x3FD2] =	sst s25  }
0xa6: {  	s5 =	sshll.u32 s26, $0x1;
	_ =	strace $0x8000004C;
	[dreg:$0x1] =	wrdreg $0xFFFFFFFF  }
0xa7: {  	s28 =	simm.s32 $_size_execute0_lowered;
	s3 =	sadd.s32 s3, s5;
	[dreg:$0x0] =	wrdreg $0x0  }
0xa8: {  	s5 =	sshll.u32 s28, $0x1;
	[dreg:$0x2] =	wrdreg s3  }
0xa9: {  	[dreg:$0x3] =	wrdreg s5  }
0xaa: {  	[dreg:$0x4] =	wrdreg $0xC0  }
0xab: {  	_ =	task [dreg:s7], $0x5FFFF  }
0xac: {  	[dreg:$0x1] =	wrdreg $0xFFFFFFFF  }
0xad: {  	[dreg:$0x0] =	wrdreg $0x60  }
0xae: {  	[dreg:$0x2] =	wrdreg s24  }
0xaf: {  	[dreg:$0x3] =	wrdreg s2  }
0xb0: {  	[dreg:$0x4] =	wrdreg $0x0  }
0xb1: {  	[dreg:$0x5] =	wrdreg $0x9  }
0xb2: {  	_ =	task.clear_ibuf [dreg:s7], $0x6FFFF;
	_ =	strace $0x9000004C  }
0xb3: {  	s29 =	simm.s32 $0x9;
	_ =	strace $0x8000004E  }
0xb4: {  	_ =	swait.ge [sflag:s29], $0x1  }
0xb5: {  	[sflag:s29] =	ssyncadd.s32 $0xFFFFFFFF  }
0xb6: {  	_ =	strace $0x9000004E  }
0xb7: {  	_ =	sfence  }
0xb8: {  	s30 =	sld [smem:$0x0];
	_ =	sdelay $0x2  }
0xb9: {  	s31 =	sshll.u32 s1, $0xD;
	s1 =	sshrl.u32 s1, $0x2  }
0xba: {  	s3 =	sand.u32 $0x4000, s31;
	s1 =	sadd.s32 s1, s30  }
0xbb: {  	s0 =	sor.u32 s3, s0;
	s1 =	sshll.u32 s1, $0x11  }
0xbc: {  	s0 =	sor.u32 s1, s0  }
0xbd: {  	s0 =	sadd.s32 $0x8F2B, s0  }
0xbe: {  	[sflag:s0] =	ssyncadd.remote.s32 $0x1  }
0xbf: {  	_ =	sfence.sel $0xFFFF  }
0xc0: {  	[dreg:$0x0] =	wrdreg $0xFFFFFFFF;
	(pc) =	sbr.abs _section_cstart, $3  }
0xc1: {  	[dreg:$0x1] =	wrdreg $0xFFFFFFFF  }
0xc2: {  	_ =	task.clear_ibuf [dreg:s7], $0x2FFFF;
	_ =	strace $0x9FFFFFFF  }
0xc3: {  	(tm) =	ssettm $0x7FFFFFFF  }
tec
execute0_lowered:
.L_overlay_start_1:
0x0: {  	(tag) =	ssettag $0x1  }
0x1: {  	s0 =	rddreg [dreg:$0x0]  }
0x2: {  	s1 =	rddreg [dreg:$0x1]  }
0x3: {  	s2 =	rddreg [dreg:$0x2]  }
0x4: {  	s3 =	srdreg.scid;
	s4 =	simm.s32 $0x0;
	s18 =	stileid.u32  }
0x5: {  	s28 =	simm.s32 $0x13E80;
	s29 =	simm.s32 $0x1BF00;
	s30 =	simm.s32 $0x1  }
0x6: {  	s31 =	simm.s32 $0x2;
	s3 =	sand.u32 $0x1, s3;
	[smem:$0x7FF] =	sst s4  }
0x7: {  	s8 =	smul.u32 $0x13C00, s18;
	s5 =	sadd.s32 $0xBA00, s0;
	s6 =	sadd.s32 $0x1C00, s0  }
0x8: {  	s9 =	sadd.s32 $0x32C00, s0;
	s26 =	sshll.u32 s18, $0x5;
	s15 =	sshll.u32 s18, $0x8  }
0x9: {  	p0 =	sgt.u32 s18, $0x1;
	s7 =	smul.u32 $0x13C000, s3;
	_ =	strace $0x8000004D  }
0xa: {  	[dreg:$0x8] =	wrdreg s9;
	s25 =	ssub.s32 $0x2, s3;
	s10 =	sshll.u32 s3, $0x4  }
0xb: {  	s3 =	sshll.u32 s3, $0x7;
	s24 =	sadd.s32 s26, s1;
	s9 =	sadd.s32 s26, s6  }
0xc: {  	s11 =	sshrl.u32 s25, $0x1;
	s12 =	sor.u32 s10, s26;
	s3 =	sor.u32 s3, s15  }
0xd: {  	s9 =	sadd.s32 s10, s9;
	s7 =	sadd.s32 s8, s7;
	s13 =	sadd.s32 s1, s12  }
0xe: {  	s14 =	sadd.s32 s6, s12;
	s16 =	sor.u32 $0x200, s12;
	s20 =	sor.u32 $0x4000, s3  }
0xf: {  	s26 =	sadd.s32 $0x400, s9;
	s7 =	sshrl.u32 s7, $0x3;
	[dreg:$0x9] =	wrdreg s13  }
0x10: {  	[dreg:$0xa] =	wrdreg s14;
	s13 =	smul.u32 $0x4F000, s18;
	s17 =	sadd.s32 s1, s16  }
0x11: {  	s19 =	sadd.s32 s6, s16;
	s14 =	sor.u32 $0x9C00, s12;
	s8 =	sshrl.u32 s20, $0x3  }
0x12: {  	[dreg:$0x7] =	wrdreg s26;
	s20 =	simm.s32 $0x13D80;
	s26 =	simm.s32 $0x13D00  }
0x13: {  	s0 =	sadd.s32 s7, s0;
	s7 =	ssub.s32 s25, s11;
	[dreg:$0xb] =	wrdreg s17  }
0x14: {  	[dreg:$0xc] =	wrdreg s19;
	s22 =	sadd.s32 s1, s14;
	s15 =	sadd.s32 s8, s6  }
0x15: {  	s23 =	sadd.s32 s6, s14;
	s8 =	sadd.s32 s8, s1;
	[dreg:$0xe] =	wrdreg s22  }
0x16: {  	s17 =	sor.u32 $0x3000, s3;
	s19 =	simm.s32 $0x3;
	[dreg:$0xf] =	wrdreg s23  }
0x17: {  	s13 =	sshrl.u32 s13, $0x2;
	[dreg:$0x4] =	wrdreg s15;
	s15 =	sadd.s32 s10, s24  }
0x18: {  	[dreg:$0x5] =	wrdreg s8;
	s0 =	sadd.s32 $0x35400, s0;
	s16 =	smax.u32 s7, $0x1  }
0x19: {  	s22 =	simm.s32 $0x13F00;
	s21 =	sadd.s32 s13, s2;
	[dreg:$0x10] =	wrdreg s0  }
0x1a: {  	s23 =	simm.s32 $0x13C80;
	s25 =	sadd.s32 $0x400, s15;
	[dreg:$0xd] =	wrdreg s21  }
0x1b: {  	s0 =	simm.s32 $0x0;
	[dreg:$0x6] =	wrdreg s25;
	s21 =	simm.s32 $0x80  }
.LBB2_1:
0x1c: {  	s3 =	rddreg [dreg:$0x9];
	s7 =	simm.s32 $0x13C00  }
0x1d: {  	[tilespmem:s7], [sflag:$0x3] =	stream.linear.gather [hbm4b:s3+s4], $0x80, $0x38;
	[tilespmem:$0x1FF00] =	vst v63  }
0x1e: {  	_ =	swait.ge [sflag:s19], $0x80  }
0x1f: {  	[sflag:s19] =	ssyncset.done $0x0  }
0x20: {  	s25 =	rddreg [dreg:$0xa];
	[sflag:s19] =	ssyncadd.s32 $0xFFFFFF80  }
0x21: {  	[tilespmem:s20], [sflag:$0x3] =	stream.linear.gather [hbm4b:s25+s4], $0x80, $0x38;
	[tilespmem:$0x1FF00] =	vst v63  }
0x22: {  	_ =	swait.ge [sflag:s19], $0x80  }
0x23: {  	[sflag:s19] =	ssyncset.done $0x0  }
0x24: {  	[sflag:s19] =	ssyncadd.s32 $0xFFFFFF80  }
0x25: {  	[tilespmem:s22], [sflag:$0x1] =	stream.indirect.gather [hbm4b:s5+s21], $0x80, s7, s21, $0xb8;
	[tilespmem:$0x1FF00] =	vst v63  }
0x26: {  	s7 =	rddreg [dreg:$0xb]  }
0x27: {  	[tilespmem:s23], [sflag:$0x3] =	stream.linear.gather [hbm4b:s7+s4], $0x80, $0x38;
	[tilespmem:$0x1FF00] =	vst v63  }
0x28: {  	_ =	swait.ge [sflag:s19], $0x80  }
0x29: {  	s9 =	simm.s32 $0x13E00;
	[sflag:s19] =	ssyncset.done $0x0  }
0x2a: {  	s11 =	stileid.u32;
	s8 =	rddreg [dreg:$0xc];
	[sflag:s19] =	ssyncadd.s32 $0xFFFFFF80  }
0x2b: {  	[tilespmem:s9], [sflag:$0x3] =	stream.linear.gather [hbm4b:s8+s4], $0x80, $0x38;
	[tilespmem:$0x1FF00] =	vst v63  }
0x2c: {  	s10 =	simm.s32 $0x17F00;
	s3 =	sshll.u32 s11, $0x6;
	_ =	swait.ge [sflag:s19], $0x80  }
0x2d: {  	s24 =	sor.u32 $0x1C03, s3;
	[sflag:s19] =	ssyncset.done $0x0;
	s12 =	rddreg [dreg:$0xd]  }
0x2e: {  	s13 =	rddreg [dreg:$0x8];
	[sflag:s19] =	ssyncadd.s32 $0xFFFFFF80;
	s25 =	sshrl.u32 s12, $0x3  }
0x2f: {  	[tilespmem:s10], [sflag:$0x1] =	stream.indirect.gather [hbm4b:s5+s21], $0x80, s23, s21, $0xb8;
	[tilespmem:$0x1FF00] =	vst v63  }
0x30: {  	[spmem:s25], [sflag:s24] =	dma.local [hbm:s13], $0x2780  }
0x31: {  	_ =	swait.ge [sflag:s19], $0x2780  }
0x32: {  	[sflag:s19] =	ssyncset.done $0x0  }
0x33: {  	p1 =	por $0x1, $0x1;
	[sflag:s19] =	ssyncadd.s32 $0xFFFFD880  }
0x34: {  	s3 =	simm.s32 @!p1 $0x2;
	[bflag:$0x0] =	sbarrier.arrive $0xFFFF  }
0x35: {  	_ =	swait.ge @!p1 [sflag:s3], $0x4000  }
0x36: {  	s14 =	rddreg [dreg:$0x6];
	[sflag:s3] =	ssyncset.done @!p1 $0x0  }
0x37: {  	[sflag:s3] =	ssyncadd.s32 @!p1 $0xFFFFC000;
	s15 =	sadd.s32 $0x0, s14  }
0x38: {  	[tilespmem:s26], [sflag:$0x3] =	stream.linear.gather [hbm4b:s15+s4], $0x80, $0x38;
	[tilespmem:$0x1FF00] =	vst v63  }
0x39: {  	_ =	swait.ge [sflag:s19], $0x80  }
0x3a: {  	s18 =	rddreg [dreg:$0x7];
	[sflag:s19] =	ssyncset.done $0x0  }
0x3b: {  	[sflag:s19] =	ssyncadd.s32 $0xFFFFFF80;
	s3 =	sadd.s32 $0x0, s18  }
0x3c: {  	[tilespmem:s28], [sflag:$0x3] =	stream.linear.gather [hbm4b:s3+s4], $0x80, $0x38;
	[tilespmem:$0x1FF00] =	vst v63  }
0x3d: {  	_ =	swait.ge [sflag:s19], $0x80  }
0x3e: {  	[sflag:s19] =	ssyncset.done $0x0  }
0x3f: {  	[sflag:s19] =	ssyncadd.s32 $0xFFFFFF80  }
0x40: {  	[tilespmem:s29], [sflag:$0x1] =	stream.indirect.gather [hbm4b:s5+s21], $0x80, s26, s21, $0xb8;
	[tilespmem:$0x1FF00] =	vst v63  }
0x41: {  	_ =	swait.ge [sflag:s30], $0x4000  }
0x42: {  	p1 =	por $0x0, $0x0;
	[sflag:s30] =	ssyncset.done $0x0  }
0x43: {  	s3 =	simm.s32 @p1 $0x1;
	[sflag:s30] =	ssyncadd.s32 $0xFFFFC000  }
0x44: {  	[spmem:s2] =	stream.indirect.scatter.add.f32 [tilespmem:s22], [sflag:$0x2], $0x80, s20, s21, $0xb8;
	[tilespmem:$0x1FF00] =	vst v63  }
0x45: {  	_ =	swait.ge @p1 [sflag:s3], $0x4000  }
0x46: {  	s7 =	simm.s32 @p1 $0x17F00;
	s8 =	simm.s32 @p1 $0x80;
	[sflag:s3] =	ssyncset.done @p1 $0x0  }
0x47: {  	s9 =	simm.s32 @p1 $0x13E00;
	[sflag:s3] =	ssyncadd.s32 @p1 $0xFFFFC000;
	s3 =	simm.s32 @!p1 $0x2  }
0x48: {  	[spmem:s2] =	stream.indirect.scatter.add.f32 @p1 [tilespmem:s7], [sflag:$0x2], $0x80, s9, s8, $0xb8;
	[tilespmem:$0x1FF00] =	vst v63  }
0x49: {  	s10 =	simm.s32 @!p1 $0x13C00;
	_ =	swait.ge @!p1 [sflag:s3], $0x4000  }
0x4a: {  	s11 =	simm.s32 @!p1 $0x3;
	s7 =	sshrl.u32 @!p1 s17, $0x3;
	[sflag:s3] =	ssyncset.done @!p1 $0x0  }
0x4b: {  	s9 =	simm.s32 @!p1 $0x0;
	s8 =	sadd.s32 @!p1 s1, s7;
	[sflag:s3] =	ssyncadd.s32 @!p1 $0xFFFFC000  }
0x4c: {  	[tilespmem:s10], [sflag:$0x3] =	stream.linear.gather @!p1 [hbm4b:s8+s9], $0x80, $0x38;
	[tilespmem:$0x1FF00] =	vst v63  }
0x4d: {  	_ =	swait.ge @!p1 [sflag:s11], $0x80  }
0x4e: {  	[sflag:s11] =	ssyncset.done @!p1 $0x0  }
0x4f: {  	s7 =	sadd.s32 @!p1 s6, s7;
	s8 =	simm.s32 @!p1 $0x13D80;
	[sflag:s11] =	ssyncadd.s32 @!p1 $0xFFFFFF80  }
0x50: {  	[tilespmem:s8], [sflag:$0x3] =	stream.linear.gather @!p1 [hbm4b:s7+s9], $0x80, $0x38;
	[tilespmem:$0x1FF00] =	vst v63  }
0x51: {  	_ =	swait.ge @!p1 [sflag:s11], $0x80  }
0x52: {  	s12 =	simm.s32 @!p1 $0x1;
	[sflag:s11] =	ssyncset.done @!p1 $0x0  }
0x53: {  	s7 =	simm.s32 @!p1 $0x80;
	s8 =	simm.s32 @!p1 $0x13F00;
	[sflag:s11] =	ssyncadd.s32 @!p1 $0xFFFFFF80  }
0x54: {  	[tilespmem:s8], [sflag:$0x1] =	stream.indirect.gather @!p1 [hbm4b:s5+s7], $0x80, s10, s7, $0xb8;
	[tilespmem:$0x1FF00] =	vst v63  }
0x55: {  	_ =	swait.ge @!p1 [sflag:s12], $0x4000  }
0x56: {  	[sflag:s12] =	ssyncset.done @!p1 $0x0  }
0x57: {  	s8 =	simm.s32 @!p1 $0x13E00;
	s10 =	simm.s32 @!p1 $0x17F00;
	[sflag:s12] =	ssyncadd.s32 @!p1 $0xFFFFC000  }
0x58: {  	[spmem:s2] =	stream.indirect.scatter.add.f32 @!p1 [tilespmem:s10], [sflag:$0x2], $0x80, s8, s7, $0xb8;
	[tilespmem:$0x1FF00] =	vst v63  }
0x59: {  	_ =	swait.ge @!p1 [sflag:s3], $0x4000  }
0x5a: {  	s12 =	rddreg [dreg:$0x5];
	[sflag:s3] =	ssyncset.done @!p1 $0x0  }
0x5b: {  	[sflag:s3] =	ssyncadd.s32 @!p1 $0xFFFFC000;
	s3 =	simm.s32 @!p1 $0x13C80;
	s12 =	sadd.s32 @!p1 $0x0, s12  }
0x5c: {  	[tilespmem:s3], [sflag:$0x3] =	stream.linear.gather @!p1 [hbm4b:s12+s9], $0x80, $0x38;
	[tilespmem:$0x1FF00] =	vst v63  }
0x5d: {  	_ =	swait.ge @!p1 [sflag:s11], $0x80  }
0x5e: {  	s12 =	rddreg [dreg:$0x4];
	[sflag:s11] =	ssyncset.done @!p1 $0x0  }
0x5f: {  	[sflag:s11] =	ssyncadd.s32 @!p1 $0xFFFFFF80;
	s12 =	sadd.s32 @!p1 $0x0, s12  }
0x60: {  	[tilespmem:s8], [sflag:$0x3] =	stream.linear.gather @!p1 [hbm4b:s12+s9], $0x80, $0x38;
	[tilespmem:$0x1FF00] =	vst v63  }
0x61: {  	_ =	swait.ge @!p1 [sflag:s11], $0x80  }
0x62: {  	[sflag:s11] =	ssyncset.done @!p1 $0x0  }
0x63: {  	p2 =	por $0x0, $0x0;
	s8 =	simm.s32 $0xC00;
	[sflag:s11] =	ssyncadd.s32 @!p1 $0xFFFFFF80  }
0x64: {  	[tilespmem:s10], [sflag:$0x1] =	stream.indirect.gather @!p1 [hbm4b:s5+s7], $0x80, s3, s7, $0xb8;
	[tilespmem:$0x1FF00] =	vst v63  }
0x65: {  	s3 =	simm.s32 $0x600;
	s7 =	sadd.s32 $0x3000, s17;
	_ =	swait.ge [sflag:s30], $0x4000  }
.LBB2_2:
0x66: {  	[sflag:s30] =	ssyncset.done $0x0  }
0x67: {  	s10 =	simm.s32 @!p2 $0x2;
	[sflag:s30] =	ssyncadd.s32 $0xFFFFC000  }
0x68: {  	[spmem:s2] =	stream.indirect.scatter.add.f32 [tilespmem:s29], [sflag:$0x2], $0x80, s28, s21, $0xb8;
	[tilespmem:$0x1FF00] =	vst v63  }
0x69: {  	_ =	swait.ge @!p2 [sflag:s10], $0x4000  }
0x6a: {  	[sflag:s10] =	ssyncset.done @!p2 $0x0;
	s11 =	rddreg [dreg:$0x6]  }
0x6b: {  	[sflag:s10] =	ssyncadd.s32 @!p2 $0xFFFFC000;
	s15 =	sadd.s32 s3, s11  }
0x6c: {  	[tilespmem:s26], [sflag:$0x3] =	stream.linear.gather [hbm4b:s15+s4], $0x80, $0x38;
	[tilespmem:$0x1FF00] =	vst v63  }
0x6d: {  	_ =	swait.ge [sflag:s19], $0x80  }
0x6e: {  	s18 =	rddreg [dreg:$0x7];
	[sflag:s19] =	ssyncset.done $0x0  }
0x6f: {  	[sflag:s19] =	ssyncadd.s32 $0xFFFFFF80;
	s10 =	sadd.s32 s3, s18  }
0x70: {  	[tilespmem:s28], [sflag:$0x3] =	stream.linear.gather [hbm4b:s10+s4], $0x80, $0x38;
	[tilespmem:$0x1FF00] =	vst v63  }
0x71: {  	_ =	swait.ge [sflag:s19], $0x80  }
0x72: {  	[sflag:s19] =	ssyncset.done $0x0  }
0x73: {  	[sflag:s19] =	ssyncadd.s32 $0xFFFFFF80  }
0x74: {  	[tilespmem:s29], [sflag:$0x1] =	stream.indirect.gather [hbm4b:s5+s21], $0x80, s26, s21, $0xb8;
	[tilespmem:$0x1FF00] =	vst v63  }
0x75: {  	_ =	swait.ge [sflag:s30], $0x4000  }
0x76: {  	p2 =	seq.s32 s3, $0x9600;
	[sflag:s30] =	ssyncset.done $0x0  }
0x77: {  	s10 =	simm.s32 @p2 $0x1;
	[sflag:s30] =	ssyncadd.s32 $0xFFFFC000  }
0x78: {  	[spmem:s2] =	stream.indirect.scatter.add.f32 [tilespmem:s22], [sflag:$0x2], $0x80, s20, s21, $0xb8;
	[tilespmem:$0x1FF00] =	vst v63  }
0x79: {  	_ =	swait.ge @p2 [sflag:s10], $0x4000  }
0x7a: {  	s12 =	simm.s32 @p2 $0x17F00;
	s14 =	simm.s32 @p2 $0x80;
	[sflag:s10] =	ssyncset.done @p2 $0x0  }
0x7b: {  	s15 =	simm.s32 @!p2 $0x2;
	s18 =	simm.s32 @p2 $0x13E00;
	[sflag:s10] =	ssyncadd.s32 @p2 $0xFFFFC000  }
0x7c: {  	[spmem:s2] =	stream.indirect.scatter.add.f32 @p2 [tilespmem:s12], [sflag:$0x2], $0x80, s18, s14, $0xb8;
	[tilespmem:$0x1FF00] =	vst v63  }
0x7d: {  	s11 =	sshrl.u32 @!p2 s7, $0x3;
	_ =	swait.ge @!p2 [sflag:s15], $0x4000  }
0x7e: {  	s13 =	sadd.s32 @!p2 s1, s11;
	s10 =	simm.s32 @!p2 $0x3;
	[sflag:s15] =	ssyncset.done @!p2 $0x0  }
0x7f: {  	s12 =	simm.s32 @!p2 $0x0;
	s14 =	simm.s32 @!p2 $0x13C00;
	[sflag:s15] =	ssyncadd.s32 @!p2 $0xFFFFC000  }
0x80: {  	[tilespmem:s14], [sflag:$0x3] =	stream.linear.gather @!p2 [hbm4b:s13+s12], $0x80, $0x38;
	[tilespmem:$0x1FF00] =	vst v63  }
0x81: {  	_ =	swait.ge @!p2 [sflag:s10], $0x80  }
0x82: {  	[sflag:s10] =	ssyncset.done @!p2 $0x0  }
0x83: {  	s11 =	sadd.s32 @!p2 s6, s11;
	s13 =	simm.s32 @!p2 $0x13D80;
	[sflag:s10] =	ssyncadd.s32 @!p2 $0xFFFFFF80  }
0x84: {  	[tilespmem:s13], [sflag:$0x3] =	stream.linear.gather @!p2 [hbm4b:s11+s12], $0x80, $0x38;
	[tilespmem:$0x1FF00] =	vst v63  }
0x85: {  	_ =	swait.ge @!p2 [sflag:s10], $0x80  }
0x86: {  	s18 =	simm.s32 @!p2 $0x1;
	[sflag:s10] =	ssyncset.done @!p2 $0x0  }
0x87: {  	s11 =	simm.s32 @!p2 $0x80;
	s13 =	simm.s32 @!p2 $0x13F00;
	[sflag:s10] =	ssyncadd.s32 @!p2 $0xFFFFFF80  }
0x88: {  	[tilespmem:s13], [sflag:$0x1] =	stream.indirect.gather @!p2 [hbm4b:s5+s11], $0x80, s14, s11, $0xb8;
	[tilespmem:$0x1FF00] =	vst v63  }
0x89: {  	_ =	swait.ge @!p2 [sflag:s18], $0x4000  }
0x8a: {  	[sflag:s18] =	ssyncset.done @!p2 $0x0  }
0x8b: {  	s13 =	simm.s32 @!p2 $0x13E00;
	s14 =	simm.s32 @!p2 $0x17F00;
	[sflag:s18] =	ssyncadd.s32 @!p2 $0xFFFFC000  }
0x8c: {  	[spmem:s2] =	stream.indirect.scatter.add.f32 @!p2 [tilespmem:s14], [sflag:$0x2], $0x80, s13, s11, $0xb8;
	[tilespmem:$0x1FF00] =	vst v63  }
0x8d: {  	_ =	swait.ge @!p2 [sflag:s15], $0x4000  }
0x8e: {  	[sflag:s15] =	ssyncset.done @!p2 $0x0;
	s18 =	rddreg [dreg:$0x5]  }
0x8f: {  	[sflag:s15] =	ssyncadd.s32 @!p2 $0xFFFFC000;
	s15 =	simm.s32 @!p2 $0x13C80;
	s18 =	sadd.s32 @!p2 s3, s18  }
0x90: {  	[tilespmem:s15], [sflag:$0x3] =	stream.linear.gather @!p2 [hbm4b:s18+s12], $0x80, $0x38;
	[tilespmem:$0x1FF00] =	vst v63  }
0x91: {  	s9 =	smov.u32 s8;
	_ =	swait.ge @!p2 [sflag:s10], $0x80  }
0x92: {  	s8 =	sadd.s32 $0x600, s8;
	[sflag:s10] =	ssyncset.done @!p2 $0x0;
	s18 =	rddreg [dreg:$0x4]  }
0x93: {  	p1 =	sne.s32 s8, $0x9C00;
	[sflag:s10] =	ssyncadd.s32 @!p2 $0xFFFFFF80;
	s18 =	sadd.s32 @!p2 s3, s18  }
0x94: {  	[tilespmem:s13], [sflag:$0x3] =	stream.linear.gather @!p2 [hbm4b:s18+s12], $0x80, $0x38;
	[tilespmem:$0x1FF00] =	vst v63  }
.Ltmp0:
0x95: {  	_ =	swait.ge @!p2 [sflag:s10], $0x80;
	(pc) =	sbr.rel @p1 .LBB2_2-.Ltmp0, $4  }
0x96: {  	[sflag:s10] =	ssyncset.done @!p2 $0x0  }
0x97: {  	s3 =	smov.u32 s9;
	[sflag:s10] =	ssyncadd.s32 @!p2 $0xFFFFFF80  }
0x98: {  	[tilespmem:s14], [sflag:$0x1] =	stream.indirect.gather @!p2 [hbm4b:s5+s11], $0x80, s15, s11, $0xb8;
	[tilespmem:$0x1FF00] =	vst v63  }
0x99: {  	s7 =	sadd.s32 $0x3000, s7;
	p2 =	seq.s32 s3, $0x0;
	_ =	swait.ge [sflag:s30], $0x4000  }
0x9a: {  	[sflag:s30] =	ssyncset.done $0x0  }
0x9b: {  	s8 =	simm.s32 @!p2 $0x2;
	[sflag:s30] =	ssyncadd.s32 $0xFFFFC000  }
0x9c: {  	[spmem:s2] =	stream.indirect.scatter.add.f32 [tilespmem:s29], [sflag:$0x2], $0x80, s28, s21, $0xb8;
	[tilespmem:$0x1FF00] =	vst v63  }
0x9d: {  	_ =	swait.ge @!p2 [sflag:s8], $0x4000  }
0x9e: {  	s9 =	rddreg [dreg:$0x6];
	[sflag:s8] =	ssyncset.done @!p2 $0x0  }
0x9f: {  	[sflag:s8] =	ssyncadd.s32 @!p2 $0xFFFFC000;
	s14 =	sadd.s32 s3, s9  }
0xa0: {  	[tilespmem:s26], [sflag:$0x3] =	stream.linear.gather [hbm4b:s14+s4], $0x80, $0x38;
	[tilespmem:$0x1FF00] =	vst v63  }
0xa1: {  	_ =	swait.ge [sflag:s19], $0x80  }
0xa2: {  	s15 =	rddreg [dreg:$0x7];
	[sflag:s19] =	ssyncset.done $0x0  }
0xa3: {  	[sflag:s19] =	ssyncadd.s32 $0xFFFFFF80;
	s8 =	sadd.s32 s3, s15  }
0xa4: {  	[tilespmem:s28], [sflag:$0x3] =	stream.linear.gather [hbm4b:s8+s4], $0x80, $0x38;
	[tilespmem:$0x1FF00] =	vst v63  }
0xa5: {  	_ =	swait.ge [sflag:s19], $0x80  }
0xa6: {  	[sflag:s19] =	ssyncset.done $0x0  }
0xa7: {  	[sflag:s19] =	ssyncadd.s32 $0xFFFFFF80  }
0xa8: {  	[tilespmem:s29], [sflag:$0x1] =	stream.indirect.gather [hbm4b:s5+s21], $0x80, s26, s21, $0xb8;
	[tilespmem:$0x1FF00] =	vst v63  }
0xa9: {  	_ =	swait.ge [sflag:s30], $0x4000  }
0xaa: {  	p1 =	seq.s32 s3, $0x9600;
	[sflag:s30] =	ssyncset.done $0x0  }
0xab: {  	s8 =	simm.s32 @p1 $0x1;
	[sflag:s30] =	ssyncadd.s32 $0xFFFFC000  }
0xac: {  	[spmem:s2] =	stream.indirect.scatter.add.f32 [tilespmem:s22], [sflag:$0x2], $0x80, s20, s21, $0xb8;
	[tilespmem:$0x1FF00] =	vst v63  }
0xad: {  	_ =	swait.ge @p1 [sflag:s8], $0x4000  }
0xae: {  	s10 =	simm.s32 @p1 $0x80;
	s11 =	simm.s32 @p1 $0x13E00;
	[sflag:s8] =	ssyncset.done @p1 $0x0  }
0xaf: {  	s9 =	simm.s32 @p1 $0x17F00;
	[sflag:s8] =	ssyncadd.s32 @p1 $0xFFFFC000;
	s8 =	simm.s32 @!p1 $0x2  }
0xb0: {  	[spmem:s2] =	stream.indirect.scatter.add.f32 @p1 [tilespmem:s9], [sflag:$0x2], $0x80, s11, s10, $0xb8;
	[tilespmem:$0x1FF00] =	vst v63  }
0xb1: {  	s7 =	sshrl.u32 @!p1 s7, $0x3;
	_ =	swait.ge @!p1 [sflag:s8], $0x4000  }
0xb2: {  	s12 =	simm.s32 @!p1 $0x3;
	s9 =	sadd.s32 @!p1 s1, s7;
	[sflag:s8] =	ssyncset.done @!p1 $0x0  }
0xb3: {  	s10 =	simm.s32 @!p1 $0x0;
	s11 =	simm.s32 @!p1 $0x13C00;
	[sflag:s8] =	ssyncadd.s32 @!p1 $0xFFFFC000  }
0xb4: {  	[tilespmem:s11], [sflag:$0x3] =	stream.linear.gather @!p1 [hbm4b:s9+s10], $0x80, $0x38;
	[tilespmem:$0x1FF00] =	vst v63  }
0xb5: {  	_ =	swait.ge @!p1 [sflag:s12], $0x80  }
0xb6: {  	[sflag:s12] =	ssyncset.done @!p1 $0x0  }
0xb7: {  	s7 =	sadd.s32 @!p1 s6, s7;
	s9 =	simm.s32 @!p1 $0x13D80;
	[sflag:s12] =	ssyncadd.s32 @!p1 $0xFFFFFF80  }
0xb8: {  	[tilespmem:s9], [sflag:$0x3] =	stream.linear.gather @!p1 [hbm4b:s7+s10], $0x80, $0x38;
	[tilespmem:$0x1FF00] =	vst v63  }
0xb9: {  	_ =	swait.ge @!p1 [sflag:s12], $0x80  }
0xba: {  	s13 =	simm.s32 @!p1 $0x1;
	[sflag:s12] =	ssyncset.done @!p1 $0x0  }
0xbb: {  	s7 =	simm.s32 @!p1 $0x80;
	s9 =	simm.s32 @!p1 $0x13F00;
	[sflag:s12] =	ssyncadd.s32 @!p1 $0xFFFFFF80  }
0xbc: {  	[tilespmem:s9], [sflag:$0x1] =	stream.indirect.gather @!p1 [hbm4b:s5+s7], $0x80, s11, s7, $0xb8;
	[tilespmem:$0x1FF00] =	vst v63  }
0xbd: {  	_ =	swait.ge @!p1 [sflag:s13], $0x4000  }
0xbe: {  	[sflag:s13] =	ssyncset.done @!p1 $0x0  }
0xbf: {  	s9 =	simm.s32 @!p1 $0x13E00;
	s11 =	simm.s32 @!p1 $0x17F00;
	[sflag:s13] =	ssyncadd.s32 @!p1 $0xFFFFC000  }
0xc0: {  	[spmem:s2] =	stream.indirect.scatter.add.f32 @!p1 [tilespmem:s11], [sflag:$0x2], $0x80, s9, s7, $0xb8;
	[tilespmem:$0x1FF00] =	vst v63  }
0xc1: {  	_ =	swait.ge @!p1 [sflag:s8], $0x4000  }
0xc2: {  	s13 =	rddreg [dreg:$0x5];
	[sflag:s8] =	ssyncset.done @!p1 $0x0  }
0xc3: {  	[sflag:s8] =	ssyncadd.s32 @!p1 $0xFFFFC000;
	s8 =	simm.s32 @!p1 $0x13C80;
	s13 =	sadd.s32 @!p1 s3, s13  }
0xc4: {  	[tilespmem:s8], [sflag:$0x3] =	stream.linear.gather @!p1 [hbm4b:s13+s10], $0x80, $0x38;
	[tilespmem:$0x1FF00] =	vst v63  }
0xc5: {  	_ =	swait.ge @!p1 [sflag:s12], $0x80  }
0xc6: {  	s13 =	rddreg [dreg:$0x4];
	[sflag:s12] =	ssyncset.done @!p1 $0x0  }
0xc7: {  	s3 =	sadd.s32 @!p1 s3, s13;
	[sflag:s12] =	ssyncadd.s32 @!p1 $0xFFFFFF80  }
0xc8: {  	[tilespmem:s9], [sflag:$0x3] =	stream.linear.gather @!p1 [hbm4b:s3+s10], $0x80, $0x38;
	[tilespmem:$0x1FF00] =	vst v63  }
0xc9: {  	_ =	swait.ge @!p1 [sflag:s12], $0x80  }
0xca: {  	[sflag:s12] =	ssyncset.done @!p1 $0x0  }
0xcb: {  	[sflag:s12] =	ssyncadd.s32 @!p1 $0xFFFFFF80  }
0xcc: {  	[tilespmem:s11], [sflag:$0x1] =	stream.indirect.gather @!p1 [hbm4b:s5+s7], $0x80, s8, s7, $0xb8;
	[tilespmem:$0x1FF00] =	vst v63  }
0xcd: {  	_ =	swait.ge [sflag:s30], $0x4000  }
0xce: {  	[sflag:s30] =	ssyncset.done $0x0  }
0xcf: {  	[sflag:s30] =	ssyncadd.s32 $0xFFFFC000  }
0xd0: {  	[spmem:s2] =	stream.indirect.scatter.add.f32 [tilespmem:s29], [sflag:$0x2], $0x80, s28, s21, $0xb8;
	[tilespmem:$0x1FF00] =	vst v63  }
0xd1: {  	_ =	swait.ge [sflag:s31], $0x4000  }
0xd2: {  	[sflag:s31] =	ssyncset.done $0x0  }
0xd3: {  	[sflag:s31] =	ssyncadd.s32 $0xFFFFC000  }
0xd4: {  	_ =	swait.ge [sflag:s31], $0x4000  }
0xd5: {  	[sflag:s31] =	ssyncset.done $0x0  }
0xd6: {  	[sflag:s31] =	ssyncadd.s32 $0xFFFFC000  }
0xd7: {  	_ =	swait.ge [sflag:s31], $0x4000  }
0xd8: {  	s3 =	simm.s32 @!p0 $0x0;
	[sflag:s31] =	ssyncset.done $0x0  }
0xd9: {  	s7 =	simm.s32 @!p0 $0x13C00;
	s8 =	rddreg [dreg:$0xe];
	[sflag:s31] =	ssyncadd.s32 $0xFFFFC000  }
0xda: {  	[tilespmem:s7], [sflag:$0x3] =	stream.linear.gather @!p0 [hbm4b:s8+s3], $0x80, $0x38;
	[tilespmem:$0x1FF00] =	vst v63  }
0xdb: {  	s8 =	simm.s32 @!p0 $0x3  }
0xdc: {  	_ =	swait.ge @!p0 [sflag:s8], $0x80  }
0xdd: {  	[sflag:s8] =	ssyncset.done @!p0 $0x0  }
0xde: {  	s9 =	simm.s32 @!p0 $0x13D80;
	s10 =	rddreg [dreg:$0xf];
	[sflag:s8] =	ssyncadd.s32 @!p0 $0xFFFFFF80  }
0xdf: {  	[tilespmem:s9], [sflag:$0x3] =	stream.linear.gather @!p0 [hbm4b:s10+s3], $0x80, $0x38;
	[tilespmem:$0x1FF00] =	vst v63  }
0xe0: {  	_ =	swait.ge @!p0 [sflag:s8], $0x80  }
0xe1: {  	[sflag:s8] =	ssyncset.done @!p0 $0x0  }
0xe2: {  	s3 =	simm.s32 @!p0 $0x80;
	s10 =	simm.s32 @!p0 $0x13F00;
	[sflag:s8] =	ssyncadd.s32 @!p0 $0xFFFFFF80  }
0xe3: {  	[tilespmem:s10], [sflag:$0x1] =	stream.indirect.gather @!p0 [hbm4b:s5+s3], $0x80, s7, s3, $0xb8;
	[tilespmem:$0x1FF00] =	vst v63  }
0xe4: {  	s7 =	simm.s32 @!p0 $0x1  }
0xe5: {  	_ =	swait.ge @!p0 [sflag:s7], $0x4000  }
0xe6: {  	[sflag:s7] =	ssyncset.done @!p0 $0x0  }
0xe7: {  	[sflag:s7] =	ssyncadd.s32 @!p0 $0xFFFFC000  }
0xe8: {  	[spmem:s2] =	stream.indirect.scatter.add.f32 @!p0 [tilespmem:s10], [sflag:$0x3], $0x80, s9, s3, $0xb8;
	[tilespmem:$0x1FF00] =	vst v63  }
0xe9: {  	_ =	swait.ge @!p0 [sflag:s8], $0x4000  }
0xea: {  	[sflag:s8] =	ssyncset.done @!p0 $0x0  }
0xeb: {  	s0 =	sadd.s32 $0x1, s0;
	[sflag:s8] =	ssyncadd.s32 @!p0 $0xFFFFC000  }
0xec: {  	p1 =	sne.s32 s0, s16;
	[bflag:$0x0] =	sbarrier.arrive $0xFFFF  }
.Ltmp1:
0xed: {  	s18 =	rddreg [dreg:$0x10];
	(pc) =	sbr.rel @p1 .LBB2_1-.Ltmp1, $4  }
0xee: {  	[hbm:s18], [sflag:s24] =	dma.local [spmem:s25], $0x2780  }
0xef: {  	_ =	swait.ge [sflag:s19], $0x2780  }
0xf0: {  	[sflag:s19] =	ssyncset.done $0x0  }
0xf1: {  	[sflag:s19] =	ssyncadd.s32 $0xFFFFD880  }
0xf2: {  	_ =	sfence.sel $0x180000  }
0xf3: {  	[bflag:$0x0] =	sbarrier.arrive $0xFFFF  }
0xf4: {  	_ =	strace $0x9000004D  }
0xf5: {  	s0 =	stileid.u32;
	[bflag:$0x2] =	sbarrier.arrive $0xFFFF  }
0xf6: {  	p0 =	sne.s32 s0, $0x0;
	s0 =	rddreg [dreg:$0x3]  }
0xf7: {  	s0 =	sadd.s32 @!p0 $0x100000, s0  }
0xf8: {  	[sflag:s0] =	ssyncadd.tile.s32 @!p0 $0x1;
	_ =	shalt  }
.Lfunc_end2:
_tile_overlayer_lowered:
.L_overlay_start_2:
0xf9: {  	(tag) =	ssettag $0x2  }
0xfa: {  	s0 =	rddreg [dreg:$0x0];
	s2 =	stileid.u32  }
0xfb: {  	s1 =	rddreg [dreg:$0x1];
	p0 =	sne.s32 s2, $0x0  }
0xfc: {  	s3 =	rddreg [dreg:$0x2];
	[bflag:$0x3] =	sbarrier.arrive $0xFFFF;
	s2 =	simm.s32 @!p0 $0x1C03  }
0xfd: {  	[timem:s3], [sflag:s2] =	dma.local @!p0 [hbm:s0], s1  }
0xfe: {  	s0 =	simm.s32 @!p0 $0x3  }
0xff: {  	_ =	swait.ge @!p0 [sflag:s0], s1  }
0x100: {  	s1 =	ssub.s32 @!p0 $0x0, s1;
	[sflag:s0] =	ssyncset.done @!p0 $0x0  }
0x101: {  	[sflag:s0] =	ssyncadd.s32 @!p0 s1  }
0x102: {  	[bflag:$0x3] =	sbarrier.arrive $0xFFFF  }
0x103: {  	_ =	shalt  }

// kernel: kernel.8.cloned.1.call-start
scs
__scs_entry_jumppad:
0x0: {  	(pc) =	sbr.rel $0x88, $3  }
0x1: {  	(tag) =	ssettag $0x0;
	lr =	simm.s32 $0x1  }
0x2: {  	[smem:$0x3F9B] =	sst lr;
	_ =	strace $0xD0000000  }
0x3: {  	_ = 	snop  }
0x4: {  	_ = 	snop  }
0x5: {  	_ = 	snop  }
0x6: {  	_ = 	snop  }
0x7: {  	_ = 	snop  }
__scs_overlays_trampoline_lowered:
0x8: {  	[smem:$0x3FAA] =	sst s0  }
0x9: {  	[smem:$0x3FAB] =	sst s1  }
0xa: {  	[smem:$0x3FAC] =	sst s2  }
0xb: {  	[smem:$0x3FAD] =	sst s3  }
0xc: {  	[smem:$0x3FAE] =	sst s4  }
0xd: {  	[smem:$0x3FAF] =	sst s5  }
0xe: {  	[smem:$0x3FB0] =	sst s6  }
0xf: {  	[smem:$0x3FB1] =	sst s7  }
0x10: {  	[smem:$0x3FB2] =	sst s8  }
0x11: {  	[smem:$0x3FB3] =	sst s9;
	s0 =	simm.s32 @!p0 $0x0  }
0x12: {  	s1 =	sld [smem:$0x3F99];
	s0 =	simm.s32 @p0 $0x1  }
0x13: {  	[smem:$0x3FB4] =	sst s0;
	s0 =	simm.s32 @!p1 $0x0  }
0x14: {  	s2 =	sld [smem:$0x3F98];
	s0 =	simm.s32 @p1 $0x1  }
0x15: {  	[smem:$0x3FB5] =	sst s0;
	s0 =	simm.s32 @!p2 $0x0  }
0x16: {  	s3 =	sld [smem:$0x3FDB];
	s0 =	simm.s32 @p2 $0x1  }
0x17: {  	s4 =	simm.s32 $0x1BF5;
	[smem:$0x3FB7] =	sst s0  }
0x18: {  	s0 =	sld [smem:$0x3F9A];
	_ =	swait.ge [sflag:s4], $0x0  }
0x19: {  	s7 =	sld [smem:$0x3F9B]  }
0x1a: {  	s8 =	sadd.s32 $0xFFFFE003, lr  }
0x1b: {  	s9 =	sadd.s32 $0xFFFFFEF7, lr;
	s5 =	simm.s32 $0xFFFFFFFF;
	p2 =	slt.u32 s8, $0xFFFFF086  }
0x1c: {  	p1 =	slt.u32 s9, $0xF7A;
	s5 =	simm.s32 @!p2 $0x0  }
0x1d: {  	s5 =	simm.s32 @p1 $0x1;
	p0 =	seq.s32 s7, s2  }
0x1e: {  	s7 =	smul.u32 @!p0 $0xF7A, s2;
	p2 =	seq.s32 @!p0 s5, $0x0  }
0x1f: {  	s9 =	smul.u32 $0xF7A, s1;
	s8 =	simm.s32 @!p0 $0x1BF5;
	p2 =	por !p2, p0  }
0x20: {  	[sflag:s8] =	ssyncset.s32 @!p0 $0xFFFFF086;
	s6 =	sadd.s32 @!p0 s3, s7;
	s7 =	simm.s32 @!p0 $0x108  }
0x21: {  	s3 =	sadd.s32 s3, s9;
	s6 =	sadd.s32 @!p0 $0x88, s6;
	s7 =	simm.s32 @p2 $0x1082  }
0x22: {  	[simem:s7], [sflag:s8] =	dma.local @!p0 [hbm:s6], $0xF7A  }
0x23: {  	s9 =	sor.u32 $0xD0000000, s2;
	s6 =	simm.s32 $0x108;
	_ =	swait.ge @!p0 [sflag:s8], $0x0  }
0x24: {  	s3 =	sadd.s32 $0x88, s3;
	s6 =	simm.s32 @!p1 $0x1082;
	[sflag:s4] =	ssyncset.s32 $0xFFFFF086  }
0x25: {  	[simem:s6], [sflag:s4] =	dma.local [hbm:s3], $0xF7A  }
0x26: {  	[smem:$0x3F9B] =	sst s1;
	(tag) =	ssettag s2;
	_ =	strace s9  }
0x27: {  	s1 =	sld [smem:$0x3FAB]  }
0x28: {  	s2 =	sld [smem:$0x3FAC]  }
0x29: {  	s4 =	sld [smem:$0x3FAE]  }
0x2a: {  	p0 =	seq.s32 s5, $0x0;
	s5 =	sld [smem:$0x3FAF]  }
0x2b: {  	s6 =	sld [smem:$0x3FB0]  }
0x2c: {  	s7 =	sld [smem:$0x3FB1]  }
0x2d: {  	s3 =	simm.s32 $0x108;
	s8 =	sld [smem:$0x3FB2]  }
0x2e: {  	s3 =	simm.s32 @!p0 $0x1082;
	s9 =	sld [smem:$0x3FB3]  }
0x2f: {  	lr =	sadd.s32 s0, s3;
	s0 =	sld [smem:$0x3FAA]  }
0x30: {  	s3 =	sld [smem:$0x3FAD]  }
0x31: {  	[smem:$0x3FB6] =	sst s10  }
0x32: {  	s10 =	sld [smem:$0x3FB4];
	_ =	sdelay $0x3  }
0x33: {  	p0 =	seq.s32 s10, $0x1;
	s10 =	sld [smem:$0x3FB6];
	_ =	sdelay $0x3  }
0x34: {  	[smem:$0x3FB6] =	sst s10  }
0x35: {  	s10 =	sld [smem:$0x3FB5];
	_ =	sdelay $0x3  }
0x36: {  	p1 =	seq.s32 s10, $0x1;
	s10 =	sld [smem:$0x3FB6];
	_ =	sdelay $0x3  }
0x37: {  	[smem:$0x3FB6] =	sst s10  }
0x38: {  	s10 =	sld [smem:$0x3FB7]  }
0x39: {  	_ = 	snop;
	(pc) =	sbr.ind lr, $3  }
0x3a: {  	_ = 	snop  }
0x3b: {  	_ = 	snop  }
0x3c: {  	p2 =	seq.s32 s10, $0x1;
	s10 =	sld [smem:$0x3FB6]  }
0x3d: {  	_ =	shalt  }
0x3e: {  	_ =	shalt  }
0x3f: {  	_ =	shalt  }
0x40: {  	_ =	shalt  }
0x41: {  	_ =	shalt  }
0x42: {  	_ =	shalt  }
0x43: {  	_ =	shalt  }
0x44: {  	_ =	shalt  }
0x45: {  	_ =	shalt  }
0x46: {  	_ =	shalt  }
0x47: {  	_ =	shalt  }
0x48: {  	_ =	shalt  }
0x49: {  	_ =	shalt  }
0x4a: {  	_ =	shalt  }
0x4b: {  	_ =	shalt  }
0x4c: {  	_ =	shalt  }
0x4d: {  	_ =	shalt  }
0x4e: {  	_ =	shalt  }
0x4f: {  	_ =	shalt  }
0x50: {  	_ =	shalt  }
0x51: {  	_ =	shalt  }
0x52: {  	_ =	shalt  }
0x53: {  	_ =	shalt  }
0x54: {  	_ =	shalt  }
0x55: {  	_ =	shalt  }
0x56: {  	_ =	shalt  }
0x57: {  	_ =	shalt  }
0x58: {  	_ =	shalt  }
0x59: {  	_ =	shalt  }
0x5a: {  	_ =	shalt  }
0x5b: {  	_ =	shalt  }
0x5c: {  	_ =	shalt  }
0x5d: {  	_ =	shalt  }
0x5e: {  	_ =	shalt  }
0x5f: {  	_ =	shalt  }
0x60: {  	_ =	shalt  }
0x61: {  	_ =	shalt  }
0x62: {  	_ =	shalt  }
0x63: {  	_ =	shalt  }
0x64: {  	_ =	shalt  }
0x65: {  	_ =	shalt  }
0x66: {  	_ =	shalt  }
0x67: {  	_ =	shalt  }
0x68: {  	_ =	shalt  }
0x69: {  	_ =	shalt  }
0x6a: {  	_ =	shalt  }
0x6b: {  	_ =	shalt  }
0x6c: {  	_ =	shalt  }
0x6d: {  	_ =	shalt  }
0x6e: {  	_ =	shalt  }
0x6f: {  	_ =	shalt  }
0x70: {  	_ =	shalt  }
0x71: {  	_ =	shalt  }
0x72: {  	_ =	shalt  }
0x73: {  	_ =	shalt  }
0x74: {  	_ =	shalt  }
0x75: {  	_ =	shalt  }
0x76: {  	_ =	shalt  }
0x77: {  	_ =	shalt  }
0x78: {  	_ =	shalt  }
0x79: {  	_ =	shalt  }
0x7a: {  	_ =	shalt  }
0x7b: {  	_ =	shalt  }
0x7c: {  	_ =	shalt  }
0x7d: {  	_ =	shalt  }
0x7e: {  	_ =	shalt  }
0x7f: {  	_ =	shalt  }
0x80: {  	_ =	shalt  }
0x81: {  	_ =	shalt  }
0x82: {  	_ =	shalt  }
0x83: {  	_ =	shalt  }
0x84: {  	_ =	shalt  }
0x85: {  	_ =	shalt  }
0x86: {  	_ =	shalt  }
0x87: {  	_ =	shalt  }
.Lfunc_end0:
.L_simem_size_0:
called_computation_lowered:
.L_overlay_start_0:
0x88: {  	s2 =	sld [smem:$0x3FD9]  }
0x89: {  	s3 =	sld [smem:$0x3FFE];
	_ =	sdelay $0x1  }
0x8a: {  	s1 =	srdreg.scid  }
0x8b: {  	s0 =	sand.u32 $0x1, s1  }
0x8c: {  	s16 =	sshll.u32 s0, $0xA;
	s2 =	sadd.s32 s3, s2  }
0x8d: {  	s2 =	sadd.s32 s2, s16  }
0x8e: {  	[smem:$0x3FC2] =	sst s2  }
0x8f: {  	_ = 	snop  }
0x90: {  	(tm) =	ssettm $0x1  }
0x91: {  	s17 =	sld [smem:$0x3FFB];
	_ =	sdelay $0x3  }
0x92: {  	_ =	strace s17  }
0x93: {  	s2 =	sld [smem:$0x3FFC];
	_ =	sdelay $0x3  }
0x94: {  	_ =	strace s2  }
0x95: {  	s2 =	sld [smem:$0x3FFD];
	_ =	sdelay $0x3  }
0x96: {  	_ =	strace s2  }
0x97: {  	_ =	strace $0x8FFFFFFF  }
0x98: {  	s18 =	sld [smem:$0x3FDB];
	_ =	sdelay $0x1  }
0x99: {  	s19 =	simm.s32 $_scs_section_size  }
0x9a: {  	s4 =	simm.s32 $_size__tile_overlayer_lowered;
	s5 =	simm.s32 $_tile_overlayer_lowered  }
0x9b: {  	s22 =	simm.s32 $0x1BFF;
	s21 =	sshll.u32 s5, $0x1;
	s2 =	sadd.s32 s19, s18  }
0x9c: {  	s6 =	simm.s32 $0x0;
	s20 =	sshll.u32 s4, $0x1;
	s4 =	sadd.s32 s21, s2  }
0x9d: {  	[timem:s6], [sflag:s22] =	dma.local [hbm:s4], s20  }
0x9e: {  	_ =	swait.ge [sflag:s22], s20  }
0x9f: {  	s3 =	ssub.s32 $0x0, s20;
	[sflag:s22] =	ssyncset.done $0x0  }
0xa0: {  	[sflag:s22] =	ssyncadd.s32 s3;
	_ =	sdelay $0x1  }
0xa1: {  	s23 =	simm.s32 $0x1B8B  }
0xa2: {  	_ =	swait.ge [sflag:s23], $0x1  }
0xa3: {  	[sflag:s23] =	ssyncset.done $0x0  }
0xa4: {  	s25 =	simm.s32 $0x1B8E;
	s24 =	sld [smem:$0x3FFE];
	[sflag:s23] =	ssyncadd.s32 $0xFFFFFFFF  }
0xa5: {  	s26 =	simm.s32 $execute0_lowered;
	[smem:$0x3FD2] =	sst s25  }
0xa6: {  	s4 =	sshll.u32 s26, $0x1;
	_ =	strace $0x80000046;
	[dreg:$0x1] =	wrdreg $0xFFFFFFFF  }
0xa7: {  	s28 =	simm.s32 $_size_execute0_lowered;
	s2 =	sadd.s32 s2, s4;
	[dreg:$0x0] =	wrdreg $0x0  }
0xa8: {  	s4 =	sshll.u32 s28, $0x1;
	[dreg:$0x2] =	wrdreg s2  }
0xa9: {  	[dreg:$0x3] =	wrdreg s4  }
0xaa: {  	[dreg:$0x4] =	wrdreg $0xC0  }
0xab: {  	_ =	task [dreg:s6], $0x5FFFF  }
0xac: {  	[dreg:$0x1] =	wrdreg $0xFFFFFFFF  }
0xad: {  	[dreg:$0x0] =	wrdreg $0x60  }
0xae: {  	[dreg:$0x2] =	wrdreg s24  }
0xaf: {  	[dreg:$0x3] =	wrdreg $0x0  }
0xb0: {  	[dreg:$0x4] =	wrdreg $0x9  }
0xb1: {  	_ =	task.clear_ibuf [dreg:s6], $0x5FFFF;
	_ =	strace $0x90000046  }
0xb2: {  	s29 =	simm.s32 $0x9;
	_ =	strace $0x80000048  }
0xb3: {  	_ =	swait.ge [sflag:s29], $0x1  }
0xb4: {  	[sflag:s29] =	ssyncadd.s32 $0xFFFFFFFF  }
0xb5: {  	_ =	strace $0x90000048  }
0xb6: {  	_ =	sfence  }
0xb7: {  	s30 =	sld [smem:$0x0];
	_ =	sdelay $0x2  }
0xb8: {  	s31 =	sshll.u32 s1, $0xD;
	s1 =	sshrl.u32 s1, $0x2  }
0xb9: {  	s3 =	sand.u32 $0x4000, s31;
	s1 =	sadd.s32 s1, s30  }
0xba: {  	s0 =	sor.u32 s3, s0;
	s1 =	sshll.u32 s1, $0x11  }
0xbb: {  	s0 =	sor.u32 s1, s0  }
0xbc: {  	s0 =	sadd.s32 $0x8F2B, s0  }
0xbd: {  	[sflag:s0] =	ssyncadd.remote.s32 $0x1  }
0xbe: {  	_ =	sfence.sel $0xFFFF  }
0xbf: {  	[dreg:$0x0] =	wrdreg $0xFFFFFFFF;
	(pc) =	sbr.abs _section_cstart, $3  }
0xc0: {  	[dreg:$0x1] =	wrdreg $0xFFFFFFFF  }
0xc1: {  	_ =	task.clear_ibuf [dreg:s6], $0x2FFFF;
	_ =	strace $0x9FFFFFFF  }
0xc2: {  	(tm) =	ssettm $0x7FFFFFFF  }
0xc3: {  	_ =	shalt  }
tec
execute0_lowered:
.L_overlay_start_1:
0x0: {  	(tag) =	ssettag $0x1  }
0x1: {  	s1 =	srdreg.scid;
	s5 =	rddreg [dreg:$0x0]  }
0x2: {  	s0 =	stileid.u32;
	s2 =	rddreg [dreg:$0x1];
	s3 =	simm.s32 $0x0  }
0x3: {  	s14 =	simm.s32 $0x280;
	s15 =	simm.s32 $0x80;
	s16 =	simm.s32 $0x380  }
0x4: {  	s17 =	simm.s32 $0x300;
	s18 =	simm.s32 $0x1;
	s19 =	simm.s32 $0x0  }
0x5: {  	s6 =	sand.u32 $0x1, s1;
	s7 =	smul.u32 $0x280, s0;
	s1 =	rddreg [dreg:$0x2]  }
0x6: {  	[smem:$0x7FF] =	sst s3;
	s9 =	sadd.s32 $0x1C00, s5;
	s11 =	sshll.u32 s0, $0x5  }
0x7: {  	s31 =	sshll.u32 s0, $0x6;
	p0 =	sgt.u32 s0, $0x1;
	s4 =	smul.u32 $0x2800, s6  }
0x8: {  	_ =	strace $0x80000047;
	s30 =	ssub.s32 $0x2, s6;
	s12 =	sshll.u32 s6, $0x4  }
0x9: {  	s10 =	sshrl.u32 s30, $0x1;
	s6 =	sor.u32 s12, s11;
	s13 =	sadd.s32 s7, s2  }
0xa: {  	s11 =	sadd.s32 s11, s9;
	s4 =	sadd.s32 s7, s4;
	s10 =	ssub.s32 s30, s10  }
0xb: {  	s6 =	sadd.s32 s9, s6;
	s11 =	sadd.s32 s12, s11;
	s12 =	sshrl.u32 s13, $0x3  }
0xc: {  	s13 =	simm.s32 $0x2;
	s8 =	sshrl.u32 s4, $0x3;
	s4 =	sadd.s32 $0xBA00, s5  }
0xd: {  	s7 =	sadd.s32 $0x9C00, s6;
	s9 =	smax.u32 s10, $0x1;
	s8 =	sadd.s32 s8, s5  }
0xe: {  	v0 =	vimm.f32 $1.000000000e+00;
	s10 =	sadd.s32 $0x200, s6;
	s5 =	sor.u32 $0x1C02, s31;
	s8 =	sadd.s32 $0xBC00, s8  }
.LBB2_1:
0xf: {  	[spmem:s12], [sflag:s5] =	dma.local [hbm:s4], $0x50  }
0x10: {  	_ =	swait.ge [sflag:s13], $0x50  }
0x11: {  	[sflag:s13] =	ssyncset.done $0x0  }
0x12: {  	[sflag:s13] =	ssyncadd.s32 $0xFFFFFFB0  }
0x13: {  	[tilespmem:$0x380] =	vst v0  }
0x14: {  	[tilespmem:$0x390] =	vst v0  }
0x15: {  	[tilespmem:$0x3A0] =	vst v0  }
0x16: {  	[tilespmem:$0x3B0] =	vst v0  }
0x17: {  	[tilespmem:$0x3C0] =	vst v0  }
0x18: {  	[tilespmem:$0x3D0] =	vst v0  }
0x19: {  	[tilespmem:$0x3E0] =	vst v0  }
0x1a: {  	[tilespmem:$0x3F0] =	vst v0  }
0x1b: {  	[bflag:$0x0] =	sbarrier.arrive $0xFFFF  }
0x1c: {  	[tilespmem:s14], [sflag:$0x2] =	stream.linear.gather [hbm4b:s6+s3], $0x80, $0x38;
	[tilespmem:$0x400] =	vst v63  }
0x1d: {  	_ =	swait.ge [sflag:s13], $0x80  }
0x1e: {  	[sflag:s13] =	ssyncset.done $0x0  }
0x1f: {  	[sflag:s13] =	ssyncadd.s32 $0xFFFFFF80  }
0x20: {  	[spmem:s2] =	stream.indirect.scatter.add.f32 [tilespmem:s16], [sflag:$0x1], $0x1, s14, s15, $0xb8;
	[tilespmem:$0x400] =	vst v63  }
0x21: {  	_ = 	snop  }
0x22: {  	[tilespmem:s17], [sflag:$0x2] =	stream.linear.gather [hbm4b:s10+s3], $0x80, $0x38;
	[tilespmem:$0x400] =	vst v63  }
0x23: {  	_ =	swait.ge [sflag:s13], $0x80  }
0x24: {  	[sflag:s13] =	ssyncset.done $0x0  }
0x25: {  	[sflag:s13] =	ssyncadd.s32 $0xFFFFFF80  }
0x26: {  	[spmem:s2] =	stream.indirect.scatter.add.f32 [tilespmem:s16], [sflag:$0x1], $0x1, s17, s15, $0xb8;
	[tilespmem:$0x400] =	vst v63  }
0x27: {  	_ =	swait.ge [sflag:s18], $0x80  }
0x28: {  	s20 =	sadd.s32 $0xFFFF6800, s11;
	[sflag:s18] =	ssyncset.done $0x0  }
0x29: {  	s21 =	sadd.s32 $0x9C00, s20;
	[sflag:s18] =	ssyncadd.s32 $0xFFFFFF80  }
0x2a: {  	[tilespmem:s14], [sflag:$0x2] =	stream.linear.gather [hbm4b:s21+s3], $0x80, $0x38;
	[tilespmem:$0x400] =	vst v63  }
0x2b: {  	_ =	swait.ge [sflag:s13], $0x80  }
0x2c: {  	[sflag:s13] =	ssyncset.done $0x0  }
0x2d: {  	[sflag:s13] =	ssyncadd.s32 $0xFFFFFF80  }
0x2e: {  	[spmem:s2] =	stream.indirect.scatter.add.f32 [tilespmem:s16], [sflag:$0x1], $0x1, s14, s15, $0xb8;
	[tilespmem:$0x400] =	vst v63  }
0x2f: {  	_ =	swait.ge [sflag:s18], $0x80  }
0x30: {  	[sflag:s18] =	ssyncset.done $0x0  }
0x31: {  	s20 =	sadd.s32 $0x9E00, s20;
	[sflag:s18] =	ssyncadd.s32 $0xFFFFFF80  }
0x32: {  	[tilespmem:s17], [sflag:$0x2] =	stream.linear.gather [hbm4b:s20+s3], $0x80, $0x38;
	[tilespmem:$0x400] =	vst v63  }
0x33: {  	_ =	swait.ge [sflag:s13], $0x80  }
0x34: {  	[sflag:s13] =	ssyncset.done $0x0  }
0x35: {  	s20 =	simm.s32 $0xFFFF6C00;
	[sflag:s13] =	ssyncadd.s32 $0xFFFFFF80  }
.LBB2_2:
0x36: {  	[spmem:s2] =	stream.indirect.scatter.add.f32 [tilespmem:s16], [sflag:$0x1], $0x1, s17, s15, $0xb8;
	[tilespmem:$0x400] =	vst v63  }
0x37: {  	s21 =	smov.u32 s20  }
0x38: {  	p1 =	sne.s32 s20, $0xFFFFFC00;
	s20 =	sadd.s32 $0x400, s20;
	_ =	swait.ge [sflag:s18], $0x80  }
0x39: {  	s21 =	sadd.s32 s21, s11;
	[sflag:s18] =	ssyncset.done $0x0  }
0x3a: {  	s22 =	sadd.s32 $0x9C00, s21;
	[sflag:s18] =	ssyncadd.s32 $0xFFFFFF80  }
0x3b: {  	[tilespmem:s14], [sflag:$0x2] =	stream.linear.gather [hbm4b:s22+s3], $0x80, $0x38;
	[tilespmem:$0x400] =	vst v63  }
0x3c: {  	_ =	swait.ge [sflag:s13], $0x80  }
0x3d: {  	[sflag:s13] =	ssyncset.done $0x0  }
0x3e: {  	[sflag:s13] =	ssyncadd.s32 $0xFFFFFF80  }
0x3f: {  	[spmem:s2] =	stream.indirect.scatter.add.f32 [tilespmem:s16], [sflag:$0x1], $0x1, s14, s15, $0xb8;
	[tilespmem:$0x400] =	vst v63  }
0x40: {  	_ =	swait.ge [sflag:s18], $0x80  }
0x41: {  	[sflag:s18] =	ssyncset.done $0x0  }
.Ltmp0:
0x42: {  	s21 =	sadd.s32 $0x9E00, s21;
	[sflag:s18] =	ssyncadd.s32 $0xFFFFFF80;
	(pc) =	sbr.rel @p1 .LBB2_2-.Ltmp0, $4  }
0x43: {  	[tilespmem:s17], [sflag:$0x2] =	stream.linear.gather [hbm4b:s21+s3], $0x80, $0x38;
	[tilespmem:$0x400] =	vst v63  }
0x44: {  	_ =	swait.ge [sflag:s13], $0x80  }
0x45: {  	[sflag:s13] =	ssyncset.done $0x0  }
0x46: {  	[sflag:s13] =	ssyncadd.s32 $0xFFFFFF80  }
0x47: {  	[spmem:s2] =	stream.indirect.scatter.add.f32 [tilespmem:s16], [sflag:$0x1], $0x1, s17, s15, $0xb8;
	[tilespmem:$0x400] =	vst v63  }
0x48: {  	_ =	swait.ge [sflag:s18], $0x80  }
0x49: {  	[sflag:s18] =	ssyncset.done $0x0  }
0x4a: {  	[sflag:s18] =	ssyncadd.s32 $0xFFFFFF80  }
0x4b: {  	_ =	swait.ge [sflag:s18], $0x80  }
0x4c: {  	[sflag:s18] =	ssyncset.done $0x0  }
0x4d: {  	s20 =	simm.s32 @!p0 $0x0;
	s21 =	simm.s32 @!p0 $0x280;
	[sflag:s18] =	ssyncadd.s32 $0xFFFFFF80  }
0x4e: {  	[tilespmem:s21], [sflag:$0x2] =	stream.linear.gather @!p0 [hbm4b:s7+s20], $0x80, $0x38;
	[tilespmem:$0x400] =	vst v63  }
0x4f: {  	s20 =	simm.s32 @!p0 $0x2  }
0x50: {  	_ =	swait.ge @!p0 [sflag:s20], $0x80  }
0x51: {  	[sflag:s20] =	ssyncset.done @!p0 $0x0  }
0x52: {  	s22 =	simm.s32 @!p0 $0x80;
	s23 =	simm.s32 @!p0 $0x380;
	[sflag:s20] =	ssyncadd.s32 @!p0 $0xFFFFFF80  }
0x53: {  	[spmem:s2] =	stream.indirect.scatter.add.f32 @!p0 [tilespmem:s23], [sflag:$0x2], $0x1, s21, s22, $0xb8;
	[tilespmem:$0x400] =	vst v63  }
0x54: {  	_ =	swait.ge @!p0 [sflag:s20], $0x80  }
0x55: {  	s19 =	sadd.s32 $0x1, s19;
	[sflag:s20] =	ssyncset.done @!p0 $0x0  }
0x56: {  	p1 =	sne.s32 s19, s9;
	[sflag:s20] =	ssyncadd.s32 @!p0 $0xFFFFFF80  }
.Ltmp1:
0x57: {  	[bflag:$0x0] =	sbarrier.arrive $0xFFFF;
	(pc) =	sbr.rel @p1 .LBB2_1-.Ltmp1, $4  }
0x58: {  	[hbm:s8], [sflag:s5] =	dma.local [spmem:s12], $0x50  }
0x59: {  	_ =	swait.ge [sflag:s13], $0x50  }
0x5a: {  	[sflag:s13] =	ssyncset.done $0x0  }
0x5b: {  	[sflag:s13] =	ssyncadd.s32 $0xFFFFFFB0  }
0x5c: {  	_ =	sfence.sel $0x180000  }
0x5d: {  	[bflag:$0x0] =	sbarrier.arrive $0xFFFF  }
0x5e: {  	p0 =	sne.s32 s0, $0x0;
	_ =	strace $0x90000047  }
0x5f: {  	s0 =	sadd.s32 @!p0 $0x100000, s1;
	[bflag:$0x2] =	sbarrier.arrive $0xFFFF  }
0x60: {  	[sflag:s0] =	ssyncadd.tile.s32 @!p0 $0x1;
	_ =	shalt  }
.Lfunc_end2:
_tile_overlayer_lowered:
.L_overlay_start_2:
0x61: {  	(tag) =	ssettag $0x2  }
0x62: {  	s0 =	rddreg [dreg:$0x0];
	s2 =	stileid.u32  }
0x63: {  	s1 =	rddreg [dreg:$0x1];
	p0 =	sne.s32 s2, $0x0  }
0x64: {  	s3 =	rddreg [dreg:$0x2];
	[bflag:$0x3] =	sbarrier.arrive $0xFFFF;
	s2 =	simm.s32 @!p0 $0x1C02  }
0x65: {  	[timem:s3], [sflag:s2] =	dma.local @!p0 [hbm:s0], s1  }
0x66: {  	s0 =	simm.s32 @!p0 $0x2  }
0x67: {  	_ =	swait.ge @!p0 [sflag:s0], s1  }
0x68: {  	s1 =	ssub.s32 @!p0 $0x0, s1;
	[sflag:s0] =	ssyncset.done @!p0 $0x0  }
0x69: {  	[sflag:s0] =	ssyncadd.s32 @!p0 s1  }
0x6a: {  	[bflag:$0x3] =	sbarrier.arrive $0xFFFF  }
0x6b: {  	_ =	shalt  }

</sc_bundles>
